<compile_context>
chip_gen: v7x
topology: tpu7x:2x2x1
jax: 0.10.2.dev20260603
libtpu: 0.0.44.dev20260713+nightly
codegen_flags: <defaults>
</compile_context>

<pallas_src>
import functools

import jax
import jax.numpy as jnp
from jax import lax
from jax.experimental import pallas as pl
from jax.experimental.pallas import tpu as pltpu
from jax.experimental.pallas import tpu_sc as plsc

N = 10000
E = 160000
DIN = 256
H = 512
NQ = 4
QW = 128
NT = 16
CHUNK = 128
CPT = 79
EPAD = NT * CPT * CHUNK
NSL = 10240
ZPT = NSL // NT
DW = 128
MB = 1000

_SC_MESH = plsc.VectorSubcoreMesh(core_axis_name="c", subcore_axis_name="s")


def _zero_vec():
    return jnp.zeros((16,), jnp.float32)


@functools.partial(
    pl.kernel,
    out_type=jax.ShapeDtypeStruct((2, NSL, DW), jnp.float32),
    mesh=_SC_MESH,
    scratch_types=[
        pltpu.VMEM((CPT, CHUNK), jnp.int32),
        pltpu.VMEM((CHUNK, DW), jnp.float32),
        pltpu.VMEM((CHUNK, DW), jnp.float32),
        pltpu.VMEM_SHARED((NSL, DW), jnp.float32),
    ],
)
def _hist_part(dst_hbm, part_hbm, dbuf, ones_b, sbuf, hist_sh):
    c = lax.axis_index("c")
    s = lax.axis_index("s")
    one = jnp.ones((16,), jnp.float32)

    def fo(i, carry):
        for l in range(DW // 16):
            ones_b[i, pl.ds(l * 16, 16)] = one
            sbuf[i, pl.ds(l * 16, 16)] = _zero_vec()
        return carry

    lax.fori_loop(0, CHUNK, fo, 0)
    for k in range(ZPT // CHUNK):
        pltpu.sync_copy(sbuf, hist_sh.at[pl.ds(s * ZPT + k * CHUNK, CHUNK)])
    plsc.subcore_barrier()

    pltpu.sync_copy(dst_hbm.at[s], dbuf)

    def acc(i, carry):
        pltpu.sync_copy(ones_b, hist_sh.at[dbuf.at[i]], add=True)
        return carry

    lax.fori_loop(c * 40, 40 + c * (CPT - 40), acc, 0)
    plsc.subcore_barrier()

    for k in range(ZPT // CHUNK):
        pltpu.sync_copy(
            hist_sh.at[pl.ds(s * ZPT + k * CHUNK, CHUNK)],
            part_hbm.at[c, pl.ds(s * ZPT + k * CHUNK, CHUNK)],
        )


@functools.partial(
    pl.kernel,
    out_type=jax.ShapeDtypeStruct((NQ * N, QW), jnp.float32),
    mesh=_SC_MESH,
    scratch_types=[
        pltpu.VMEM((CPT, CHUNK), jnp.int32),
        pltpu.VMEM((CPT, CHUNK), jnp.int32),
        pltpu.VMEM((CHUNK, QW), jnp.float32),
        pltpu.VMEM_SHARED((NSL, QW), jnp.float32),
        pltpu.SemaphoreType.DMA,
    ],
)
def _agg(src_hbm, dst_hbm, hws_hbm, agg_hbm, isrc, idst, rows, slab, sem):
    c = lax.axis_index("c")
    s = lax.axis_index("s")
    rbase = s * ZPT

    for sub in range(2):
        q = c * 2 + sub

        def zr(i, carry):
            for l in range(QW // 16):
                rows[i, pl.ds(l * 16, 16)] = _zero_vec()
            return carry

        lax.fori_loop(0, CHUNK, zr, 0)
        for k in range(ZPT // CHUNK):
            pltpu.sync_copy(rows, slab.at[pl.ds(rbase + k * CHUNK, CHUNK)])
        plsc.subcore_barrier()

        pltpu.sync_copy(src_hbm.at[q, s], isrc)
        pltpu.sync_copy(dst_hbm.at[s], idst)

        def chunk(i, carry):
            pltpu.async_copy(hws_hbm.at[isrc.at[i]], rows, sem).wait()
            pltpu.sync_copy(rows, slab.at[idst.at[i]], add=True)
            return carry

        lax.fori_loop(0, CPT, chunk, 0)
        plsc.subcore_barrier()

        @pl.when(s < NT - 1)
        def _():
            pltpu.sync_copy(
                slab.at[pl.ds(rbase, ZPT)],
                agg_hbm.at[pl.ds(q * N + rbase, ZPT)],
            )

        @pl.when(s == NT - 1)
        def _():
            pltpu.sync_copy(
                slab.at[pl.ds(rbase, N - (NT - 1) * ZPT)],
                agg_hbm.at[pl.ds(q * N + rbase, N - (NT - 1) * ZPT)],
            )


def _front_body(x_ref, win_ref, bin_ref, w1_ref, part_ref, out_ref, dinv_ref):
    deg = part_ref[0, :, 0:1] + part_ref[1, :, 0:1] + 1.0
    dinv = lax.rsqrt(deg)
    dinv_ref[...] = dinv
    h0 = jnp.maximum(
        jnp.dot(x_ref[...], win_ref[...], preferred_element_type=jnp.float32)
        + bin_ref[...],
        0.0,
    )
    hw = jnp.dot(h0, w1_ref[...], preferred_element_type=jnp.float32)
    hws = hw * dinv
    for qq in range(NQ):
        out_ref[qq] = hws[:, qq * QW:(qq + 1) * QW]


_tc_front = pl.pallas_call(
    _front_body,
    grid=(N // MB,),
    in_specs=[
        pl.BlockSpec((MB, DIN), lambda i: (i, 0)),
        pl.BlockSpec((DIN, H), lambda i: (0, 0)),
        pl.BlockSpec((1, H), lambda i: (0, 0)),
        pl.BlockSpec((H, H), lambda i: (0, 0)),
        pl.BlockSpec((2, MB, DW), lambda i: (0, i, 0)),
    ],
    out_specs=[
        pl.BlockSpec((NQ, MB, QW), lambda i: (0, i, 0)),
        pl.BlockSpec((MB, 1), lambda i: (i, 0)),
    ],
    out_shape=[
        jax.ShapeDtypeStruct((NQ, N, QW), jnp.float32),
        jax.ShapeDtypeStruct((N, 1), jnp.float32),
    ],
)


def _mid_body(agg_ref, hws_ref, dinv_ref, b1_ref, w2_ref, out_ref):
    qi = pl.program_id(2)
    h = jnp.maximum(
        (agg_ref[0] + hws_ref[0]) * dinv_ref[...] + b1_ref[0], 0.0
    )
    p = jnp.dot(h, w2_ref[...], preferred_element_type=jnp.float32)

    @pl.when(qi == 0)
    def _():
        out_ref[0] = p

    @pl.when(qi > 0)
    def _():
        out_ref[0] = out_ref[0] + p

    @pl.when(qi == NQ - 1)
    def _():
        out_ref[0] = out_ref[0] * dinv_ref[...]


_tc_mid = pl.pallas_call(
    _mid_body,
    grid=(N // MB, NQ, NQ),
    in_specs=[
        pl.BlockSpec((1, MB, QW), lambda i, qo, qi: (qi, i, 0)),
        pl.BlockSpec((1, MB, QW), lambda i, qo, qi: (qi, i, 0)),
        pl.BlockSpec((MB, 1), lambda i, qo, qi: (i, 0)),
        pl.BlockSpec((1, 1, QW), lambda i, qo, qi: (qi, 0, 0)),
        pl.BlockSpec((QW, QW), lambda i, qo, qi: (qi, qo)),
    ],
    out_specs=pl.BlockSpec((1, MB, QW), lambda i, qo, qi: (qo, i, 0)),
    out_shape=jax.ShapeDtypeStruct((NQ, N, QW), jnp.float32),
)


def _final_body(agg_ref, hws_ref, dinv_ref, b2_ref, wout_ref, bout_ref,
                alpha_ref, rs_ref, out_ref):
    a = 1.0 / (1.0 + jnp.exp(-alpha_ref[0, 0]))
    dinv = dinv_ref[...]
    acc = jnp.zeros((MB, 1), jnp.float32)
    for qq in range(NQ):
        h2 = jnp.maximum(
            (agg_ref[qq] + hws_ref[qq]) * dinv + b2_ref[qq:qq + 1, :], 0.0
        )
        acc = acc + jnp.sum(h2 * wout_ref[qq:qq + 1, :], axis=1, keepdims=True)
    gnn = acc + bout_ref[0, 0]
    out_ref[...] = a * rs_ref[...] + (1.0 - a) * gnn


_tc_final = pl.pallas_call(
    _final_body,
    grid=(N // MB,),
    in_specs=[
        pl.BlockSpec((NQ, MB, QW), lambda i: (0, i, 0)),
        pl.BlockSpec((NQ, MB, QW), lambda i: (0, i, 0)),
        pl.BlockSpec((MB, 1), lambda i: (i, 0)),
        pl.BlockSpec((NQ, QW), lambda i: (0, 0)),
        pl.BlockSpec((NQ, QW), lambda i: (0, 0)),
        pl.BlockSpec((1, 1), lambda i: (0, 0)),
        pl.BlockSpec((1, 1), lambda i: (0, 0)),
        pl.BlockSpec((MB, 1), lambda i: (i, 0)),
    ],
    out_specs=pl.BlockSpec((MB, 1), lambda i: (i, 0)),
    out_shape=jax.ShapeDtypeStruct((N, 1), jnp.float32),
)


def kernel(x, edge_index, reranker_scores, W_in, b_in, W1, b1, W2, b2,
           W_out, b_out, alpha):
    ei = edge_index.astype(jnp.int32)
    src, dst = ei[0], ei[1]
    srcp = jnp.concatenate([src, jnp.zeros((EPAD - E,), jnp.int32)])
    dstp = jnp.concatenate([dst, jnp.full((EPAD - E,), N, jnp.int32)])
    src4 = (
        srcp[None, :] + (jnp.arange(NQ, dtype=jnp.int32) * N)[:, None]
    ).reshape(NQ, NT, CPT, CHUNK)
    dst3h = dstp.reshape(NT, CPT, CHUNK)
    dst3 = dstp.reshape(NT, CPT, CHUNK)

    parts = _hist_part(dst3h)

    hws1, dinv2d = _tc_front(x, W_in, b_in.reshape(1, H), W1, parts)
    agg1 = _agg(src4, dst3, hws1.reshape(NQ * N, QW)).reshape(NQ, N, QW)
    hws2 = _tc_mid(agg1, hws1, dinv2d, b1.reshape(NQ, 1, QW), W2)
    agg2 = _agg(src4, dst3, hws2.reshape(NQ * N, QW)).reshape(NQ, N, QW)
    out = _tc_final(
        agg2, hws2, dinv2d, b2.reshape(NQ, QW), W_out.reshape(NQ, QW),
        b_out.reshape(1, 1), alpha.reshape(1, 1), reranker_scores.reshape(N, 1),
    )
    return out.reshape(N)

# --- scband reference (transcript-rebuilt; emitter-appended) ---
"""Pipeline reference for scband-p3-graph-reranker-48885317763293 (READ-ONLY COPY).

The authoritative reference and input builder live on the scoring server;
editing this copy changes nothing except your own understanding.
"""

import jax, jax.numpy as jnp
import numpy as np

N_NODES = 10000
N_EDGES = 160000
IN_DIM = 256
HID = 512


def setup_inputs(seed: int = 0) -> dict:
    key = jax.random.key(seed)
    ks = jax.random.split(key, 12)
    x = jax.random.normal(ks[0], (N_NODES, IN_DIM), dtype=jnp.float32)
    edge_index = jax.random.randint(ks[1], (2, N_EDGES), 0, N_NODES, dtype=jnp.int64)
    reranker_scores = jax.random.uniform(ks[2], (N_NODES,), dtype=jnp.float32)
    s_in = 1.0 / np.sqrt(IN_DIM)
    s_h = 1.0 / np.sqrt(HID)
    W_in = jax.random.uniform(ks[3], (IN_DIM, HID), minval=-s_in, maxval=s_in, dtype=jnp.float32)
    b_in = jax.random.uniform(ks[4], (HID,), minval=-s_in, maxval=s_in, dtype=jnp.float32)
    W1 = jax.random.uniform(ks[5], (HID, HID), minval=-s_h, maxval=s_h, dtype=jnp.float32)
    b1 = jnp.zeros((HID,), dtype=jnp.float32)
    W2 = jax.random.uniform(ks[6], (HID, HID), minval=-s_h, maxval=s_h, dtype=jnp.float32)
    b2 = jnp.zeros((HID,), dtype=jnp.float32)
    W_out = jax.random.uniform(ks[7], (HID, 1), minval=-s_h, maxval=s_h, dtype=jnp.float32)
    b_out = jax.random.uniform(ks[8], (1,), minval=-s_h, maxval=s_h, dtype=jnp.float32)
    alpha = jnp.asarray(0.7, dtype=jnp.float32)
    return {"x": x, "edge_index": edge_index, "reranker_scores": reranker_scores,
            "W_in": W_in, "b_in": b_in, "W1": W1, "b1": b1, "W2": W2, "b2": b2,
            "W_out": W_out, "b_out": b_out, "alpha": alpha}


def _gcn_conv(h, edge_index, W, b, num_nodes):
    # PyG GCNConv: linear transform, then sym-normalized aggregation with self-loops, then bias.
    hw = h @ W
    loop = jnp.arange(num_nodes, dtype=edge_index.dtype)
    src = jnp.concatenate([edge_index[0], loop])
    dst = jnp.concatenate([edge_index[1], loop])
    deg = jnp.zeros((num_nodes,), dtype=h.dtype).at[dst].add(1.0)
    dinv = jnp.where(deg > 0, 1.0 / jnp.sqrt(deg), 0.0)
    norm = dinv[src] * dinv[dst]
    msg = jnp.take(hw, src, axis=0) * norm[:, None]
    out = jnp.zeros((num_nodes, hw.shape[1]), dtype=h.dtype).at[dst].add(msg)
    return out + b


def reference(x, edge_index, reranker_scores, W_in, b_in, W1, b1, W2, b2, W_out, b_out, alpha):
    num_nodes = x.shape[0]
    h = x @ W_in + b_in
    h = jax.nn.relu(h)
    # dropout: eval mode -> identity
    h = _gcn_conv(h, edge_index, W1, b1, num_nodes)
    h = jax.nn.relu(h)
    h = _gcn_conv(h, edge_index, W2, b2, num_nodes)
    h = jax.nn.relu(h)
    gnn_score = (h @ W_out + b_out).squeeze(-1)
    a = jax.nn.sigmoid(alpha)
    final_score = a * reranker_scores + (1.0 - a) * gnn_score
    return final_score

if __name__ == "__main__":
    import jax
    _d = setup_inputs()
    print(jax.jit(kernel)(*tuple(_d.values())))

</pallas_src>

<mosaic_0001>
#map = affine_map<(d0, d1) -> (0, 0, 0)>
module attributes {stable_mosaic.version = 14 : i64} {
  func.func @_hist_part(%arg0: i32, %arg1: i32, %arg2: memref<16x79x128xi32, #tpu.memory_space<hbm>>, %arg3: memref<2x10240x128xf32, #tpu.memory_space<hbm>>, %arg4: memref<79x128xi32, #tpu.memory_space<vmem>>, %arg5: memref<128x128xf32, #tpu.memory_space<vmem>>, %arg6: memref<128x128xf32, #tpu.memory_space<vmem>>, %arg7: memref<10240x128xf32, #tpu.memory_space<vmem_shared>>) attributes {dimension_semantics = [#tpu.dimension_semantics<core_parallel>, #tpu.dimension_semantics<subcore_parallel>], iteration_bounds = array<i64: 2, 16>, scalar_prefetch = 0 : i64, scratch_operands = 4 : i64, tpu.core_type = #tpu.core_type<sc_vector_subcore>, window_params = [{transform_indices = #map}, {transform_indices = #map}]} {
    %broadcast_in_dim3A = arith.constant 1.000000e+00 : f32
    %broadcast_in_dim3A_0 = vector.broadcast %broadcast_in_dim3A : f32 to vector<16xf32>
    %scan3A = arith.constant 0 : i32
    %scan3A_1 = arith.constant 0 : i32
    %scan3A_2 = arith.constant 128 : i32
    %scan3A_3 = arith.addi %scan3A_1, %scan3A_2 : i32
    %scan3A_4 = arith.constant 1 : i32
    scf.for %scan3A_79 = %scan3A_1 to %scan3A_3 step %scan3A_4  : i32 {
      %swap3A = arith.index_cast %scan3A_79 : i32 to index
      %swap3A_80 = arith.constant 0 : index
      %swap3A_81 = tpu.vector_load %arg5[%swap3A, %swap3A_80] {strides = array<i32>} : memref<128x128xf32, #tpu.memory_space<vmem>>, vector<1x16xf32>,
      %swap3A_82 = vector.shape_cast %swap3A_81 : vector<1x16xf32> to vector<16xf32>
      %swap3A_83 = vector.shape_cast %broadcast_in_dim3A_0 : vector<16xf32> to vector<1x16xf32>
      tpu.vector_store %arg5[%swap3A, %swap3A_80], %swap3A_83 {strides = array<i32>} : memref<128x128xf32, #tpu.memory_space<vmem>>, vector<1x16xf32>,
      %broadcast_in_dim3A_84 = arith.constant 0.000000e+00 : f32
      %broadcast_in_dim3A_85 = vector.broadcast %broadcast_in_dim3A_84 : f32 to vector<16xf32>
      %swap3A_86 = arith.index_cast %scan3A_79 : i32 to index
      %swap3A_87 = arith.constant 0 : index
      %swap3A_88 = tpu.vector_load %arg6[%swap3A_86, %swap3A_87] {strides = array<i32>} : memref<128x128xf32, #tpu.memory_space<vmem>>, vector<1x16xf32>,
      %swap3A_89 = vector.shape_cast %swap3A_88 : vector<1x16xf32> to vector<16xf32>
      %swap3A_90 = vector.shape_cast %broadcast_in_dim3A_85 : vector<16xf32> to vector<1x16xf32>
      tpu.vector_store %arg6[%swap3A_86, %swap3A_87], %swap3A_90 {strides = array<i32>} : memref<128x128xf32, #tpu.memory_space<vmem>>, vector<1x16xf32>,
      %swap3A_91 = arith.index_cast %scan3A_79 : i32 to index
      %swap3A_92 = arith.constant 16 : index
      %swap3A_93 = tpu.vector_load %arg5[%swap3A_91, %swap3A_92] {strides = array<i32>} : memref<128x128xf32, #tpu.memory_space<vmem>>, vector<1x16xf32>,
      %swap3A_94 = vector.shape_cast %swap3A_93 : vector<1x16xf32> to vector<16xf32>
      %swap3A_95 = vector.shape_cast %broadcast_in_dim3A_0 : vector<16xf32> to vector<1x16xf32>
      tpu.vector_store %arg5[%swap3A_91, %swap3A_92], %swap3A_95 {strides = array<i32>} : memref<128x128xf32, #tpu.memory_space<vmem>>, vector<1x16xf32>,
      %broadcast_in_dim3A_96 = arith.constant 0.000000e+00 : f32
      %broadcast_in_dim3A_97 = vector.broadcast %broadcast_in_dim3A_96 : f32 to vector<16xf32>
      %swap3A_98 = arith.index_cast %scan3A_79 : i32 to index
      %swap3A_99 = arith.constant 16 : index
      %swap3A_100 = tpu.vector_load %arg6[%swap3A_98, %swap3A_99] {strides = array<i32>} : memref<128x128xf32, #tpu.memory_space<vmem>>, vector<1x16xf32>,
      %swap3A_101 = vector.shape_cast %swap3A_100 : vector<1x16xf32> to vector<16xf32>
      %swap3A_102 = vector.shape_cast %broadcast_in_dim3A_97 : vector<16xf32> to vector<1x16xf32>
      tpu.vector_store %arg6[%swap3A_98, %swap3A_99], %swap3A_102 {strides = array<i32>} : memref<128x128xf32, #tpu.memory_space<vmem>>, vector<1x16xf32>,
      %swap3A_103 = arith.index_cast %scan3A_79 : i32 to index
      %swap3A_104 = arith.constant 32 : index
      %swap3A_105 = tpu.vector_load %arg5[%swap3A_103, %swap3A_104] {strides = array<i32>} : memref<128x128xf32, #tpu.memory_space<vmem>>, vector<1x16xf32>,
      %swap3A_106 = vector.shape_cast %swap3A_105 : vector<1x16xf32> to vector<16xf32>
      %swap3A_107 = vector.shape_cast %broadcast_in_dim3A_0 : vector<16xf32> to vector<1x16xf32>
      tpu.vector_store %arg5[%swap3A_103, %swap3A_104], %swap3A_107 {strides = array<i32>} : memref<128x128xf32, #tpu.memory_space<vmem>>, vector<1x16xf32>,
      %broadcast_in_dim3A_108 = arith.constant 0.000000e+00 : f32
      %broadcast_in_dim3A_109 = vector.broadcast %broadcast_in_dim3A_108 : f32 to vector<16xf32>
      %swap3A_110 = arith.index_cast %scan3A_79 : i32 to index
      %swap3A_111 = arith.constant 32 : index
      %swap3A_112 = tpu.vector_load %arg6[%swap3A_110, %swap3A_111] {strides = array<i32>} : memref<128x128xf32, #tpu.memory_space<vmem>>, vector<1x16xf32>,
      %swap3A_113 = vector.shape_cast %swap3A_112 : vector<1x16xf32> to vector<16xf32>
      %swap3A_114 = vector.shape_cast %broadcast_in_dim3A_109 : vector<16xf32> to vector<1x16xf32>
      tpu.vector_store %arg6[%swap3A_110, %swap3A_111], %swap3A_114 {strides = array<i32>} : memref<128x128xf32, #tpu.memory_space<vmem>>, vector<1x16xf32>,
      %swap3A_115 = arith.index_cast %scan3A_79 : i32 to index
      %swap3A_116 = arith.constant 48 : index
      %swap3A_117 = tpu.vector_load %arg5[%swap3A_115, %swap3A_116] {strides = array<i32>} : memref<128x128xf32, #tpu.memory_space<vmem>>, vector<1x16xf32>,
      %swap3A_118 = vector.shape_cast %swap3A_117 : vector<1x16xf32> to vector<16xf32>
      %swap3A_119 = vector.shape_cast %broadcast_in_dim3A_0 : vector<16xf32> to vector<1x16xf32>
      tpu.vector_store %arg5[%swap3A_115, %swap3A_116], %swap3A_119 {strides = array<i32>} : memref<128x128xf32, #tpu.memory_space<vmem>>, vector<1x16xf32>,
      %broadcast_in_dim3A_120 = arith.constant 0.000000e+00 : f32
      %broadcast_in_dim3A_121 = vector.broadcast %broadcast_in_dim3A_120 : f32 to vector<16xf32>
      %swap3A_122 = arith.index_cast %scan3A_79 : i32 to index
      %swap3A_123 = arith.constant 48 : index
      %swap3A_124 = tpu.vector_load %arg6[%swap3A_122, %swap3A_123] {strides = array<i32>} : memref<128x128xf32, #tpu.memory_space<vmem>>, vector<1x16xf32>,
      %swap3A_125 = vector.shape_cast %swap3A_124 : vector<1x16xf32> to vector<16xf32>
      %swap3A_126 = vector.shape_cast %broadcast_in_dim3A_121 : vector<16xf32> to vector<1x16xf32>
      tpu.vector_store %arg6[%swap3A_122, %swap3A_123], %swap3A_126 {strides = array<i32>} : memref<128x128xf32, #tpu.memory_space<vmem>>, vector<1x16xf32>,
      %swap3A_127 = arith.index_cast %scan3A_79 : i32 to index
      %swap3A_128 = arith.constant 64 : index
      %swap3A_129 = tpu.vector_load %arg5[%swap3A_127, %swap3A_128] {strides = array<i32>} : memref<128x128xf32, #tpu.memory_space<vmem>>, vector<1x16xf32>,
      %swap3A_130 = vector.shape_cast %swap3A_129 : vector<1x16xf32> to vector<16xf32>
      %swap3A_131 = vector.shape_cast %broadcast_in_dim3A_0 : vector<16xf32> to vector<1x16xf32>
      tpu.vector_store %arg5[%swap3A_127, %swap3A_128], %swap3A_131 {strides = array<i32>} : memref<128x128xf32, #tpu.memory_space<vmem>>, vector<1x16xf32>,
      %broadcast_in_dim3A_132 = arith.constant 0.000000e+00 : f32
      %broadcast_in_dim3A_133 = vector.broadcast %broadcast_in_dim3A_132 : f32 to vector<16xf32>
      %swap3A_134 = arith.index_cast %scan3A_79 : i32 to index
      %swap3A_135 = arith.constant 64 : index
      %swap3A_136 = tpu.vector_load %arg6[%swap3A_134, %swap3A_135] {strides = array<i32>} : memref<128x128xf32, #tpu.memory_space<vmem>>, vector<1x16xf32>,
      %swap3A_137 = vector.shape_cast %swap3A_136 : vector<1x16xf32> to vector<16xf32>
      %swap3A_138 = vector.shape_cast %broadcast_in_dim3A_133 : vector<16xf32> to vector<1x16xf32>
      tpu.vector_store %arg6[%swap3A_134, %swap3A_135], %swap3A_138 {strides = array<i32>} : memref<128x128xf32, #tpu.memory_space<vmem>>, vector<1x16xf32>,
      %swap3A_139 = arith.index_cast %scan3A_79 : i32 to index
      %swap3A_140 = arith.constant 80 : index
      %swap3A_141 = tpu.vector_load %arg5[%swap3A_139, %swap3A_140] {strides = array<i32>} : memref<128x128xf32, #tpu.memory_space<vmem>>, vector<1x16xf32>,
      %swap3A_142 = vector.shape_cast %swap3A_141 : vector<1x16xf32> to vector<16xf32>
      %swap3A_143 = vector.shape_cast %broadcast_in_dim3A_0 : vector<16xf32> to vector<1x16xf32>
      tpu.vector_store %arg5[%swap3A_139, %swap3A_140], %swap3A_143 {strides = array<i32>} : memref<128x128xf32, #tpu.memory_space<vmem>>, vector<1x16xf32>,
      %broadcast_in_dim3A_144 = arith.constant 0.000000e+00 : f32
      %broadcast_in_dim3A_145 = vector.broadcast %broadcast_in_dim3A_144 : f32 to vector<16xf32>
      %swap3A_146 = arith.index_cast %scan3A_79 : i32 to index
      %swap3A_147 = arith.constant 80 : index
      %swap3A_148 = tpu.vector_load %arg6[%swap3A_146, %swap3A_147] {strides = array<i32>} : memref<128x128xf32, #tpu.memory_space<vmem>>, vector<1x16xf32>,
      %swap3A_149 = vector.shape_cast %swap3A_148 : vector<1x16xf32> to vector<16xf32>
      %swap3A_150 = vector.shape_cast %broadcast_in_dim3A_145 : vector<16xf32> to vector<1x16xf32>
      tpu.vector_store %arg6[%swap3A_146, %swap3A_147], %swap3A_150 {strides = array<i32>} : memref<128x128xf32, #tpu.memory_space<vmem>>, vector<1x16xf32>,
      %swap3A_151 = arith.index_cast %scan3A_79 : i32 to index
      %swap3A_152 = arith.constant 96 : index
      %swap3A_153 = tpu.vector_load %arg5[%swap3A_151, %swap3A_152] {strides = array<i32>} : memref<128x128xf32, #tpu.memory_space<vmem>>, vector<1x16xf32>,
      %swap3A_154 = vector.shape_cast %swap3A_153 : vector<1x16xf32> to vector<16xf32>
      %swap3A_155 = vector.shape_cast %broadcast_in_dim3A_0 : vector<16xf32> to vector<1x16xf32>
      tpu.vector_store %arg5[%swap3A_151, %swap3A_152], %swap3A_155 {strides = array<i32>} : memref<128x128xf32, #tpu.memory_space<vmem>>, vector<1x16xf32>,
      %broadcast_in_dim3A_156 = arith.constant 0.000000e+00 : f32
      %broadcast_in_dim3A_157 = vector.broadcast %broadcast_in_dim3A_156 : f32 to vector<16xf32>
      %swap3A_158 = arith.index_cast %scan3A_79 : i32 to index
      %swap3A_159 = arith.constant 96 : index
      %swap3A_160 = tpu.vector_load %arg6[%swap3A_158, %swap3A_159] {strides = array<i32>} : memref<128x128xf32, #tpu.memory_space<vmem>>, vector<1x16xf32>,
      %swap3A_161 = vector.shape_cast %swap3A_160 : vector<1x16xf32> to vector<16xf32>
      %swap3A_162 = vector.shape_cast %broadcast_in_dim3A_157 : vector<16xf32> to vector<1x16xf32>
      tpu.vector_store %arg6[%swap3A_158, %swap3A_159], %swap3A_162 {strides = array<i32>} : memref<128x128xf32, #tpu.memory_space<vmem>>, vector<1x16xf32>,
      %swap3A_163 = arith.index_cast %scan3A_79 : i32 to index
      %swap3A_164 = arith.constant 112 : index
      %swap3A_165 = tpu.vector_load %arg5[%swap3A_163, %swap3A_164] {strides = array<i32>} : memref<128x128xf32, #tpu.memory_space<vmem>>, vector<1x16xf32>,
      %swap3A_166 = vector.shape_cast %swap3A_165 : vector<1x16xf32> to vector<16xf32>
      %swap3A_167 = vector.shape_cast %broadcast_in_dim3A_0 : vector<16xf32> to vector<1x16xf32>
      tpu.vector_store %arg5[%swap3A_163, %swap3A_164], %swap3A_167 {strides = array<i32>} : memref<128x128xf32, #tpu.memory_space<vmem>>, vector<1x16xf32>,
      %broadcast_in_dim3A_168 = arith.constant 0.000000e+00 : f32
      %broadcast_in_dim3A_169 = vector.broadcast %broadcast_in_dim3A_168 : f32 to vector<16xf32>
      %swap3A_170 = arith.index_cast %scan3A_79 : i32 to index
      %swap3A_171 = arith.constant 112 : index
      %swap3A_172 = tpu.vector_load %arg6[%swap3A_170, %swap3A_171] {strides = array<i32>} : memref<128x128xf32, #tpu.memory_space<vmem>>, vector<1x16xf32>,
      %swap3A_173 = vector.shape_cast %swap3A_172 : vector<1x16xf32> to vector<16xf32>
      %swap3A_174 = vector.shape_cast %broadcast_in_dim3A_169 : vector<16xf32> to vector<1x16xf32>
      tpu.vector_store %arg6[%swap3A_170, %swap3A_171], %swap3A_174 {strides = array<i32>} : memref<128x128xf32, #tpu.memory_space<vmem>>, vector<1x16xf32>,
    }
    %scan3A_5 = arith.constant 128 : i32
    %mul3A = arith.constant 640 : i32
    %mul3A_6 = arith.muli %arg1, %mul3A : i32
    %add3A = arith.constant 0 : i32
    %add3A_7 = arith.addi %mul3A_6, %add3A : i32
    "tpu.region"() ({
      %run_scoped3A = tpu.sem_alloc : memref<!tpu.dma_semaphore, #tpu.memory_space<semaphore_mem>>
      %dma_start3A = arith.constant 0 : i32
      %dma_start3A_79 = tpu.memref_slice %arg7[%add3A_7, %dma_start3A] : memref<10240x128xf32, #tpu.memory_space<vmem_shared>> -> memref<128x128xf32, #tpu.memory_space<vmem_shared>>
      %dma_start3A_80 = arith.constant 0 : i32
      %dma_start3A_81 = tpu.memref_slice %arg7[%add3A_7, %dma_start3A_80] : memref<10240x128xf32, #tpu.memory_space<vmem_shared>> -> memref<128x128xf32, #tpu.memory_space<vmem_shared>>
      tpu.enqueue_dma source(%arg6 : memref<128x128xf32, #tpu.memory_space<vmem>>) target(%dma_start3A_81 : memref<128x128xf32, #tpu.memory_space<vmem_shared>>) target_semaphore(%run_scoped3A : memref<!tpu.dma_semaphore, #tpu.memory_space<semaphore_mem>>)
      %dma_wait3A = arith.constant 0 : i32
      %dma_wait3A_82 = tpu.memref_slice %arg7[%add3A_7, %dma_wait3A] : memref<10240x128xf32, #tpu.memory_space<vmem_shared>> -> memref<128x128xf32, #tpu.memory_space<vmem_shared>>
      %dma_wait3A_83 = arith.constant 0 : i32
      %dma_wait3A_84 = tpu.memref_slice %arg7[%add3A_7, %dma_wait3A_83] : memref<10240x128xf32, #tpu.memory_space<vmem_shared>> -> memref<128x128xf32, #tpu.memory_space<vmem_shared>>
      tpu.wait_dma2 semaphore(%run_scoped3A : memref<!tpu.dma_semaphore, #tpu.memory_space<semaphore_mem>>) src(%arg6 : memref<128x128xf32, #tpu.memory_space<vmem>>) dst(%dma_wait3A_84 : memref<128x128xf32, #tpu.memory_space<vmem_shared>>)
      tpu.yield
    }) : () -> ()
    %mul3A_8 = arith.constant 640 : i32
    %mul3A_9 = arith.muli %arg1, %mul3A_8 : i32
    %add3A_10 = arith.constant 128 : i32
    %add3A_11 = arith.addi %mul3A_9, %add3A_10 : i32
    "tpu.region"() ({
      %run_scoped3A = tpu.sem_alloc : memref<!tpu.dma_semaphore, #tpu.memory_space<semaphore_mem>>
      %dma_start3A = arith.constant 0 : i32
      %dma_start3A_79 = tpu.memref_slice %arg7[%add3A_11, %dma_start3A] : memref<10240x128xf32, #tpu.memory_space<vmem_shared>> -> memref<128x128xf32, #tpu.memory_space<vmem_shared>>
      %dma_start3A_80 = arith.constant 0 : i32
      %dma_start3A_81 = tpu.memref_slice %arg7[%add3A_11, %dma_start3A_80] : memref<10240x128xf32, #tpu.memory_space<vmem_shared>> -> memref<128x128xf32, #tpu.memory_space<vmem_shared>>
      tpu.enqueue_dma source(%arg6 : memref<128x128xf32, #tpu.memory_space<vmem>>) target(%dma_start3A_81 : memref<128x128xf32, #tpu.memory_space<vmem_shared>>) target_semaphore(%run_scoped3A : memref<!tpu.dma_semaphore, #tpu.memory_space<semaphore_mem>>)
      %dma_wait3A = arith.constant 0 : i32
      %dma_wait3A_82 = tpu.memref_slice %arg7[%add3A_11, %dma_wait3A] : memref<10240x128xf32, #tpu.memory_space<vmem_shared>> -> memref<128x128xf32, #tpu.memory_space<vmem_shared>>
      %dma_wait3A_83 = arith.constant 0 : i32
      %dma_wait3A_84 = tpu.memref_slice %arg7[%add3A_11, %dma_wait3A_83] : memref<10240x128xf32, #tpu.memory_space<vmem_shared>> -> memref<128x128xf32, #tpu.memory_space<vmem_shared>>
      tpu.wait_dma2 semaphore(%run_scoped3A : memref<!tpu.dma_semaphore, #tpu.memory_space<semaphore_mem>>) src(%arg6 : memref<128x128xf32, #tpu.memory_space<vmem>>) dst(%dma_wait3A_84 : memref<128x128xf32, #tpu.memory_space<vmem_shared>>)
      tpu.yield
    }) : () -> ()
    %mul3A_12 = arith.constant 640 : i32
    %mul3A_13 = arith.muli %arg1, %mul3A_12 : i32
    %add3A_14 = arith.constant 256 : i32
    %add3A_15 = arith.addi %mul3A_13, %add3A_14 : i32
    "tpu.region"() ({
      %run_scoped3A = tpu.sem_alloc : memref<!tpu.dma_semaphore, #tpu.memory_space<semaphore_mem>>
      %dma_start3A = arith.constant 0 : i32
      %dma_start3A_79 = tpu.memref_slice %arg7[%add3A_15, %dma_start3A] : memref<10240x128xf32, #tpu.memory_space<vmem_shared>> -> memref<128x128xf32, #tpu.memory_space<vmem_shared>>
      %dma_start3A_80 = arith.constant 0 : i32
      %dma_start3A_81 = tpu.memref_slice %arg7[%add3A_15, %dma_start3A_80] : memref<10240x128xf32, #tpu.memory_space<vmem_shared>> -> memref<128x128xf32, #tpu.memory_space<vmem_shared>>
      tpu.enqueue_dma source(%arg6 : memref<128x128xf32, #tpu.memory_space<vmem>>) target(%dma_start3A_81 : memref<128x128xf32, #tpu.memory_space<vmem_shared>>) target_semaphore(%run_scoped3A : memref<!tpu.dma_semaphore, #tpu.memory_space<semaphore_mem>>)
      %dma_wait3A = arith.constant 0 : i32
      %dma_wait3A_82 = tpu.memref_slice %arg7[%add3A_15, %dma_wait3A] : memref<10240x128xf32, #tpu.memory_space<vmem_shared>> -> memref<128x128xf32, #tpu.memory_space<vmem_shared>>
      %dma_wait3A_83 = arith.constant 0 : i32
      %dma_wait3A_84 = tpu.memref_slice %arg7[%add3A_15, %dma_wait3A_83] : memref<10240x128xf32, #tpu.memory_space<vmem_shared>> -> memref<128x128xf32, #tpu.memory_space<vmem_shared>>
      tpu.wait_dma2 semaphore(%run_scoped3A : memref<!tpu.dma_semaphore, #tpu.memory_space<semaphore_mem>>) src(%arg6 : memref<128x128xf32, #tpu.memory_space<vmem>>) dst(%dma_wait3A_84 : memref<128x128xf32, #tpu.memory_space<vmem_shared>>)
      tpu.yield
    }) : () -> ()
    %mul3A_16 = arith.constant 640 : i32
    %mul3A_17 = arith.muli %arg1, %mul3A_16 : i32
    %add3A_18 = arith.constant 384 : i32
    %add3A_19 = arith.addi %mul3A_17, %add3A_18 : i32
    "tpu.region"() ({
      %run_scoped3A = tpu.sem_alloc : memref<!tpu.dma_semaphore, #tpu.memory_space<semaphore_mem>>
      %dma_start3A = arith.constant 0 : i32
      %dma_start3A_79 = tpu.memref_slice %arg7[%add3A_19, %dma_start3A] : memref<10240x128xf32, #tpu.memory_space<vmem_shared>> -> memref<128x128xf32, #tpu.memory_space<vmem_shared>>
      %dma_start3A_80 = arith.constant 0 : i32
      %dma_start3A_81 = tpu.memref_slice %arg7[%add3A_19, %dma_start3A_80] : memref<10240x128xf32, #tpu.memory_space<vmem_shared>> -> memref<128x128xf32, #tpu.memory_space<vmem_shared>>
      tpu.enqueue_dma source(%arg6 : memref<128x128xf32, #tpu.memory_space<vmem>>) target(%dma_start3A_81 : memref<128x128xf32, #tpu.memory_space<vmem_shared>>) target_semaphore(%run_scoped3A : memref<!tpu.dma_semaphore, #tpu.memory_space<semaphore_mem>>)
      %dma_wait3A = arith.constant 0 : i32
      %dma_wait3A_82 = tpu.memref_slice %arg7[%add3A_19, %dma_wait3A] : memref<10240x128xf32, #tpu.memory_space<vmem_shared>> -> memref<128x128xf32, #tpu.memory_space<vmem_shared>>
      %dma_wait3A_83 = arith.constant 0 : i32
      %dma_wait3A_84 = tpu.memref_slice %arg7[%add3A_19, %dma_wait3A_83] : memref<10240x128xf32, #tpu.memory_space<vmem_shared>> -> memref<128x128xf32, #tpu.memory_space<vmem_shared>>
      tpu.wait_dma2 semaphore(%run_scoped3A : memref<!tpu.dma_semaphore, #tpu.memory_space<semaphore_mem>>) src(%arg6 : memref<128x128xf32, #tpu.memory_space<vmem>>) dst(%dma_wait3A_84 : memref<128x128xf32, #tpu.memory_space<vmem_shared>>)
      tpu.yield
    }) : () -> ()
    %mul3A_20 = arith.constant 640 : i32
    %mul3A_21 = arith.muli %arg1, %mul3A_20 : i32
    %add3A_22 = arith.constant 512 : i32
    %add3A_23 = arith.addi %mul3A_21, %add3A_22 : i32
    "tpu.region"() ({
      %run_scoped3A = tpu.sem_alloc : memref<!tpu.dma_semaphore, #tpu.memory_space<semaphore_mem>>
      %dma_start3A = arith.constant 0 : i32
      %dma_start3A_79 = tpu.memref_slice %arg7[%add3A_23, %dma_start3A] : memref<10240x128xf32, #tpu.memory_space<vmem_shared>> -> memref<128x128xf32, #tpu.memory_space<vmem_shared>>
      %dma_start3A_80 = arith.constant 0 : i32
      %dma_start3A_81 = tpu.memref_slice %arg7[%add3A_23, %dma_start3A_80] : memref<10240x128xf32, #tpu.memory_space<vmem_shared>> -> memref<128x128xf32, #tpu.memory_space<vmem_shared>>
      tpu.enqueue_dma source(%arg6 : memref<128x128xf32, #tpu.memory_space<vmem>>) target(%dma_start3A_81 : memref<128x128xf32, #tpu.memory_space<vmem_shared>>) target_semaphore(%run_scoped3A : memref<!tpu.dma_semaphore, #tpu.memory_space<semaphore_mem>>)
      %dma_wait3A = arith.constant 0 : i32
      %dma_wait3A_82 = tpu.memref_slice %arg7[%add3A_23, %dma_wait3A] : memref<10240x128xf32, #tpu.memory_space<vmem_shared>> -> memref<128x128xf32, #tpu.memory_space<vmem_shared>>
      %dma_wait3A_83 = arith.constant 0 : i32
      %dma_wait3A_84 = tpu.memref_slice %arg7[%add3A_23, %dma_wait3A_83] : memref<10240x128xf32, #tpu.memory_space<vmem_shared>> -> memref<128x128xf32, #tpu.memory_space<vmem_shared>>
      tpu.wait_dma2 semaphore(%run_scoped3A : memref<!tpu.dma_semaphore, #tpu.memory_space<semaphore_mem>>) src(%arg6 : memref<128x128xf32, #tpu.memory_space<vmem>>) dst(%dma_wait3A_84 : memref<128x128xf32, #tpu.memory_space<vmem_shared>>)
      tpu.yield
    }) : () -> ()
    %barrier3A = arith.constant 0 : index
    tpu.barrier barrier_id(%barrier3A)
    "tpu.region"() ({
      %run_scoped3A = tpu.sem_alloc : memref<!tpu.dma_semaphore, #tpu.memory_space<semaphore_mem>>
      %dma_start3A = arith.constant 0 : i32
      %dma_start3A_79 = arith.constant 0 : i32
      %dma_start3A_80 = tpu.memref_slice %arg2[%arg1, %dma_start3A, %dma_start3A_79] : memref<16x79x128xi32, #tpu.memory_space<hbm>> -> memref<1x79x128xi32, #tpu.memory_space<hbm>>
      %dma_start3A_81 = tpu.memref_squeeze %dma_start3A_80 : memref<1x79x128xi32, #tpu.memory_space<hbm>> -> memref<79x128xi32, #tpu.memory_space<hbm>>
      %dma_start3A_82 = arith.constant 0 : i32
      %dma_start3A_83 = arith.constant 0 : i32
      %dma_start3A_84 = tpu.memref_slice %arg2[%arg1, %dma_start3A_82, %dma_start3A_83] : memref<16x79x128xi32, #tpu.memory_space<hbm>> -> memref<1x79x128xi32, #tpu.memory_space<hbm>>
      %dma_start3A_85 = tpu.memref_squeeze %dma_start3A_84 : memref<1x79x128xi32, #tpu.memory_space<hbm>> -> memref<79x128xi32, #tpu.memory_space<hbm>>
      tpu.enqueue_dma source(%dma_start3A_85 : memref<79x128xi32, #tpu.memory_space<hbm>>) target(%arg4 : memref<79x128xi32, #tpu.memory_space<vmem>>) target_semaphore(%run_scoped3A : memref<!tpu.dma_semaphore, #tpu.memory_space<semaphore_mem>>)
      %dma_wait3A = arith.constant 0 : i32
      %dma_wait3A_86 = arith.constant 0 : i32
      %dma_wait3A_87 = tpu.memref_slice %arg2[%arg1, %dma_wait3A, %dma_wait3A_86] : memref<16x79x128xi32, #tpu.memory_space<hbm>> -> memref<1x79x128xi32, #tpu.memory_space<hbm>>
      %dma_wait3A_88 = tpu.memref_squeeze %dma_wait3A_87 : memref<1x79x128xi32, #tpu.memory_space<hbm>> -> memref<79x128xi32, #tpu.memory_space<hbm>>
      %dma_wait3A_89 = arith.constant 0 : i32
      %dma_wait3A_90 = arith.constant 0 : i32
      %dma_wait3A_91 = tpu.memref_slice %arg2[%arg1, %dma_wait3A_89, %dma_wait3A_90] : memref<16x79x128xi32, #tpu.memory_space<hbm>> -> memref<1x79x128xi32, #tpu.memory_space<hbm>>
      %dma_wait3A_92 = tpu.memref_squeeze %dma_wait3A_91 : memref<1x79x128xi32, #tpu.memory_space<hbm>> -> memref<79x128xi32, #tpu.memory_space<hbm>>
      tpu.wait_dma2 semaphore(%run_scoped3A : memref<!tpu.dma_semaphore, #tpu.memory_space<semaphore_mem>>) src(%dma_wait3A_92 : memref<79x128xi32, #tpu.memory_space<hbm>>) dst(%arg4 : memref<79x128xi32, #tpu.memory_space<vmem>>)
      tpu.yield
    }) : () -> ()
    %mul3A_24 = arith.constant 40 : i32
    %mul3A_25 = arith.muli %arg0, %mul3A_24 : i32
    %mul3A_26 = arith.constant 39 : i32
    %mul3A_27 = arith.muli %arg0, %mul3A_26 : i32
    %add3A_28 = arith.constant 40 : i32
    %add3A_29 = arith.addi %add3A_28, %mul3A_27 : i32
    %while3A = arith.constant 0 : i32
    %while3A_30 = arith.subi %add3A_29, %mul3A_25 : i32
    %while3A_31 = arith.addi %mul3A_25, %while3A_30 : i32
    %while3A_32 = arith.constant 1 : i32
    %while3A_33 = arith.divsi %while3A_30, %while3A_32 : i32
    %while3A_34 = arith.muli %while3A_33, %while3A_32 : i32
    %while3A_35 = arith.addi %mul3A_25, %while3A_34 : i32
    %while3A_36 = arith.constant 1 : i32
    scf.for %while3A_79 = %mul3A_25 to %while3A_35 step %while3A_36  : i32 {
      "tpu.region"() ({
        %run_scoped3A = tpu.sem_alloc : memref<!tpu.dma_semaphore, #tpu.memory_space<semaphore_mem>>
        %dma_start3A = arith.constant 0 : i32
        %dma_start3A_80 = tpu.memref_slice %arg4[%while3A_79, %dma_start3A] : memref<79x128xi32, #tpu.memory_space<vmem>> -> memref<1x128xi32, #tpu.memory_space<vmem>>
        %dma_start3A_81 = tpu.memref_squeeze %dma_start3A_80 : memref<1x128xi32, #tpu.memory_space<vmem>> -> memref<128xi32, #tpu.memory_space<vmem>>
        %dma_start3A_82 = arith.constant 0 : i32
        %dma_start3A_83 = arith.constant 0 : i32
        %dma_start3A_84 = tpu.memref_slice %arg7[%dma_start3A_82, %dma_start3A_83] : memref<10240x128xf32, #tpu.memory_space<vmem_shared>> -> memref<10240x128xf32, #tpu.memory_space<vmem_shared>>
        tpu.enqueue_indirect_dma source(%arg5 : memref<128x128xf32, #tpu.memory_space<vmem>>) target(%dma_start3A_84 : memref<10240x128xf32, #tpu.memory_space<vmem_shared>>) offsets(%dma_start3A_81 : memref<128xi32, #tpu.memory_space<vmem>>) semaphore(%run_scoped3A : memref<!tpu.dma_semaphore, #tpu.memory_space<semaphore_mem>>) {add = true}
        %dma_wait3A = arith.constant 0 : i32
        %dma_wait3A_85 = tpu.memref_slice %arg4[%while3A_79, %dma_wait3A] : memref<79x128xi32, #tpu.memory_space<vmem>> -> memref<1x128xi32, #tpu.memory_space<vmem>>
        %dma_wait3A_86 = tpu.memref_squeeze %dma_wait3A_85 : memref<1x128xi32, #tpu.memory_space<vmem>> -> memref<128xi32, #tpu.memory_space<vmem>>
        %dma_wait3A_87 = arith.constant 0 : i32
        %dma_wait3A_88 = arith.constant 0 : i32
        %dma_wait3A_89 = tpu.memref_slice %arg7[%dma_wait3A_87, %dma_wait3A_88] : memref<10240x128xf32, #tpu.memory_space<vmem_shared>> -> memref<10240x128xf32, #tpu.memory_space<vmem_shared>>
        tpu.wait_indirect_dma semaphore(%run_scoped3A : memref<!tpu.dma_semaphore, #tpu.memory_space<semaphore_mem>>) src(%arg5 : memref<128x128xf32, #tpu.memory_space<vmem>>) dst(%dma_wait3A_89 : memref<10240x128xf32, #tpu.memory_space<vmem_shared>>)
        tpu.yield
      }) : () -> ()
    }
    %while3A_37 = arith.constant 1 : i32
    scf.for %while3A_79 = %while3A_35 to %while3A_31 step %while3A_37  : i32 {
      "tpu.region"() ({
        %run_scoped3A = tpu.sem_alloc : memref<!tpu.dma_semaphore, #tpu.memory_space<semaphore_mem>>
        %dma_start3A = arith.constant 0 : i32
        %dma_start3A_80 = tpu.memref_slice %arg4[%while3A_79, %dma_start3A] : memref<79x128xi32, #tpu.memory_space<vmem>> -> memref<1x128xi32, #tpu.memory_space<vmem>>
        %dma_start3A_81 = tpu.memref_squeeze %dma_start3A_80 : memref<1x128xi32, #tpu.memory_space<vmem>> -> memref<128xi32, #tpu.memory_space<vmem>>
        %dma_start3A_82 = arith.constant 0 : i32
        %dma_start3A_83 = arith.constant 0 : i32
        %dma_start3A_84 = tpu.memref_slice %arg7[%dma_start3A_82, %dma_start3A_83] : memref<10240x128xf32, #tpu.memory_space<vmem_shared>> -> memref<10240x128xf32, #tpu.memory_space<vmem_shared>>
        tpu.enqueue_indirect_dma source(%arg5 : memref<128x128xf32, #tpu.memory_space<vmem>>) target(%dma_start3A_84 : memref<10240x128xf32, #tpu.memory_space<vmem_shared>>) offsets(%dma_start3A_81 : memref<128xi32, #tpu.memory_space<vmem>>) semaphore(%run_scoped3A : memref<!tpu.dma_semaphore, #tpu.memory_space<semaphore_mem>>) {add = true}
        %dma_wait3A = arith.constant 0 : i32
        %dma_wait3A_85 = tpu.memref_slice %arg4[%while3A_79, %dma_wait3A] : memref<79x128xi32, #tpu.memory_space<vmem>> -> memref<1x128xi32, #tpu.memory_space<vmem>>
        %dma_wait3A_86 = tpu.memref_squeeze %dma_wait3A_85 : memref<1x128xi32, #tpu.memory_space<vmem>> -> memref<128xi32, #tpu.memory_space<vmem>>
        %dma_wait3A_87 = arith.constant 0 : i32
        %dma_wait3A_88 = arith.constant 0 : i32
        %dma_wait3A_89 = tpu.memref_slice %arg7[%dma_wait3A_87, %dma_wait3A_88] : memref<10240x128xf32, #tpu.memory_space<vmem_shared>> -> memref<10240x128xf32, #tpu.memory_space<vmem_shared>>
        tpu.wait_indirect_dma semaphore(%run_scoped3A : memref<!tpu.dma_semaphore, #tpu.memory_space<semaphore_mem>>) src(%arg5 : memref<128x128xf32, #tpu.memory_space<vmem>>) dst(%dma_wait3A_89 : memref<10240x128xf32, #tpu.memory_space<vmem_shared>>)
        tpu.yield
      }) : () -> ()
    }
    %barrier3A_38 = arith.constant 0 : index
    tpu.barrier barrier_id(%barrier3A_38)
    %mul3A_39 = arith.constant 640 : i32
    %mul3A_40 = arith.muli %arg1, %mul3A_39 : i32
    %add3A_41 = arith.constant 0 : i32
    %add3A_42 = arith.addi %mul3A_40, %add3A_41 : i32
    %mul3A_43 = arith.constant 640 : i32
    %mul3A_44 = arith.muli %arg1, %mul3A_43 : i32
    %add3A_45 = arith.constant 0 : i32
    %add3A_46 = arith.addi %mul3A_44, %add3A_45 : i32
    "tpu.region"() ({
      %run_scoped3A = tpu.sem_alloc : memref<!tpu.dma_semaphore, #tpu.memory_space<semaphore_mem>>
      %dma_start3A = arith.constant 0 : i32
      %dma_start3A_79 = tpu.memref_slice %arg3[%arg0, %add3A_46, %dma_start3A] : memref<2x10240x128xf32, #tpu.memory_space<hbm>> -> memref<1x128x128xf32, #tpu.memory_space<hbm>>
      %dma_start3A_80 = tpu.memref_squeeze %dma_start3A_79 : memref<1x128x128xf32, #tpu.memory_space<hbm>> -> memref<128x128xf32, #tpu.memory_space<hbm>>
      %dma_start3A_81 = arith.constant 0 : i32
      %dma_start3A_82 = tpu.memref_slice %arg7[%add3A_42, %dma_start3A_81] : memref<10240x128xf32, #tpu.memory_space<vmem_shared>> -> memref<128x128xf32, #tpu.memory_space<vmem_shared>>
      tpu.enqueue_dma source(%dma_start3A_82 : memref<128x128xf32, #tpu.memory_space<vmem_shared>>) target(%dma_start3A_80 : memref<128x128xf32, #tpu.memory_space<hbm>>) target_semaphore(%run_scoped3A : memref<!tpu.dma_semaphore, #tpu.memory_space<semaphore_mem>>)
      %dma_wait3A = arith.constant 0 : i32
      %dma_wait3A_83 = tpu.memref_slice %arg3[%arg0, %add3A_46, %dma_wait3A] : memref<2x10240x128xf32, #tpu.memory_space<hbm>> -> memref<1x128x128xf32, #tpu.memory_space<hbm>>
      %dma_wait3A_84 = tpu.memref_squeeze %dma_wait3A_83 : memref<1x128x128xf32, #tpu.memory_space<hbm>> -> memref<128x128xf32, #tpu.memory_space<hbm>>
      %dma_wait3A_85 = arith.constant 0 : i32
      %dma_wait3A_86 = tpu.memref_slice %arg7[%add3A_42, %dma_wait3A_85] : memref<10240x128xf32, #tpu.memory_space<vmem_shared>> -> memref<128x128xf32, #tpu.memory_space<vmem_shared>>
      tpu.wait_dma2 semaphore(%run_scoped3A : memref<!tpu.dma_semaphore, #tpu.memory_space<semaphore_mem>>) src(%dma_wait3A_86 : memref<128x128xf32, #tpu.memory_space<vmem_shared>>) dst(%dma_wait3A_84 : memref<128x128xf32, #tpu.memory_space<hbm>>)
      tpu.yield
    }) : () -> ()
    %mul3A_47 = arith.constant 640 : i32
    %mul3A_48 = arith.muli %arg1, %mul3A_47 : i32
    %add3A_49 = arith.constant 128 : i32
    %add3A_50 = arith.addi %mul3A_48, %add3A_49 : i32
    %mul3A_51 = arith.constant 640 : i32
    %mul3A_52 = arith.muli %arg1, %mul3A_51 : i32
    %add3A_53 = arith.constant 128 : i32
    %add3A_54 = arith.addi %mul3A_52, %add3A_53 : i32
    "tpu.region"() ({
      %run_scoped3A = tpu.sem_alloc : memref<!tpu.dma_semaphore, #tpu.memory_space<semaphore_mem>>
      %dma_start3A = arith.constant 0 : i32
      %dma_start3A_79 = tpu.memref_slice %arg3[%arg0, %add3A_54, %dma_start3A] : memref<2x10240x128xf32, #tpu.memory_space<hbm>> -> memref<1x128x128xf32, #tpu.memory_space<hbm>>
      %dma_start3A_80 = tpu.memref_squeeze %dma_start3A_79 : memref<1x128x128xf32, #tpu.memory_space<hbm>> -> memref<128x128xf32, #tpu.memory_space<hbm>>
      %dma_start3A_81 = arith.constant 0 : i32
      %dma_start3A_82 = tpu.memref_slice %arg7[%add3A_50, %dma_start3A_81] : memref<10240x128xf32, #tpu.memory_space<vmem_shared>> -> memref<128x128xf32, #tpu.memory_space<vmem_shared>>
      tpu.enqueue_dma source(%dma_start3A_82 : memref<128x128xf32, #tpu.memory_space<vmem_shared>>) target(%dma_start3A_80 : memref<128x128xf32, #tpu.memory_space<hbm>>) target_semaphore(%run_scoped3A : memref<!tpu.dma_semaphore, #tpu.memory_space<semaphore_mem>>)
      %dma_wait3A = arith.constant 0 : i32
      %dma_wait3A_83 = tpu.memref_slice %arg3[%arg0, %add3A_54, %dma_wait3A] : memref<2x10240x128xf32, #tpu.memory_space<hbm>> -> memref<1x128x128xf32, #tpu.memory_space<hbm>>
      %dma_wait3A_84 = tpu.memref_squeeze %dma_wait3A_83 : memref<1x128x128xf32, #tpu.memory_space<hbm>> -> memref<128x128xf32, #tpu.memory_space<hbm>>
      %dma_wait3A_85 = arith.constant 0 : i32
      %dma_wait3A_86 = tpu.memref_slice %arg7[%add3A_50, %dma_wait3A_85] : memref<10240x128xf32, #tpu.memory_space<vmem_shared>> -> memref<128x128xf32, #tpu.memory_space<vmem_shared>>
      tpu.wait_dma2 semaphore(%run_scoped3A : memref<!tpu.dma_semaphore, #tpu.memory_space<semaphore_mem>>) src(%dma_wait3A_86 : memref<128x128xf32, #tpu.memory_space<vmem_shared>>) dst(%dma_wait3A_84 : memref<128x128xf32, #tpu.memory_space<hbm>>)
      tpu.yield
    }) : () -> ()
    %mul3A_55 = arith.constant 640 : i32
    %mul3A_56 = arith.muli %arg1, %mul3A_55 : i32
    %add3A_57 = arith.constant 256 : i32
    %add3A_58 = arith.addi %mul3A_56, %add3A_57 : i32
    %mul3A_59 = arith.constant 640 : i32
    %mul3A_60 = arith.muli %arg1, %mul3A_59 : i32
    %add3A_61 = arith.constant 256 : i32
    %add3A_62 = arith.addi %mul3A_60, %add3A_61 : i32
    "tpu.region"() ({
      %run_scoped3A = tpu.sem_alloc : memref<!tpu.dma_semaphore, #tpu.memory_space<semaphore_mem>>
      %dma_start3A = arith.constant 0 : i32
      %dma_start3A_79 = tpu.memref_slice %arg3[%arg0, %add3A_62, %dma_start3A] : memref<2x10240x128xf32, #tpu.memory_space<hbm>> -> memref<1x128x128xf32, #tpu.memory_space<hbm>>
      %dma_start3A_80 = tpu.memref_squeeze %dma_start3A_79 : memref<1x128x128xf32, #tpu.memory_space<hbm>> -> memref<128x128xf32, #tpu.memory_space<hbm>>
      %dma_start3A_81 = arith.constant 0 : i32
      %dma_start3A_82 = tpu.memref_slice %arg7[%add3A_58, %dma_start3A_81] : memref<10240x128xf32, #tpu.memory_space<vmem_shared>> -> memref<128x128xf32, #tpu.memory_space<vmem_shared>>
      tpu.enqueue_dma source(%dma_start3A_82 : memref<128x128xf32, #tpu.memory_space<vmem_shared>>) target(%dma_start3A_80 : memref<128x128xf32, #tpu.memory_space<hbm>>) target_semaphore(%run_scoped3A : memref<!tpu.dma_semaphore, #tpu.memory_space<semaphore_mem>>)
      %dma_wait3A = arith.constant 0 : i32
      %dma_wait3A_83 = tpu.memref_slice %arg3[%arg0, %add3A_62, %dma_wait3A] : memref<2x10240x128xf32, #tpu.memory_space<hbm>> -> memref<1x128x128xf32, #tpu.memory_space<hbm>>
      %dma_wait3A_84 = tpu.memref_squeeze %dma_wait3A_83 : memref<1x128x128xf32, #tpu.memory_space<hbm>> -> memref<128x128xf32, #tpu.memory_space<hbm>>
      %dma_wait3A_85 = arith.constant 0 : i32
      %dma_wait3A_86 = tpu.memref_slice %arg7[%add3A_58, %dma_wait3A_85] : memref<10240x128xf32, #tpu.memory_space<vmem_shared>> -> memref<128x128xf32, #tpu.memory_space<vmem_shared>>
      tpu.wait_dma2 semaphore(%run_scoped3A : memref<!tpu.dma_semaphore, #tpu.memory_space<semaphore_mem>>) src(%dma_wait3A_86 : memref<128x128xf32, #tpu.memory_space<vmem_shared>>) dst(%dma_wait3A_84 : memref<128x128xf32, #tpu.memory_space<hbm>>)
      tpu.yield
    }) : () -> ()
    %mul3A_63 = arith.constant 640 : i32
    %mul3A_64 = arith.muli %arg1, %mul3A_63 : i32
    %add3A_65 = arith.constant 384 : i32
    %add3A_66 = arith.addi %mul3A_64, %add3A_65 : i32
    %mul3A_67 = arith.constant 640 : i32
    %mul3A_68 = arith.muli %arg1, %mul3A_67 : i32
    %add3A_69 = arith.constant 384 : i32
    %add3A_70 = arith.addi %mul3A_68, %add3A_69 : i32
    "tpu.region"() ({
      %run_scoped3A = tpu.sem_alloc : memref<!tpu.dma_semaphore, #tpu.memory_space<semaphore_mem>>
      %dma_start3A = arith.constant 0 : i32
      %dma_start3A_79 = tpu.memref_slice %arg3[%arg0, %add3A_70, %dma_start3A] : memref<2x10240x128xf32, #tpu.memory_space<hbm>> -> memref<1x128x128xf32, #tpu.memory_space<hbm>>
      %dma_start3A_80 = tpu.memref_squeeze %dma_start3A_79 : memref<1x128x128xf32, #tpu.memory_space<hbm>> -> memref<128x128xf32, #tpu.memory_space<hbm>>
      %dma_start3A_81 = arith.constant 0 : i32
      %dma_start3A_82 = tpu.memref_slice %arg7[%add3A_66, %dma_start3A_81] : memref<10240x128xf32, #tpu.memory_space<vmem_shared>> -> memref<128x128xf32, #tpu.memory_space<vmem_shared>>
      tpu.enqueue_dma source(%dma_start3A_82 : memref<128x128xf32, #tpu.memory_space<vmem_shared>>) target(%dma_start3A_80 : memref<128x128xf32, #tpu.memory_space<hbm>>) target_semaphore(%run_scoped3A : memref<!tpu.dma_semaphore, #tpu.memory_space<semaphore_mem>>)
      %dma_wait3A = arith.constant 0 : i32
      %dma_wait3A_83 = tpu.memref_slice %arg3[%arg0, %add3A_70, %dma_wait3A] : memref<2x10240x128xf32, #tpu.memory_space<hbm>> -> memref<1x128x128xf32, #tpu.memory_space<hbm>>
      %dma_wait3A_84 = tpu.memref_squeeze %dma_wait3A_83 : memref<1x128x128xf32, #tpu.memory_space<hbm>> -> memref<128x128xf32, #tpu.memory_space<hbm>>
      %dma_wait3A_85 = arith.constant 0 : i32
      %dma_wait3A_86 = tpu.memref_slice %arg7[%add3A_66, %dma_wait3A_85] : memref<10240x128xf32, #tpu.memory_space<vmem_shared>> -> memref<128x128xf32, #tpu.memory_space<vmem_shared>>
      tpu.wait_dma2 semaphore(%run_scoped3A : memref<!tpu.dma_semaphore, #tpu.memory_space<semaphore_mem>>) src(%dma_wait3A_86 : memref<128x128xf32, #tpu.memory_space<vmem_shared>>) dst(%dma_wait3A_84 : memref<128x128xf32, #tpu.memory_space<hbm>>)
      tpu.yield
    }) : () -> ()
    %mul3A_71 = arith.constant 640 : i32
    %mul3A_72 = arith.muli %arg1, %mul3A_71 : i32
    %add3A_73 = arith.constant 512 : i32
    %add3A_74 = arith.addi %mul3A_72, %add3A_73 : i32
    %mul3A_75 = arith.constant 640 : i32
    %mul3A_76 = arith.muli %arg1, %mul3A_75 : i32
    %add3A_77 = arith.constant 512 : i32
    %add3A_78 = arith.addi %mul3A_76, %add3A_77 : i32
    "tpu.region"() ({
      %run_scoped3A = tpu.sem_alloc : memref<!tpu.dma_semaphore, #tpu.memory_space<semaphore_mem>>
      %dma_start3A = arith.constant 0 : i32
      %dma_start3A_79 = tpu.memref_slice %arg3[%arg0, %add3A_78, %dma_start3A] : memref<2x10240x128xf32, #tpu.memory_space<hbm>> -> memref<1x128x128xf32, #tpu.memory_space<hbm>>
      %dma_start3A_80 = tpu.memref_squeeze %dma_start3A_79 : memref<1x128x128xf32, #tpu.memory_space<hbm>> -> memref<128x128xf32, #tpu.memory_space<hbm>>
      %dma_start3A_81 = arith.constant 0 : i32
      %dma_start3A_82 = tpu.memref_slice %arg7[%add3A_74, %dma_start3A_81] : memref<10240x128xf32, #tpu.memory_space<vmem_shared>> -> memref<128x128xf32, #tpu.memory_space<vmem_shared>>
      tpu.enqueue_dma source(%dma_start3A_82 : memref<128x128xf32, #tpu.memory_space<vmem_shared>>) target(%dma_start3A_80 : memref<128x128xf32, #tpu.memory_space<hbm>>) target_semaphore(%run_scoped3A : memref<!tpu.dma_semaphore, #tpu.memory_space<semaphore_mem>>)
      %dma_wait3A = arith.constant 0 : i32
      %dma_wait3A_83 = tpu.memref_slice %arg3[%arg0, %add3A_78, %dma_wait3A] : memref<2x10240x128xf32, #tpu.memory_space<hbm>> -> memref<1x128x128xf32, #tpu.memory_space<hbm>>
      %dma_wait3A_84 = tpu.memref_squeeze %dma_wait3A_83 : memref<1x128x128xf32, #tpu.memory_space<hbm>> -> memref<128x128xf32, #tpu.memory_space<hbm>>
      %dma_wait3A_85 = arith.constant 0 : i32
      %dma_wait3A_86 = tpu.memref_slice %arg7[%add3A_74, %dma_wait3A_85] : memref<10240x128xf32, #tpu.memory_space<vmem_shared>> -> memref<128x128xf32, #tpu.memory_space<vmem_shared>>
      tpu.wait_dma2 semaphore(%run_scoped3A : memref<!tpu.dma_semaphore, #tpu.memory_space<semaphore_mem>>) src(%dma_wait3A_86 : memref<128x128xf32, #tpu.memory_space<vmem_shared>>) dst(%dma_wait3A_84 : memref<128x128xf32, #tpu.memory_space<hbm>>)
      tpu.yield
    }) : () -> ()
    return
  }
}

#map = affine_map<(d0, d1) -> (0, 0, 0, 0)>
#map1 = affine_map<(d0, d1) -> (0, 0, 0)>
#map2 = affine_map<(d0, d1) -> (0, 0)>
module attributes {stable_mosaic.version = 14 : i64} {
  func.func @_agg(%arg0: i32, %arg1: i32, %arg2: memref<4x16x79x128xi32, #tpu.memory_space<hbm>>, %arg3: memref<16x79x128xi32, #tpu.memory_space<hbm>>, %arg4: memref<40000x128xf32, #tpu.memory_space<hbm>>, %arg5: memref<40000x128xf32, #tpu.memory_space<hbm>>, %arg6: memref<79x128xi32, #tpu.memory_space<vmem>>, %arg7: memref<79x128xi32, #tpu.memory_space<vmem>>, %arg8: memref<128x128xf32, #tpu.memory_space<vmem>>, %arg9: memref<10240x128xf32, #tpu.memory_space<vmem_shared>>, %arg10: memref<!tpu.dma_semaphore, #tpu.memory_space<semaphore_mem>>) attributes {dimension_semantics = [#tpu.dimension_semantics<core_parallel>, #tpu.dimension_semantics<subcore_parallel>], iteration_bounds = array<i64: 2, 16>, scalar_prefetch = 0 : i64, scratch_operands = 5 : i64, tpu.core_type = #tpu.core_type<sc_vector_subcore>, window_params = [{transform_indices = #map}, {transform_indices = #map1}, {transform_indices = #map2}, {transform_indices = #map2}]} {
    %mul3A = arith.constant 640 : i32
    %mul3A_0 = arith.muli %arg1, %mul3A : i32
    %mul3A_1 = arith.constant 2 : i32
    %mul3A_2 = arith.muli %arg0, %mul3A_1 : i32
    %add3A = arith.constant 0 : i32
    %add3A_3 = arith.addi %mul3A_2, %add3A : i32
    %scan3A = arith.constant 0 : i32
    %scan3A_4 = arith.constant 0 : i32
    %scan3A_5 = arith.constant 128 : i32
    %scan3A_6 = arith.addi %scan3A_4, %scan3A_5 : i32
    %scan3A_7 = arith.constant 1 : i32
    scf.for %scan3A_70 = %scan3A_4 to %scan3A_6 step %scan3A_7  : i32 {
      %broadcast_in_dim3A = arith.constant 0.000000e+00 : f32
      %broadcast_in_dim3A_71 = vector.broadcast %broadcast_in_dim3A : f32 to vector<16xf32>
      %swap3A = arith.index_cast %scan3A_70 : i32 to index
      %swap3A_72 = arith.constant 0 : index
      %swap3A_73 = tpu.vector_load %arg8[%swap3A, %swap3A_72] {strides = array<i32>} : memref<128x128xf32, #tpu.memory_space<vmem>>, vector<1x16xf32>,
      %swap3A_74 = vector.shape_cast %swap3A_73 : vector<1x16xf32> to vector<16xf32>
      %swap3A_75 = vector.shape_cast %broadcast_in_dim3A_71 : vector<16xf32> to vector<1x16xf32>
      tpu.vector_store %arg8[%swap3A, %swap3A_72], %swap3A_75 {strides = array<i32>} : memref<128x128xf32, #tpu.memory_space<vmem>>, vector<1x16xf32>,
      %broadcast_in_dim3A_76 = arith.constant 0.000000e+00 : f32
      %broadcast_in_dim3A_77 = vector.broadcast %broadcast_in_dim3A_76 : f32 to vector<16xf32>
      %swap3A_78 = arith.index_cast %scan3A_70 : i32 to index
      %swap3A_79 = arith.constant 16 : index
      %swap3A_80 = tpu.vector_load %arg8[%swap3A_78, %swap3A_79] {strides = array<i32>} : memref<128x128xf32, #tpu.memory_space<vmem>>, vector<1x16xf32>,
      %swap3A_81 = vector.shape_cast %swap3A_80 : vector<1x16xf32> to vector<16xf32>
      %swap3A_82 = vector.shape_cast %broadcast_in_dim3A_77 : vector<16xf32> to vector<1x16xf32>
      tpu.vector_store %arg8[%swap3A_78, %swap3A_79], %swap3A_82 {strides = array<i32>} : memref<128x128xf32, #tpu.memory_space<vmem>>, vector<1x16xf32>,
      %broadcast_in_dim3A_83 = arith.constant 0.000000e+00 : f32
      %broadcast_in_dim3A_84 = vector.broadcast %broadcast_in_dim3A_83 : f32 to vector<16xf32>
      %swap3A_85 = arith.index_cast %scan3A_70 : i32 to index
      %swap3A_86 = arith.constant 32 : index
      %swap3A_87 = tpu.vector_load %arg8[%swap3A_85, %swap3A_86] {strides = array<i32>} : memref<128x128xf32, #tpu.memory_space<vmem>>, vector<1x16xf32>,
      %swap3A_88 = vector.shape_cast %swap3A_87 : vector<1x16xf32> to vector<16xf32>
      %swap3A_89 = vector.shape_cast %broadcast_in_dim3A_84 : vector<16xf32> to vector<1x16xf32>
      tpu.vector_store %arg8[%swap3A_85, %swap3A_86], %swap3A_89 {strides = array<i32>} : memref<128x128xf32, #tpu.memory_space<vmem>>, vector<1x16xf32>,
      %broadcast_in_dim3A_90 = arith.constant 0.000000e+00 : f32
      %broadcast_in_dim3A_91 = vector.broadcast %broadcast_in_dim3A_90 : f32 to vector<16xf32>
      %swap3A_92 = arith.index_cast %scan3A_70 : i32 to index
      %swap3A_93 = arith.constant 48 : index
      %swap3A_94 = tpu.vector_load %arg8[%swap3A_92, %swap3A_93] {strides = array<i32>} : memref<128x128xf32, #tpu.memory_space<vmem>>, vector<1x16xf32>,
      %swap3A_95 = vector.shape_cast %swap3A_94 : vector<1x16xf32> to vector<16xf32>
      %swap3A_96 = vector.shape_cast %broadcast_in_dim3A_91 : vector<16xf32> to vector<1x16xf32>
      tpu.vector_store %arg8[%swap3A_92, %swap3A_93], %swap3A_96 {strides = array<i32>} : memref<128x128xf32, #tpu.memory_space<vmem>>, vector<1x16xf32>,
      %broadcast_in_dim3A_97 = arith.constant 0.000000e+00 : f32
      %broadcast_in_dim3A_98 = vector.broadcast %broadcast_in_dim3A_97 : f32 to vector<16xf32>
      %swap3A_99 = arith.index_cast %scan3A_70 : i32 to index
      %swap3A_100 = arith.constant 64 : index
      %swap3A_101 = tpu.vector_load %arg8[%swap3A_99, %swap3A_100] {strides = array<i32>} : memref<128x128xf32, #tpu.memory_space<vmem>>, vector<1x16xf32>,
      %swap3A_102 = vector.shape_cast %swap3A_101 : vector<1x16xf32> to vector<16xf32>
      %swap3A_103 = vector.shape_cast %broadcast_in_dim3A_98 : vector<16xf32> to vector<1x16xf32>
      tpu.vector_store %arg8[%swap3A_99, %swap3A_100], %swap3A_103 {strides = array<i32>} : memref<128x128xf32, #tpu.memory_space<vmem>>, vector<1x16xf32>,
      %broadcast_in_dim3A_104 = arith.constant 0.000000e+00 : f32
      %broadcast_in_dim3A_105 = vector.broadcast %broadcast_in_dim3A_104 : f32 to vector<16xf32>
      %swap3A_106 = arith.index_cast %scan3A_70 : i32 to index
      %swap3A_107 = arith.constant 80 : index
      %swap3A_108 = tpu.vector_load %arg8[%swap3A_106, %swap3A_107] {strides = array<i32>} : memref<128x128xf32, #tpu.memory_space<vmem>>, vector<1x16xf32>,
      %swap3A_109 = vector.shape_cast %swap3A_108 : vector<1x16xf32> to vector<16xf32>
      %swap3A_110 = vector.shape_cast %broadcast_in_dim3A_105 : vector<16xf32> to vector<1x16xf32>
      tpu.vector_store %arg8[%swap3A_106, %swap3A_107], %swap3A_110 {strides = array<i32>} : memref<128x128xf32, #tpu.memory_space<vmem>>, vector<1x16xf32>,
      %broadcast_in_dim3A_111 = arith.constant 0.000000e+00 : f32
      %broadcast_in_dim3A_112 = vector.broadcast %broadcast_in_dim3A_111 : f32 to vector<16xf32>
      %swap3A_113 = arith.index_cast %scan3A_70 : i32 to index
      %swap3A_114 = arith.constant 96 : index
      %swap3A_115 = tpu.vector_load %arg8[%swap3A_113, %swap3A_114] {strides = array<i32>} : memref<128x128xf32, #tpu.memory_space<vmem>>, vector<1x16xf32>,
      %swap3A_116 = vector.shape_cast %swap3A_115 : vector<1x16xf32> to vector<16xf32>
      %swap3A_117 = vector.shape_cast %broadcast_in_dim3A_112 : vector<16xf32> to vector<1x16xf32>
      tpu.vector_store %arg8[%swap3A_113, %swap3A_114], %swap3A_117 {strides = array<i32>} : memref<128x128xf32, #tpu.memory_space<vmem>>, vector<1x16xf32>,
      %broadcast_in_dim3A_118 = arith.constant 0.000000e+00 : f32
      %broadcast_in_dim3A_119 = vector.broadcast %broadcast_in_dim3A_118 : f32 to vector<16xf32>
      %swap3A_120 = arith.index_cast %scan3A_70 : i32 to index
      %swap3A_121 = arith.constant 112 : index
      %swap3A_122 = tpu.vector_load %arg8[%swap3A_120, %swap3A_121] {strides = array<i32>} : memref<128x128xf32, #tpu.memory_space<vmem>>, vector<1x16xf32>,
      %swap3A_123 = vector.shape_cast %swap3A_122 : vector<1x16xf32> to vector<16xf32>
      %swap3A_124 = vector.shape_cast %broadcast_in_dim3A_119 : vector<16xf32> to vector<1x16xf32>
      tpu.vector_store %arg8[%swap3A_120, %swap3A_121], %swap3A_124 {strides = array<i32>} : memref<128x128xf32, #tpu.memory_space<vmem>>, vector<1x16xf32>,
    }
    %scan3A_8 = arith.constant 128 : i32
    %add3A_9 = arith.constant 0 : i32
    %add3A_10 = arith.addi %mul3A_0, %add3A_9 : i32
    "tpu.region"() ({
      %run_scoped3A = tpu.sem_alloc : memref<!tpu.dma_semaphore, #tpu.memory_space<semaphore_mem>>
      %dma_start3A = arith.constant 0 : i32
      %dma_start3A_70 = tpu.memref_slice %arg9[%add3A_10, %dma_start3A] : memref<10240x128xf32, #tpu.memory_space<vmem_shared>> -> memref<128x128xf32, #tpu.memory_space<vmem_shared>>
      %dma_start3A_71 = arith.constant 0 : i32
      %dma_start3A_72 = tpu.memref_slice %arg9[%add3A_10, %dma_start3A_71] : memref<10240x128xf32, #tpu.memory_space<vmem_shared>> -> memref<128x128xf32, #tpu.memory_space<vmem_shared>>
      tpu.enqueue_dma source(%arg8 : memref<128x128xf32, #tpu.memory_space<vmem>>) target(%dma_start3A_72 : memref<128x128xf32, #tpu.memory_space<vmem_shared>>) target_semaphore(%run_scoped3A : memref<!tpu.dma_semaphore, #tpu.memory_space<semaphore_mem>>)
      %dma_wait3A = arith.constant 0 : i32
      %dma_wait3A_73 = tpu.memref_slice %arg9[%add3A_10, %dma_wait3A] : memref<10240x128xf32, #tpu.memory_space<vmem_shared>> -> memref<128x128xf32, #tpu.memory_space<vmem_shared>>
      %dma_wait3A_74 = arith.constant 0 : i32
      %dma_wait3A_75 = tpu.memref_slice %arg9[%add3A_10, %dma_wait3A_74] : memref<10240x128xf32, #tpu.memory_space<vmem_shared>> -> memref<128x128xf32, #tpu.memory_space<vmem_shared>>
      tpu.wait_dma2 semaphore(%run_scoped3A : memref<!tpu.dma_semaphore, #tpu.memory_space<semaphore_mem>>) src(%arg8 : memref<128x128xf32, #tpu.memory_space<vmem>>) dst(%dma_wait3A_75 : memref<128x128xf32, #tpu.memory_space<vmem_shared>>)
      tpu.yield
    }) : () -> ()
    %add3A_11 = arith.constant 128 : i32
    %add3A_12 = arith.addi %mul3A_0, %add3A_11 : i32
    "tpu.region"() ({
      %run_scoped3A = tpu.sem_alloc : memref<!tpu.dma_semaphore, #tpu.memory_space<semaphore_mem>>
      %dma_start3A = arith.constant 0 : i32
      %dma_start3A_70 = tpu.memref_slice %arg9[%add3A_12, %dma_start3A] : memref<10240x128xf32, #tpu.memory_space<vmem_shared>> -> memref<128x128xf32, #tpu.memory_space<vmem_shared>>
      %dma_start3A_71 = arith.constant 0 : i32
      %dma_start3A_72 = tpu.memref_slice %arg9[%add3A_12, %dma_start3A_71] : memref<10240x128xf32, #tpu.memory_space<vmem_shared>> -> memref<128x128xf32, #tpu.memory_space<vmem_shared>>
      tpu.enqueue_dma source(%arg8 : memref<128x128xf32, #tpu.memory_space<vmem>>) target(%dma_start3A_72 : memref<128x128xf32, #tpu.memory_space<vmem_shared>>) target_semaphore(%run_scoped3A : memref<!tpu.dma_semaphore, #tpu.memory_space<semaphore_mem>>)
      %dma_wait3A = arith.constant 0 : i32
      %dma_wait3A_73 = tpu.memref_slice %arg9[%add3A_12, %dma_wait3A] : memref<10240x128xf32, #tpu.memory_space<vmem_shared>> -> memref<128x128xf32, #tpu.memory_space<vmem_shared>>
      %dma_wait3A_74 = arith.constant 0 : i32
      %dma_wait3A_75 = tpu.memref_slice %arg9[%add3A_12, %dma_wait3A_74] : memref<10240x128xf32, #tpu.memory_space<vmem_shared>> -> memref<128x128xf32, #tpu.memory_space<vmem_shared>>
      tpu.wait_dma2 semaphore(%run_scoped3A : memref<!tpu.dma_semaphore, #tpu.memory_space<semaphore_mem>>) src(%arg8 : memref<128x128xf32, #tpu.memory_space<vmem>>) dst(%dma_wait3A_75 : memref<128x128xf32, #tpu.memory_space<vmem_shared>>)
      tpu.yield
    }) : () -> ()
    %add3A_13 = arith.constant 256 : i32
    %add3A_14 = arith.addi %mul3A_0, %add3A_13 : i32
    "tpu.region"() ({
      %run_scoped3A = tpu.sem_alloc : memref<!tpu.dma_semaphore, #tpu.memory_space<semaphore_mem>>
      %dma_start3A = arith.constant 0 : i32
      %dma_start3A_70 = tpu.memref_slice %arg9[%add3A_14, %dma_start3A] : memref<10240x128xf32, #tpu.memory_space<vmem_shared>> -> memref<128x128xf32, #tpu.memory_space<vmem_shared>>
      %dma_start3A_71 = arith.constant 0 : i32
      %dma_start3A_72 = tpu.memref_slice %arg9[%add3A_14, %dma_start3A_71] : memref<10240x128xf32, #tpu.memory_space<vmem_shared>> -> memref<128x128xf32, #tpu.memory_space<vmem_shared>>
      tpu.enqueue_dma source(%arg8 : memref<128x128xf32, #tpu.memory_space<vmem>>) target(%dma_start3A_72 : memref<128x128xf32, #tpu.memory_space<vmem_shared>>) target_semaphore(%run_scoped3A : memref<!tpu.dma_semaphore, #tpu.memory_space<semaphore_mem>>)
      %dma_wait3A = arith.constant 0 : i32
      %dma_wait3A_73 = tpu.memref_slice %arg9[%add3A_14, %dma_wait3A] : memref<10240x128xf32, #tpu.memory_space<vmem_shared>> -> memref<128x128xf32, #tpu.memory_space<vmem_shared>>
      %dma_wait3A_74 = arith.constant 0 : i32
      %dma_wait3A_75 = tpu.memref_slice %arg9[%add3A_14, %dma_wait3A_74] : memref<10240x128xf32, #tpu.memory_space<vmem_shared>> -> memref<128x128xf32, #tpu.memory_space<vmem_shared>>
      tpu.wait_dma2 semaphore(%run_scoped3A : memref<!tpu.dma_semaphore, #tpu.memory_space<semaphore_mem>>) src(%arg8 : memref<128x128xf32, #tpu.memory_space<vmem>>) dst(%dma_wait3A_75 : memref<128x128xf32, #tpu.memory_space<vmem_shared>>)
      tpu.yield
    }) : () -> ()
    %add3A_15 = arith.constant 384 : i32
    %add3A_16 = arith.addi %mul3A_0, %add3A_15 : i32
    "tpu.region"() ({
      %run_scoped3A = tpu.sem_alloc : memref<!tpu.dma_semaphore, #tpu.memory_space<semaphore_mem>>
      %dma_start3A = arith.constant 0 : i32
      %dma_start3A_70 = tpu.memref_slice %arg9[%add3A_16, %dma_start3A] : memref<10240x128xf32, #tpu.memory_space<vmem_shared>> -> memref<128x128xf32, #tpu.memory_space<vmem_shared>>
      %dma_start3A_71 = arith.constant 0 : i32
      %dma_start3A_72 = tpu.memref_slice %arg9[%add3A_16, %dma_start3A_71] : memref<10240x128xf32, #tpu.memory_space<vmem_shared>> -> memref<128x128xf32, #tpu.memory_space<vmem_shared>>
      tpu.enqueue_dma source(%arg8 : memref<128x128xf32, #tpu.memory_space<vmem>>) target(%dma_start3A_72 : memref<128x128xf32, #tpu.memory_space<vmem_shared>>) target_semaphore(%run_scoped3A : memref<!tpu.dma_semaphore, #tpu.memory_space<semaphore_mem>>)
      %dma_wait3A = arith.constant 0 : i32
      %dma_wait3A_73 = tpu.memref_slice %arg9[%add3A_16, %dma_wait3A] : memref<10240x128xf32, #tpu.memory_space<vmem_shared>> -> memref<128x128xf32, #tpu.memory_space<vmem_shared>>
      %dma_wait3A_74 = arith.constant 0 : i32
      %dma_wait3A_75 = tpu.memref_slice %arg9[%add3A_16, %dma_wait3A_74] : memref<10240x128xf32, #tpu.memory_space<vmem_shared>> -> memref<128x128xf32, #tpu.memory_space<vmem_shared>>
      tpu.wait_dma2 semaphore(%run_scoped3A : memref<!tpu.dma_semaphore, #tpu.memory_space<semaphore_mem>>) src(%arg8 : memref<128x128xf32, #tpu.memory_space<vmem>>) dst(%dma_wait3A_75 : memref<128x128xf32, #tpu.memory_space<vmem_shared>>)
      tpu.yield
    }) : () -> ()
    %add3A_17 = arith.constant 512 : i32
    %add3A_18 = arith.addi %mul3A_0, %add3A_17 : i32
    "tpu.region"() ({
      %run_scoped3A = tpu.sem_alloc : memref<!tpu.dma_semaphore, #tpu.memory_space<semaphore_mem>>
      %dma_start3A = arith.constant 0 : i32
      %dma_start3A_70 = tpu.memref_slice %arg9[%add3A_18, %dma_start3A] : memref<10240x128xf32, #tpu.memory_space<vmem_shared>> -> memref<128x128xf32, #tpu.memory_space<vmem_shared>>
      %dma_start3A_71 = arith.constant 0 : i32
      %dma_start3A_72 = tpu.memref_slice %arg9[%add3A_18, %dma_start3A_71] : memref<10240x128xf32, #tpu.memory_space<vmem_shared>> -> memref<128x128xf32, #tpu.memory_space<vmem_shared>>
      tpu.enqueue_dma source(%arg8 : memref<128x128xf32, #tpu.memory_space<vmem>>) target(%dma_start3A_72 : memref<128x128xf32, #tpu.memory_space<vmem_shared>>) target_semaphore(%run_scoped3A : memref<!tpu.dma_semaphore, #tpu.memory_space<semaphore_mem>>)
      %dma_wait3A = arith.constant 0 : i32
      %dma_wait3A_73 = tpu.memref_slice %arg9[%add3A_18, %dma_wait3A] : memref<10240x128xf32, #tpu.memory_space<vmem_shared>> -> memref<128x128xf32, #tpu.memory_space<vmem_shared>>
      %dma_wait3A_74 = arith.constant 0 : i32
      %dma_wait3A_75 = tpu.memref_slice %arg9[%add3A_18, %dma_wait3A_74] : memref<10240x128xf32, #tpu.memory_space<vmem_shared>> -> memref<128x128xf32, #tpu.memory_space<vmem_shared>>
      tpu.wait_dma2 semaphore(%run_scoped3A : memref<!tpu.dma_semaphore, #tpu.memory_space<semaphore_mem>>) src(%arg8 : memref<128x128xf32, #tpu.memory_space<vmem>>) dst(%dma_wait3A_75 : memref<128x128xf32, #tpu.memory_space<vmem_shared>>)
      tpu.yield
    }) : () -> ()
    %barrier3A = arith.constant 0 : index
    tpu.barrier barrier_id(%barrier3A)
    "tpu.region"() ({
      %run_scoped3A = tpu.sem_alloc : memref<!tpu.dma_semaphore, #tpu.memory_space<semaphore_mem>>
      %dma_start3A = arith.constant 0 : i32
      %dma_start3A_70 = arith.constant 0 : i32
      %dma_start3A_71 = tpu.memref_slice %arg2[%add3A_3, %arg1, %dma_start3A, %dma_start3A_70] : memref<4x16x79x128xi32, #tpu.memory_space<hbm>> -> memref<1x1x79x128xi32, #tpu.memory_space<hbm>>
      %dma_start3A_72 = tpu.memref_squeeze %dma_start3A_71 : memref<1x1x79x128xi32, #tpu.memory_space<hbm>> -> memref<79x128xi32, #tpu.memory_space<hbm>>
      %dma_start3A_73 = arith.constant 0 : i32
      %dma_start3A_74 = arith.constant 0 : i32
      %dma_start3A_75 = tpu.memref_slice %arg2[%add3A_3, %arg1, %dma_start3A_73, %dma_start3A_74] : memref<4x16x79x128xi32, #tpu.memory_space<hbm>> -> memref<1x1x79x128xi32, #tpu.memory_space<hbm>>
      %dma_start3A_76 = tpu.memref_squeeze %dma_start3A_75 : memref<1x1x79x128xi32, #tpu.memory_space<hbm>> -> memref<79x128xi32, #tpu.memory_space<hbm>>
      tpu.enqueue_dma source(%dma_start3A_76 : memref<79x128xi32, #tpu.memory_space<hbm>>) target(%arg6 : memref<79x128xi32, #tpu.memory_space<vmem>>) target_semaphore(%run_scoped3A : memref<!tpu.dma_semaphore, #tpu.memory_space<semaphore_mem>>)
      %dma_wait3A = arith.constant 0 : i32
      %dma_wait3A_77 = arith.constant 0 : i32
      %dma_wait3A_78 = tpu.memref_slice %arg2[%add3A_3, %arg1, %dma_wait3A, %dma_wait3A_77] : memref<4x16x79x128xi32, #tpu.memory_space<hbm>> -> memref<1x1x79x128xi32, #tpu.memory_space<hbm>>
      %dma_wait3A_79 = tpu.memref_squeeze %dma_wait3A_78 : memref<1x1x79x128xi32, #tpu.memory_space<hbm>> -> memref<79x128xi32, #tpu.memory_space<hbm>>
      %dma_wait3A_80 = arith.constant 0 : i32
      %dma_wait3A_81 = arith.constant 0 : i32
      %dma_wait3A_82 = tpu.memref_slice %arg2[%add3A_3, %arg1, %dma_wait3A_80, %dma_wait3A_81] : memref<4x16x79x128xi32, #tpu.memory_space<hbm>> -> memref<1x1x79x128xi32, #tpu.memory_space<hbm>>
      %dma_wait3A_83 = tpu.memref_squeeze %dma_wait3A_82 : memref<1x1x79x128xi32, #tpu.memory_space<hbm>> -> memref<79x128xi32, #tpu.memory_space<hbm>>
      tpu.wait_dma2 semaphore(%run_scoped3A : memref<!tpu.dma_semaphore, #tpu.memory_space<semaphore_mem>>) src(%dma_wait3A_83 : memref<79x128xi32, #tpu.memory_space<hbm>>) dst(%arg6 : memref<79x128xi32, #tpu.memory_space<vmem>>)
      tpu.yield
    }) : () -> ()
    "tpu.region"() ({
      %run_scoped3A = tpu.sem_alloc : memref<!tpu.dma_semaphore, #tpu.memory_space<semaphore_mem>>
      %dma_start3A = arith.constant 0 : i32
      %dma_start3A_70 = arith.constant 0 : i32
      %dma_start3A_71 = tpu.memref_slice %arg3[%arg1, %dma_start3A, %dma_start3A_70] : memref<16x79x128xi32, #tpu.memory_space<hbm>> -> memref<1x79x128xi32, #tpu.memory_space<hbm>>
      %dma_start3A_72 = tpu.memref_squeeze %dma_start3A_71 : memref<1x79x128xi32, #tpu.memory_space<hbm>> -> memref<79x128xi32, #tpu.memory_space<hbm>>
      %dma_start3A_73 = arith.constant 0 : i32
      %dma_start3A_74 = arith.constant 0 : i32
      %dma_start3A_75 = tpu.memref_slice %arg3[%arg1, %dma_start3A_73, %dma_start3A_74] : memref<16x79x128xi32, #tpu.memory_space<hbm>> -> memref<1x79x128xi32, #tpu.memory_space<hbm>>
      %dma_start3A_76 = tpu.memref_squeeze %dma_start3A_75 : memref<1x79x128xi32, #tpu.memory_space<hbm>> -> memref<79x128xi32, #tpu.memory_space<hbm>>
      tpu.enqueue_dma source(%dma_start3A_76 : memref<79x128xi32, #tpu.memory_space<hbm>>) target(%arg7 : memref<79x128xi32, #tpu.memory_space<vmem>>) target_semaphore(%run_scoped3A : memref<!tpu.dma_semaphore, #tpu.memory_space<semaphore_mem>>)
      %dma_wait3A = arith.constant 0 : i32
      %dma_wait3A_77 = arith.constant 0 : i32
      %dma_wait3A_78 = tpu.memref_slice %arg3[%arg1, %dma_wait3A, %dma_wait3A_77] : memref<16x79x128xi32, #tpu.memory_space<hbm>> -> memref<1x79x128xi32, #tpu.memory_space<hbm>>
      %dma_wait3A_79 = tpu.memref_squeeze %dma_wait3A_78 : memref<1x79x128xi32, #tpu.memory_space<hbm>> -> memref<79x128xi32, #tpu.memory_space<hbm>>
      %dma_wait3A_80 = arith.constant 0 : i32
      %dma_wait3A_81 = arith.constant 0 : i32
      %dma_wait3A_82 = tpu.memref_slice %arg3[%arg1, %dma_wait3A_80, %dma_wait3A_81] : memref<16x79x128xi32, #tpu.memory_space<hbm>> -> memref<1x79x128xi32, #tpu.memory_space<hbm>>
      %dma_wait3A_83 = tpu.memref_squeeze %dma_wait3A_82 : memref<1x79x128xi32, #tpu.memory_space<hbm>> -> memref<79x128xi32, #tpu.memory_space<hbm>>
      tpu.wait_dma2 semaphore(%run_scoped3A : memref<!tpu.dma_semaphore, #tpu.memory_space<semaphore_mem>>) src(%dma_wait3A_83 : memref<79x128xi32, #tpu.memory_space<hbm>>) dst(%arg7 : memref<79x128xi32, #tpu.memory_space<vmem>>)
      tpu.yield
    }) : () -> ()
    %scan3A_19 = arith.constant 0 : i32
    %scan3A_20 = arith.constant 0 : i32
    %scan3A_21 = arith.constant 79 : i32
    %scan3A_22 = arith.addi %scan3A_20, %scan3A_21 : i32
    %scan3A_23 = arith.constant 1 : i32
    scf.for %scan3A_70 = %scan3A_20 to %scan3A_22 step %scan3A_23  : i32 {
      %dma_start3A = arith.constant 0 : i32
      %dma_start3A_71 = tpu.memref_slice %arg6[%scan3A_70, %dma_start3A] : memref<79x128xi32, #tpu.memory_space<vmem>> -> memref<1x128xi32, #tpu.memory_space<vmem>>
      %dma_start3A_72 = tpu.memref_squeeze %dma_start3A_71 : memref<1x128xi32, #tpu.memory_space<vmem>> -> memref<128xi32, #tpu.memory_space<vmem>>
      %dma_start3A_73 = arith.constant 0 : i32
      %dma_start3A_74 = arith.constant 0 : i32
      %dma_start3A_75 = tpu.memref_slice %arg4[%dma_start3A_73, %dma_start3A_74] : memref<40000x128xf32, #tpu.memory_space<hbm>> -> memref<40000x128xf32, #tpu.memory_space<hbm>>
      tpu.enqueue_indirect_dma source(%dma_start3A_75 : memref<40000x128xf32, #tpu.memory_space<hbm>>) target(%arg8 : memref<128x128xf32, #tpu.memory_space<vmem>>) offsets(%dma_start3A_72 : memref<128xi32, #tpu.memory_space<vmem>>) semaphore(%arg10 : memref<!tpu.dma_semaphore, #tpu.memory_space<semaphore_mem>>)
      %dma_wait3A = arith.constant 0 : i32
      %dma_wait3A_76 = tpu.memref_slice %arg6[%scan3A_70, %dma_wait3A] : memref<79x128xi32, #tpu.memory_space<vmem>> -> memref<1x128xi32, #tpu.memory_space<vmem>>
      %dma_wait3A_77 = tpu.memref_squeeze %dma_wait3A_76 : memref<1x128xi32, #tpu.memory_space<vmem>> -> memref<128xi32, #tpu.memory_space<vmem>>
      %dma_wait3A_78 = arith.constant 0 : i32
      %dma_wait3A_79 = arith.constant 0 : i32
      %dma_wait3A_80 = tpu.memref_slice %arg4[%dma_wait3A_78, %dma_wait3A_79] : memref<40000x128xf32, #tpu.memory_space<hbm>> -> memref<40000x128xf32, #tpu.memory_space<hbm>>
      tpu.wait_indirect_dma semaphore(%arg10 : memref<!tpu.dma_semaphore, #tpu.memory_space<semaphore_mem>>) src(%dma_wait3A_80 : memref<40000x128xf32, #tpu.memory_space<hbm>>) dst(%arg8 : memref<128x128xf32, #tpu.memory_space<vmem>>)
      "tpu.region"() ({
        %run_scoped3A = tpu.sem_alloc : memref<!tpu.dma_semaphore, #tpu.memory_space<semaphore_mem>>
        %dma_start3A_81 = arith.constant 0 : i32
        %dma_start3A_82 = tpu.memref_slice %arg7[%scan3A_70, %dma_start3A_81] : memref<79x128xi32, #tpu.memory_space<vmem>> -> memref<1x128xi32, #tpu.memory_space<vmem>>
        %dma_start3A_83 = tpu.memref_squeeze %dma_start3A_82 : memref<1x128xi32, #tpu.memory_space<vmem>> -> memref<128xi32, #tpu.memory_space<vmem>>
        %dma_start3A_84 = arith.constant 0 : i32
        %dma_start3A_85 = arith.constant 0 : i32
        %dma_start3A_86 = tpu.memref_slice %arg9[%dma_start3A_84, %dma_start3A_85] : memref<10240x128xf32, #tpu.memory_space<vmem_shared>> -> memref<10240x128xf32, #tpu.memory_space<vmem_shared>>
        tpu.enqueue_indirect_dma source(%arg8 : memref<128x128xf32, #tpu.memory_space<vmem>>) target(%dma_start3A_86 : memref<10240x128xf32, #tpu.memory_space<vmem_shared>>) offsets(%dma_start3A_83 : memref<128xi32, #tpu.memory_space<vmem>>) semaphore(%run_scoped3A : memref<!tpu.dma_semaphore, #tpu.memory_space<semaphore_mem>>) {add = true}
        %dma_wait3A_87 = arith.constant 0 : i32
        %dma_wait3A_88 = tpu.memref_slice %arg7[%scan3A_70, %dma_wait3A_87] : memref<79x128xi32, #tpu.memory_space<vmem>> -> memref<1x128xi32, #tpu.memory_space<vmem>>
        %dma_wait3A_89 = tpu.memref_squeeze %dma_wait3A_88 : memref<1x128xi32, #tpu.memory_space<vmem>> -> memref<128xi32, #tpu.memory_space<vmem>>
        %dma_wait3A_90 = arith.constant 0 : i32
        %dma_wait3A_91 = arith.constant 0 : i32
        %dma_wait3A_92 = tpu.memref_slice %arg9[%dma_wait3A_90, %dma_wait3A_91] : memref<10240x128xf32, #tpu.memory_space<vmem_shared>> -> memref<10240x128xf32, #tpu.memory_space<vmem_shared>>
        tpu.wait_indirect_dma semaphore(%run_scoped3A : memref<!tpu.dma_semaphore, #tpu.memory_space<semaphore_mem>>) src(%arg8 : memref<128x128xf32, #tpu.memory_space<vmem>>) dst(%dma_wait3A_92 : memref<10240x128xf32, #tpu.memory_space<vmem_shared>>)
        tpu.yield
      }) : () -> ()
    }
    %scan3A_24 = arith.constant 79 : i32
    %barrier3A_25 = arith.constant 0 : index
    tpu.barrier barrier_id(%barrier3A_25)
    %lt3A = arith.constant 15 : i32
    %lt3A_26 = arith.cmpi slt, %arg1, %lt3A : i32
    %convert_element_type3A = arith.extui %lt3A_26 : i1 to i32
    %cond3A = arith.constant 0 : i32
    %cond3A_27 = arith.cmpi ne, %convert_element_type3A, %cond3A : i32
    scf.if %cond3A_27 {
      %mul3A_70 = arith.constant 10000 : i32
      %mul3A_71 = arith.muli %add3A_3, %mul3A_70 : i32
      %add3A_72 = arith.addi %mul3A_71, %mul3A_0 : i32
      "tpu.region"() ({
        %run_scoped3A = tpu.sem_alloc : memref<!tpu.dma_semaphore, #tpu.memory_space<semaphore_mem>>
        %dma_start3A = arith.constant 0 : i32
        %dma_start3A_73 = tpu.memref_slice %arg5[%add3A_72, %dma_start3A] : memref<40000x128xf32, #tpu.memory_space<hbm>> -> memref<640x128xf32, #tpu.memory_space<hbm>>
        %dma_start3A_74 = arith.constant 0 : i32
        %dma_start3A_75 = tpu.memref_slice %arg9[%mul3A_0, %dma_start3A_74] : memref<10240x128xf32, #tpu.memory_space<vmem_shared>> -> memref<640x128xf32, #tpu.memory_space<vmem_shared>>
        tpu.enqueue_dma source(%dma_start3A_75 : memref<640x128xf32, #tpu.memory_space<vmem_shared>>) target(%dma_start3A_73 : memref<640x128xf32, #tpu.memory_space<hbm>>) target_semaphore(%run_scoped3A : memref<!tpu.dma_semaphore, #tpu.memory_space<semaphore_mem>>)
        %dma_wait3A = arith.constant 0 : i32
        %dma_wait3A_76 = tpu.memref_slice %arg5[%add3A_72, %dma_wait3A] : memref<40000x128xf32, #tpu.memory_space<hbm>> -> memref<640x128xf32, #tpu.memory_space<hbm>>
        %dma_wait3A_77 = arith.constant 0 : i32
        %dma_wait3A_78 = tpu.memref_slice %arg9[%mul3A_0, %dma_wait3A_77] : memref<10240x128xf32, #tpu.memory_space<vmem_shared>> -> memref<640x128xf32, #tpu.memory_space<vmem_shared>>
        tpu.wait_dma2 semaphore(%run_scoped3A : memref<!tpu.dma_semaphore, #tpu.memory_space<semaphore_mem>>) src(%dma_wait3A_78 : memref<640x128xf32, #tpu.memory_space<vmem_shared>>) dst(%dma_wait3A_76 : memref<640x128xf32, #tpu.memory_space<hbm>>)
        tpu.yield
      }) : () -> ()
    } else {
    }
    %eq3A = arith.constant 15 : i32
    %eq3A_28 = arith.cmpi eq, %arg1, %eq3A : i32
    %convert_element_type3A_29 = arith.extui %eq3A_28 : i1 to i32
    %cond3A_30 = arith.constant 0 : i32
    %cond3A_31 = arith.cmpi ne, %convert_element_type3A_29, %cond3A_30 : i32
    scf.if %cond3A_31 {
      %mul3A_70 = arith.constant 10000 : i32
      %mul3A_71 = arith.muli %add3A_3, %mul3A_70 : i32
      %add3A_72 = arith.addi %mul3A_71, %mul3A_0 : i32
      "tpu.region"() ({
        %run_scoped3A = tpu.sem_alloc : memref<!tpu.dma_semaphore, #tpu.memory_space<semaphore_mem>>
        %dma_start3A = arith.constant 0 : i32
        %dma_start3A_73 = tpu.memref_slice %arg5[%add3A_72, %dma_start3A] : memref<40000x128xf32, #tpu.memory_space<hbm>> -> memref<400x128xf32, #tpu.memory_space<hbm>>
        %dma_start3A_74 = arith.constant 0 : i32
        %dma_start3A_75 = tpu.memref_slice %arg9[%mul3A_0, %dma_start3A_74] : memref<10240x128xf32, #tpu.memory_space<vmem_shared>> -> memref<400x128xf32, #tpu.memory_space<vmem_shared>>
        tpu.enqueue_dma source(%dma_start3A_75 : memref<400x128xf32, #tpu.memory_space<vmem_shared>>) target(%dma_start3A_73 : memref<400x128xf32, #tpu.memory_space<hbm>>) target_semaphore(%run_scoped3A : memref<!tpu.dma_semaphore, #tpu.memory_space<semaphore_mem>>)
        %dma_wait3A = arith.constant 0 : i32
        %dma_wait3A_76 = tpu.memref_slice %arg5[%add3A_72, %dma_wait3A] : memref<40000x128xf32, #tpu.memory_space<hbm>> -> memref<400x128xf32, #tpu.memory_space<hbm>>
        %dma_wait3A_77 = arith.constant 0 : i32
        %dma_wait3A_78 = tpu.memref_slice %arg9[%mul3A_0, %dma_wait3A_77] : memref<10240x128xf32, #tpu.memory_space<vmem_shared>> -> memref<400x128xf32, #tpu.memory_space<vmem_shared>>
        tpu.wait_dma2 semaphore(%run_scoped3A : memref<!tpu.dma_semaphore, #tpu.memory_space<semaphore_mem>>) src(%dma_wait3A_78 : memref<400x128xf32, #tpu.memory_space<vmem_shared>>) dst(%dma_wait3A_76 : memref<400x128xf32, #tpu.memory_space<hbm>>)
        tpu.yield
      }) : () -> ()
    } else {
    }
    %mul3A_32 = arith.constant 2 : i32
    %mul3A_33 = arith.muli %arg0, %mul3A_32 : i32
    %add3A_34 = arith.constant 1 : i32
    %add3A_35 = arith.addi %mul3A_33, %add3A_34 : i32
    %scan3A_36 = arith.constant 0 : i32
    %scan3A_37 = arith.constant 0 : i32
    %scan3A_38 = arith.constant 128 : i32
    %scan3A_39 = arith.addi %scan3A_37, %scan3A_38 : i32
    %scan3A_40 = arith.constant 1 : i32
    scf.for %scan3A_70 = %scan3A_37 to %scan3A_39 step %scan3A_40  : i32 {
      %broadcast_in_dim3A = arith.constant 0.000000e+00 : f32
      %broadcast_in_dim3A_71 = vector.broadcast %broadcast_in_dim3A : f32 to vector<16xf32>
      %swap3A = arith.index_cast %scan3A_70 : i32 to index
      %swap3A_72 = arith.constant 0 : index
      %swap3A_73 = tpu.vector_load %arg8[%swap3A, %swap3A_72] {strides = array<i32>} : memref<128x128xf32, #tpu.memory_space<vmem>>, vector<1x16xf32>,
      %swap3A_74 = vector.shape_cast %swap3A_73 : vector<1x16xf32> to vector<16xf32>
      %swap3A_75 = vector.shape_cast %broadcast_in_dim3A_71 : vector<16xf32> to vector<1x16xf32>
      tpu.vector_store %arg8[%swap3A, %swap3A_72], %swap3A_75 {strides = array<i32>} : memref<128x128xf32, #tpu.memory_space<vmem>>, vector<1x16xf32>,
      %broadcast_in_dim3A_76 = arith.constant 0.000000e+00 : f32
      %broadcast_in_dim3A_77 = vector.broadcast %broadcast_in_dim3A_76 : f32 to vector<16xf32>
      %swap3A_78 = arith.index_cast %scan3A_70 : i32 to index
      %swap3A_79 = arith.constant 16 : index
      %swap3A_80 = tpu.vector_load %arg8[%swap3A_78, %swap3A_79] {strides = array<i32>} : memref<128x128xf32, #tpu.memory_space<vmem>>, vector<1x16xf32>,
      %swap3A_81 = vector.shape_cast %swap3A_80 : vector<1x16xf32> to vector<16xf32>
      %swap3A_82 = vector.shape_cast %broadcast_in_dim3A_77 : vector<16xf32> to vector<1x16xf32>
      tpu.vector_store %arg8[%swap3A_78, %swap3A_79], %swap3A_82 {strides = array<i32>} : memref<128x128xf32, #tpu.memory_space<vmem>>, vector<1x16xf32>,
      %broadcast_in_dim3A_83 = arith.constant 0.000000e+00 : f32
      %broadcast_in_dim3A_84 = vector.broadcast %broadcast_in_dim3A_83 : f32 to vector<16xf32>
      %swap3A_85 = arith.index_cast %scan3A_70 : i32 to index
      %swap3A_86 = arith.constant 32 : index
      %swap3A_87 = tpu.vector_load %arg8[%swap3A_85, %swap3A_86] {strides = array<i32>} : memref<128x128xf32, #tpu.memory_space<vmem>>, vector<1x16xf32>,
      %swap3A_88 = vector.shape_cast %swap3A_87 : vector<1x16xf32> to vector<16xf32>
      %swap3A_89 = vector.shape_cast %broadcast_in_dim3A_84 : vector<16xf32> to vector<1x16xf32>
      tpu.vector_store %arg8[%swap3A_85, %swap3A_86], %swap3A_89 {strides = array<i32>} : memref<128x128xf32, #tpu.memory_space<vmem>>, vector<1x16xf32>,
      %broadcast_in_dim3A_90 = arith.constant 0.000000e+00 : f32
      %broadcast_in_dim3A_91 = vector.broadcast %broadcast_in_dim3A_90 : f32 to vector<16xf32>
      %swap3A_92 = arith.index_cast %scan3A_70 : i32 to index
      %swap3A_93 = arith.constant 48 : index
      %swap3A_94 = tpu.vector_load %arg8[%swap3A_92, %swap3A_93] {strides = array<i32>} : memref<128x128xf32, #tpu.memory_space<vmem>>, vector<1x16xf32>,
      %swap3A_95 = vector.shape_cast %swap3A_94 : vector<1x16xf32> to vector<16xf32>
      %swap3A_96 = vector.shape_cast %broadcast_in_dim3A_91 : vector<16xf32> to vector<1x16xf32>
      tpu.vector_store %arg8[%swap3A_92, %swap3A_93], %swap3A_96 {strides = array<i32>} : memref<128x128xf32, #tpu.memory_space<vmem>>, vector<1x16xf32>,
      %broadcast_in_dim3A_97 = arith.constant 0.000000e+00 : f32
      %broadcast_in_dim3A_98 = vector.broadcast %broadcast_in_dim3A_97 : f32 to vector<16xf32>
      %swap3A_99 = arith.index_cast %scan3A_70 : i32 to index
      %swap3A_100 = arith.constant 64 : index
      %swap3A_101 = tpu.vector_load %arg8[%swap3A_99, %swap3A_100] {strides = array<i32>} : memref<128x128xf32, #tpu.memory_space<vmem>>, vector<1x16xf32>,
      %swap3A_102 = vector.shape_cast %swap3A_101 : vector<1x16xf32> to vector<16xf32>
      %swap3A_103 = vector.shape_cast %broadcast_in_dim3A_98 : vector<16xf32> to vector<1x16xf32>
      tpu.vector_store %arg8[%swap3A_99, %swap3A_100], %swap3A_103 {strides = array<i32>} : memref<128x128xf32, #tpu.memory_space<vmem>>, vector<1x16xf32>,
      %broadcast_in_dim3A_104 = arith.constant 0.000000e+00 : f32
      %broadcast_in_dim3A_105 = vector.broadcast %broadcast_in_dim3A_104 : f32 to vector<16xf32>
      %swap3A_106 = arith.index_cast %scan3A_70 : i32 to index
      %swap3A_107 = arith.constant 80 : index
      %swap3A_108 = tpu.vector_load %arg8[%swap3A_106, %swap3A_107] {strides = array<i32>} : memref<128x128xf32, #tpu.memory_space<vmem>>, vector<1x16xf32>,
      %swap3A_109 = vector.shape_cast %swap3A_108 : vector<1x16xf32> to vector<16xf32>
      %swap3A_110 = vector.shape_cast %broadcast_in_dim3A_105 : vector<16xf32> to vector<1x16xf32>
      tpu.vector_store %arg8[%swap3A_106, %swap3A_107], %swap3A_110 {strides = array<i32>} : memref<128x128xf32, #tpu.memory_space<vmem>>, vector<1x16xf32>,
      %broadcast_in_dim3A_111 = arith.constant 0.000000e+00 : f32
      %broadcast_in_dim3A_112 = vector.broadcast %broadcast_in_dim3A_111 : f32 to vector<16xf32>
      %swap3A_113 = arith.index_cast %scan3A_70 : i32 to index
      %swap3A_114 = arith.constant 96 : index
      %swap3A_115 = tpu.vector_load %arg8[%swap3A_113, %swap3A_114] {strides = array<i32>} : memref<128x128xf32, #tpu.memory_space<vmem>>, vector<1x16xf32>,
      %swap3A_116 = vector.shape_cast %swap3A_115 : vector<1x16xf32> to vector<16xf32>
      %swap3A_117 = vector.shape_cast %broadcast_in_dim3A_112 : vector<16xf32> to vector<1x16xf32>
      tpu.vector_store %arg8[%swap3A_113, %swap3A_114], %swap3A_117 {strides = array<i32>} : memref<128x128xf32, #tpu.memory_space<vmem>>, vector<1x16xf32>,
      %broadcast_in_dim3A_118 = arith.constant 0.000000e+00 : f32
      %broadcast_in_dim3A_119 = vector.broadcast %broadcast_in_dim3A_118 : f32 to vector<16xf32>
      %swap3A_120 = arith.index_cast %scan3A_70 : i32 to index
      %swap3A_121 = arith.constant 112 : index
      %swap3A_122 = tpu.vector_load %arg8[%swap3A_120, %swap3A_121] {strides = array<i32>} : memref<128x128xf32, #tpu.memory_space<vmem>>, vector<1x16xf32>,
      %swap3A_123 = vector.shape_cast %swap3A_122 : vector<1x16xf32> to vector<16xf32>
      %swap3A_124 = vector.shape_cast %broadcast_in_dim3A_119 : vector<16xf32> to vector<1x16xf32>
      tpu.vector_store %arg8[%swap3A_120, %swap3A_121], %swap3A_124 {strides = array<i32>} : memref<128x128xf32, #tpu.memory_space<vmem>>, vector<1x16xf32>,
    }
    %scan3A_41 = arith.constant 128 : i32
    %add3A_42 = arith.constant 0 : i32
    %add3A_43 = arith.addi %mul3A_0, %add3A_42 : i32
    "tpu.region"() ({
      %run_scoped3A = tpu.sem_alloc : memref<!tpu.dma_semaphore, #tpu.memory_space<semaphore_mem>>
      %dma_start3A = arith.constant 0 : i32
      %dma_start3A_70 = tpu.memref_slice %arg9[%add3A_43, %dma_start3A] : memref<10240x128xf32, #tpu.memory_space<vmem_shared>> -> memref<128x128xf32, #tpu.memory_space<vmem_shared>>
      %dma_start3A_71 = arith.constant 0 : i32
      %dma_start3A_72 = tpu.memref_slice %arg9[%add3A_43, %dma_start3A_71] : memref<10240x128xf32, #tpu.memory_space<vmem_shared>> -> memref<128x128xf32, #tpu.memory_space<vmem_shared>>
      tpu.enqueue_dma source(%arg8 : memref<128x128xf32, #tpu.memory_space<vmem>>) target(%dma_start3A_72 : memref<128x128xf32, #tpu.memory_space<vmem_shared>>) target_semaphore(%run_scoped3A : memref<!tpu.dma_semaphore, #tpu.memory_space<semaphore_mem>>)
      %dma_wait3A = arith.constant 0 : i32
      %dma_wait3A_73 = tpu.memref_slice %arg9[%add3A_43, %dma_wait3A] : memref<10240x128xf32, #tpu.memory_space<vmem_shared>> -> memref<128x128xf32, #tpu.memory_space<vmem_shared>>
      %dma_wait3A_74 = arith.constant 0 : i32
      %dma_wait3A_75 = tpu.memref_slice %arg9[%add3A_43, %dma_wait3A_74] : memref<10240x128xf32, #tpu.memory_space<vmem_shared>> -> memref<128x128xf32, #tpu.memory_space<vmem_shared>>
      tpu.wait_dma2 semaphore(%run_scoped3A : memref<!tpu.dma_semaphore, #tpu.memory_space<semaphore_mem>>) src(%arg8 : memref<128x128xf32, #tpu.memory_space<vmem>>) dst(%dma_wait3A_75 : memref<128x128xf32, #tpu.memory_space<vmem_shared>>)
      tpu.yield
    }) : () -> ()
    %add3A_44 = arith.constant 128 : i32
    %add3A_45 = arith.addi %mul3A_0, %add3A_44 : i32
    "tpu.region"() ({
      %run_scoped3A = tpu.sem_alloc : memref<!tpu.dma_semaphore, #tpu.memory_space<semaphore_mem>>
      %dma_start3A = arith.constant 0 : i32
      %dma_start3A_70 = tpu.memref_slice %arg9[%add3A_45, %dma_start3A] : memref<10240x128xf32, #tpu.memory_space<vmem_shared>> -> memref<128x128xf32, #tpu.memory_space<vmem_shared>>
      %dma_start3A_71 = arith.constant 0 : i32
      %dma_start3A_72 = tpu.memref_slice %arg9[%add3A_45, %dma_start3A_71] : memref<10240x128xf32, #tpu.memory_space<vmem_shared>> -> memref<128x128xf32, #tpu.memory_space<vmem_shared>>
      tpu.enqueue_dma source(%arg8 : memref<128x128xf32, #tpu.memory_space<vmem>>) target(%dma_start3A_72 : memref<128x128xf32, #tpu.memory_space<vmem_shared>>) target_semaphore(%run_scoped3A : memref<!tpu.dma_semaphore, #tpu.memory_space<semaphore_mem>>)
      %dma_wait3A = arith.constant 0 : i32
      %dma_wait3A_73 = tpu.memref_slice %arg9[%add3A_45, %dma_wait3A] : memref<10240x128xf32, #tpu.memory_space<vmem_shared>> -> memref<128x128xf32, #tpu.memory_space<vmem_shared>>
      %dma_wait3A_74 = arith.constant 0 : i32
      %dma_wait3A_75 = tpu.memref_slice %arg9[%add3A_45, %dma_wait3A_74] : memref<10240x128xf32, #tpu.memory_space<vmem_shared>> -> memref<128x128xf32, #tpu.memory_space<vmem_shared>>
      tpu.wait_dma2 semaphore(%run_scoped3A : memref<!tpu.dma_semaphore, #tpu.memory_space<semaphore_mem>>) src(%arg8 : memref<128x128xf32, #tpu.memory_space<vmem>>) dst(%dma_wait3A_75 : memref<128x128xf32, #tpu.memory_space<vmem_shared>>)
      tpu.yield
    }) : () -> ()
    %add3A_46 = arith.constant 256 : i32
    %add3A_47 = arith.addi %mul3A_0, %add3A_46 : i32
    "tpu.region"() ({
      %run_scoped3A = tpu.sem_alloc : memref<!tpu.dma_semaphore, #tpu.memory_space<semaphore_mem>>
      %dma_start3A = arith.constant 0 : i32
      %dma_start3A_70 = tpu.memref_slice %arg9[%add3A_47, %dma_start3A] : memref<10240x128xf32, #tpu.memory_space<vmem_shared>> -> memref<128x128xf32, #tpu.memory_space<vmem_shared>>
      %dma_start3A_71 = arith.constant 0 : i32
      %dma_start3A_72 = tpu.memref_slice %arg9[%add3A_47, %dma_start3A_71] : memref<10240x128xf32, #tpu.memory_space<vmem_shared>> -> memref<128x128xf32, #tpu.memory_space<vmem_shared>>
      tpu.enqueue_dma source(%arg8 : memref<128x128xf32, #tpu.memory_space<vmem>>) target(%dma_start3A_72 : memref<128x128xf32, #tpu.memory_space<vmem_shared>>) target_semaphore(%run_scoped3A : memref<!tpu.dma_semaphore, #tpu.memory_space<semaphore_mem>>)
      %dma_wait3A = arith.constant 0 : i32
      %dma_wait3A_73 = tpu.memref_slice %arg9[%add3A_47, %dma_wait3A] : memref<10240x128xf32, #tpu.memory_space<vmem_shared>> -> memref<128x128xf32, #tpu.memory_space<vmem_shared>>
      %dma_wait3A_74 = arith.constant 0 : i32
      %dma_wait3A_75 = tpu.memref_slice %arg9[%add3A_47, %dma_wait3A_74] : memref<10240x128xf32, #tpu.memory_space<vmem_shared>> -> memref<128x128xf32, #tpu.memory_space<vmem_shared>>
      tpu.wait_dma2 semaphore(%run_scoped3A : memref<!tpu.dma_semaphore, #tpu.memory_space<semaphore_mem>>) src(%arg8 : memref<128x128xf32, #tpu.memory_space<vmem>>) dst(%dma_wait3A_75 : memref<128x128xf32, #tpu.memory_space<vmem_shared>>)
      tpu.yield
    }) : () -> ()
    %add3A_48 = arith.constant 384 : i32
    %add3A_49 = arith.addi %mul3A_0, %add3A_48 : i32
    "tpu.region"() ({
      %run_scoped3A = tpu.sem_alloc : memref<!tpu.dma_semaphore, #tpu.memory_space<semaphore_mem>>
      %dma_start3A = arith.constant 0 : i32
      %dma_start3A_70 = tpu.memref_slice %arg9[%add3A_49, %dma_start3A] : memref<10240x128xf32, #tpu.memory_space<vmem_shared>> -> memref<128x128xf32, #tpu.memory_space<vmem_shared>>
      %dma_start3A_71 = arith.constant 0 : i32
      %dma_start3A_72 = tpu.memref_slice %arg9[%add3A_49, %dma_start3A_71] : memref<10240x128xf32, #tpu.memory_space<vmem_shared>> -> memref<128x128xf32, #tpu.memory_space<vmem_shared>>
      tpu.enqueue_dma source(%arg8 : memref<128x128xf32, #tpu.memory_space<vmem>>) target(%dma_start3A_72 : memref<128x128xf32, #tpu.memory_space<vmem_shared>>) target_semaphore(%run_scoped3A : memref<!tpu.dma_semaphore, #tpu.memory_space<semaphore_mem>>)
      %dma_wait3A = arith.constant 0 : i32
      %dma_wait3A_73 = tpu.memref_slice %arg9[%add3A_49, %dma_wait3A] : memref<10240x128xf32, #tpu.memory_space<vmem_shared>> -> memref<128x128xf32, #tpu.memory_space<vmem_shared>>
      %dma_wait3A_74 = arith.constant 0 : i32
      %dma_wait3A_75 = tpu.memref_slice %arg9[%add3A_49, %dma_wait3A_74] : memref<10240x128xf32, #tpu.memory_space<vmem_shared>> -> memref<128x128xf32, #tpu.memory_space<vmem_shared>>
      tpu.wait_dma2 semaphore(%run_scoped3A : memref<!tpu.dma_semaphore, #tpu.memory_space<semaphore_mem>>) src(%arg8 : memref<128x128xf32, #tpu.memory_space<vmem>>) dst(%dma_wait3A_75 : memref<128x128xf32, #tpu.memory_space<vmem_shared>>)
      tpu.yield
    }) : () -> ()
    %add3A_50 = arith.constant 512 : i32
    %add3A_51 = arith.addi %mul3A_0, %add3A_50 : i32
    "tpu.region"() ({
      %run_scoped3A = tpu.sem_alloc : memref<!tpu.dma_semaphore, #tpu.memory_space<semaphore_mem>>
      %dma_start3A = arith.constant 0 : i32
      %dma_start3A_70 = tpu.memref_slice %arg9[%add3A_51, %dma_start3A] : memref<10240x128xf32, #tpu.memory_space<vmem_shared>> -> memref<128x128xf32, #tpu.memory_space<vmem_shared>>
      %dma_start3A_71 = arith.constant 0 : i32
      %dma_start3A_72 = tpu.memref_slice %arg9[%add3A_51, %dma_start3A_71] : memref<10240x128xf32, #tpu.memory_space<vmem_shared>> -> memref<128x128xf32, #tpu.memory_space<vmem_shared>>
      tpu.enqueue_dma source(%arg8 : memref<128x128xf32, #tpu.memory_space<vmem>>) target(%dma_start3A_72 : memref<128x128xf32, #tpu.memory_space<vmem_shared>>) target_semaphore(%run_scoped3A : memref<!tpu.dma_semaphore, #tpu.memory_space<semaphore_mem>>)
      %dma_wait3A = arith.constant 0 : i32
      %dma_wait3A_73 = tpu.memref_slice %arg9[%add3A_51, %dma_wait3A] : memref<10240x128xf32, #tpu.memory_space<vmem_shared>> -> memref<128x128xf32, #tpu.memory_space<vmem_shared>>
      %dma_wait3A_74 = arith.constant 0 : i32
      %dma_wait3A_75 = tpu.memref_slice %arg9[%add3A_51, %dma_wait3A_74] : memref<10240x128xf32, #tpu.memory_space<vmem_shared>> -> memref<128x128xf32, #tpu.memory_space<vmem_shared>>
      tpu.wait_dma2 semaphore(%run_scoped3A : memref<!tpu.dma_semaphore, #tpu.memory_space<semaphore_mem>>) src(%arg8 : memref<128x128xf32, #tpu.memory_space<vmem>>) dst(%dma_wait3A_75 : memref<128x128xf32, #tpu.memory_space<vmem_shared>>)
      tpu.yield
    }) : () -> ()
    %barrier3A_52 = arith.constant 0 : index
    tpu.barrier barrier_id(%barrier3A_52)
    "tpu.region"() ({
      %run_scoped3A = tpu.sem_alloc : memref<!tpu.dma_semaphore, #tpu.memory_space<semaphore_mem>>
      %dma_start3A = arith.constant 0 : i32
      %dma_start3A_70 = arith.constant 0 : i32
      %dma_start3A_71 = tpu.memref_slice %arg2[%add3A_35, %arg1, %dma_start3A, %dma_start3A_70] : memref<4x16x79x128xi32, #tpu.memory_space<hbm>> -> memref<1x1x79x128xi32, #tpu.memory_space<hbm>>
      %dma_start3A_72 = tpu.memref_squeeze %dma_start3A_71 : memref<1x1x79x128xi32, #tpu.memory_space<hbm>> -> memref<79x128xi32, #tpu.memory_space<hbm>>
      %dma_start3A_73 = arith.constant 0 : i32
      %dma_start3A_74 = arith.constant 0 : i32
      %dma_start3A_75 = tpu.memref_slice %arg2[%add3A_35, %arg1, %dma_start3A_73, %dma_start3A_74] : memref<4x16x79x128xi32, #tpu.memory_space<hbm>> -> memref<1x1x79x128xi32, #tpu.memory_space<hbm>>
      %dma_start3A_76 = tpu.memref_squeeze %dma_start3A_75 : memref<1x1x79x128xi32, #tpu.memory_space<hbm>> -> memref<79x128xi32, #tpu.memory_space<hbm>>
      tpu.enqueue_dma source(%dma_start3A_76 : memref<79x128xi32, #tpu.memory_space<hbm>>) target(%arg6 : memref<79x128xi32, #tpu.memory_space<vmem>>) target_semaphore(%run_scoped3A : memref<!tpu.dma_semaphore, #tpu.memory_space<semaphore_mem>>)
      %dma_wait3A = arith.constant 0 : i32
      %dma_wait3A_77 = arith.constant 0 : i32
      %dma_wait3A_78 = tpu.memref_slice %arg2[%add3A_35, %arg1, %dma_wait3A, %dma_wait3A_77] : memref<4x16x79x128xi32, #tpu.memory_space<hbm>> -> memref<1x1x79x128xi32, #tpu.memory_space<hbm>>
      %dma_wait3A_79 = tpu.memref_squeeze %dma_wait3A_78 : memref<1x1x79x128xi32, #tpu.memory_space<hbm>> -> memref<79x128xi32, #tpu.memory_space<hbm>>
      %dma_wait3A_80 = arith.constant 0 : i32
      %dma_wait3A_81 = arith.constant 0 : i32
      %dma_wait3A_82 = tpu.memref_slice %arg2[%add3A_35, %arg1, %dma_wait3A_80, %dma_wait3A_81] : memref<4x16x79x128xi32, #tpu.memory_space<hbm>> -> memref<1x1x79x128xi32, #tpu.memory_space<hbm>>
      %dma_wait3A_83 = tpu.memref_squeeze %dma_wait3A_82 : memref<1x1x79x128xi32, #tpu.memory_space<hbm>> -> memref<79x128xi32, #tpu.memory_space<hbm>>
      tpu.wait_dma2 semaphore(%run_scoped3A : memref<!tpu.dma_semaphore, #tpu.memory_space<semaphore_mem>>) src(%dma_wait3A_83 : memref<79x128xi32, #tpu.memory_space<hbm>>) dst(%arg6 : memref<79x128xi32, #tpu.memory_space<vmem>>)
      tpu.yield
    }) : () -> ()
    "tpu.region"() ({
      %run_scoped3A = tpu.sem_alloc : memref<!tpu.dma_semaphore, #tpu.memory_space<semaphore_mem>>
      %dma_start3A = arith.constant 0 : i32
      %dma_start3A_70 = arith.constant 0 : i32
      %dma_start3A_71 = tpu.memref_slice %arg3[%arg1, %dma_start3A, %dma_start3A_70] : memref<16x79x128xi32, #tpu.memory_space<hbm>> -> memref<1x79x128xi32, #tpu.memory_space<hbm>>
      %dma_start3A_72 = tpu.memref_squeeze %dma_start3A_71 : memref<1x79x128xi32, #tpu.memory_space<hbm>> -> memref<79x128xi32, #tpu.memory_space<hbm>>
      %dma_start3A_73 = arith.constant 0 : i32
      %dma_start3A_74 = arith.constant 0 : i32
      %dma_start3A_75 = tpu.memref_slice %arg3[%arg1, %dma_start3A_73, %dma_start3A_74] : memref<16x79x128xi32, #tpu.memory_space<hbm>> -> memref<1x79x128xi32, #tpu.memory_space<hbm>>
      %dma_start3A_76 = tpu.memref_squeeze %dma_start3A_75 : memref<1x79x128xi32, #tpu.memory_space<hbm>> -> memref<79x128xi32, #tpu.memory_space<hbm>>
      tpu.enqueue_dma source(%dma_start3A_76 : memref<79x128xi32, #tpu.memory_space<hbm>>) target(%arg7 : memref<79x128xi32, #tpu.memory_space<vmem>>) target_semaphore(%run_scoped3A : memref<!tpu.dma_semaphore, #tpu.memory_space<semaphore_mem>>)
      %dma_wait3A = arith.constant 0 : i32
      %dma_wait3A_77 = arith.constant 0 : i32
      %dma_wait3A_78 = tpu.memref_slice %arg3[%arg1, %dma_wait3A, %dma_wait3A_77] : memref<16x79x128xi32, #tpu.memory_space<hbm>> -> memref<1x79x128xi32, #tpu.memory_space<hbm>>
      %dma_wait3A_79 = tpu.memref_squeeze %dma_wait3A_78 : memref<1x79x128xi32, #tpu.memory_space<hbm>> -> memref<79x128xi32, #tpu.memory_space<hbm>>
      %dma_wait3A_80 = arith.constant 0 : i32
      %dma_wait3A_81 = arith.constant 0 : i32
      %dma_wait3A_82 = tpu.memref_slice %arg3[%arg1, %dma_wait3A_80, %dma_wait3A_81] : memref<16x79x128xi32, #tpu.memory_space<hbm>> -> memref<1x79x128xi32, #tpu.memory_space<hbm>>
      %dma_wait3A_83 = tpu.memref_squeeze %dma_wait3A_82 : memref<1x79x128xi32, #tpu.memory_space<hbm>> -> memref<79x128xi32, #tpu.memory_space<hbm>>
      tpu.wait_dma2 semaphore(%run_scoped3A : memref<!tpu.dma_semaphore, #tpu.memory_space<semaphore_mem>>) src(%dma_wait3A_83 : memref<79x128xi32, #tpu.memory_space<hbm>>) dst(%arg7 : memref<79x128xi32, #tpu.memory_space<vmem>>)
      tpu.yield
    }) : () -> ()
    %scan3A_53 = arith.constant 0 : i32
    %scan3A_54 = arith.constant 0 : i32
    %scan3A_55 = arith.constant 79 : i32
    %scan3A_56 = arith.addi %scan3A_54, %scan3A_55 : i32
    %scan3A_57 = arith.constant 1 : i32
    scf.for %scan3A_70 = %scan3A_54 to %scan3A_56 step %scan3A_57  : i32 {
      %dma_start3A = arith.constant 0 : i32
      %dma_start3A_71 = tpu.memref_slice %arg6[%scan3A_70, %dma_start3A] : memref<79x128xi32, #tpu.memory_space<vmem>> -> memref<1x128xi32, #tpu.memory_space<vmem>>
      %dma_start3A_72 = tpu.memref_squeeze %dma_start3A_71 : memref<1x128xi32, #tpu.memory_space<vmem>> -> memref<128xi32, #tpu.memory_space<vmem>>
      %dma_start3A_73 = arith.constant 0 : i32
      %dma_start3A_74 = arith.constant 0 : i32
      %dma_start3A_75 = tpu.memref_slice %arg4[%dma_start3A_73, %dma_start3A_74] : memref<40000x128xf32, #tpu.memory_space<hbm>> -> memref<40000x128xf32, #tpu.memory_space<hbm>>
      tpu.enqueue_indirect_dma source(%dma_start3A_75 : memref<40000x128xf32, #tpu.memory_space<hbm>>) target(%arg8 : memref<128x128xf32, #tpu.memory_space<vmem>>) offsets(%dma_start3A_72 : memref<128xi32, #tpu.memory_space<vmem>>) semaphore(%arg10 : memref<!tpu.dma_semaphore, #tpu.memory_space<semaphore_mem>>)
      %dma_wait3A = arith.constant 0 : i32
      %dma_wait3A_76 = tpu.memref_slice %arg6[%scan3A_70, %dma_wait3A] : memref<79x128xi32, #tpu.memory_space<vmem>> -> memref<1x128xi32, #tpu.memory_space<vmem>>
      %dma_wait3A_77 = tpu.memref_squeeze %dma_wait3A_76 : memref<1x128xi32, #tpu.memory_space<vmem>> -> memref<128xi32, #tpu.memory_space<vmem>>
      %dma_wait3A_78 = arith.constant 0 : i32
      %dma_wait3A_79 = arith.constant 0 : i32
      %dma_wait3A_80 = tpu.memref_slice %arg4[%dma_wait3A_78, %dma_wait3A_79] : memref<40000x128xf32, #tpu.memory_space<hbm>> -> memref<40000x128xf32, #tpu.memory_space<hbm>>
      tpu.wait_indirect_dma semaphore(%arg10 : memref<!tpu.dma_semaphore, #tpu.memory_space<semaphore_mem>>) src(%dma_wait3A_80 : memref<40000x128xf32, #tpu.memory_space<hbm>>) dst(%arg8 : memref<128x128xf32, #tpu.memory_space<vmem>>)
      "tpu.region"() ({
        %run_scoped3A = tpu.sem_alloc : memref<!tpu.dma_semaphore, #tpu.memory_space<semaphore_mem>>
        %dma_start3A_81 = arith.constant 0 : i32
        %dma_start3A_82 = tpu.memref_slice %arg7[%scan3A_70, %dma_start3A_81] : memref<79x128xi32, #tpu.memory_space<vmem>> -> memref<1x128xi32, #tpu.memory_space<vmem>>
        %dma_start3A_83 = tpu.memref_squeeze %dma_start3A_82 : memref<1x128xi32, #tpu.memory_space<vmem>> -> memref<128xi32, #tpu.memory_space<vmem>>
        %dma_start3A_84 = arith.constant 0 : i32
        %dma_start3A_85 = arith.constant 0 : i32
        %dma_start3A_86 = tpu.memref_slice %arg9[%dma_start3A_84, %dma_start3A_85] : memref<10240x128xf32, #tpu.memory_space<vmem_shared>> -> memref<10240x128xf32, #tpu.memory_space<vmem_shared>>
        tpu.enqueue_indirect_dma source(%arg8 : memref<128x128xf32, #tpu.memory_space<vmem>>) target(%dma_start3A_86 : memref<10240x128xf32, #tpu.memory_space<vmem_shared>>) offsets(%dma_start3A_83 : memref<128xi32, #tpu.memory_space<vmem>>) semaphore(%run_scoped3A : memref<!tpu.dma_semaphore, #tpu.memory_space<semaphore_mem>>) {add = true}
        %dma_wait3A_87 = arith.constant 0 : i32
        %dma_wait3A_88 = tpu.memref_slice %arg7[%scan3A_70, %dma_wait3A_87] : memref<79x128xi32, #tpu.memory_space<vmem>> -> memref<1x128xi32, #tpu.memory_space<vmem>>
        %dma_wait3A_89 = tpu.memref_squeeze %dma_wait3A_88 : memref<1x128xi32, #tpu.memory_space<vmem>> -> memref<128xi32, #tpu.memory_space<vmem>>
        %dma_wait3A_90 = arith.constant 0 : i32
        %dma_wait3A_91 = arith.constant 0 : i32
        %dma_wait3A_92 = tpu.memref_slice %arg9[%dma_wait3A_90, %dma_wait3A_91] : memref<10240x128xf32, #tpu.memory_space<vmem_shared>> -> memref<10240x128xf32, #tpu.memory_space<vmem_shared>>
        tpu.wait_indirect_dma semaphore(%run_scoped3A : memref<!tpu.dma_semaphore, #tpu.memory_space<semaphore_mem>>) src(%arg8 : memref<128x128xf32, #tpu.memory_space<vmem>>) dst(%dma_wait3A_92 : memref<10240x128xf32, #tpu.memory_space<vmem_shared>>)
        tpu.yield
      }) : () -> ()
    }
    %scan3A_58 = arith.constant 79 : i32
    %barrier3A_59 = arith.constant 0 : index
    tpu.barrier barrier_id(%barrier3A_59)
    %lt3A_60 = arith.constant 15 : i32
    %lt3A_61 = arith.cmpi slt, %arg1, %lt3A_60 : i32
    %convert_element_type3A_62 = arith.extui %lt3A_61 : i1 to i32
    %cond3A_63 = arith.constant 0 : i32
    %cond3A_64 = arith.cmpi ne, %convert_element_type3A_62, %cond3A_63 : i32
    scf.if %cond3A_64 {
      %mul3A_70 = arith.constant 10000 : i32
      %mul3A_71 = arith.muli %add3A_35, %mul3A_70 : i32
      %add3A_72 = arith.addi %mul3A_71, %mul3A_0 : i32
      "tpu.region"() ({
        %run_scoped3A = tpu.sem_alloc : memref<!tpu.dma_semaphore, #tpu.memory_space<semaphore_mem>>
        %dma_start3A = arith.constant 0 : i32
        %dma_start3A_73 = tpu.memref_slice %arg5[%add3A_72, %dma_start3A] : memref<40000x128xf32, #tpu.memory_space<hbm>> -> memref<640x128xf32, #tpu.memory_space<hbm>>
        %dma_start3A_74 = arith.constant 0 : i32
        %dma_start3A_75 = tpu.memref_slice %arg9[%mul3A_0, %dma_start3A_74] : memref<10240x128xf32, #tpu.memory_space<vmem_shared>> -> memref<640x128xf32, #tpu.memory_space<vmem_shared>>
        tpu.enqueue_dma source(%dma_start3A_75 : memref<640x128xf32, #tpu.memory_space<vmem_shared>>) target(%dma_start3A_73 : memref<640x128xf32, #tpu.memory_space<hbm>>) target_semaphore(%run_scoped3A : memref<!tpu.dma_semaphore, #tpu.memory_space<semaphore_mem>>)
        %dma_wait3A = arith.constant 0 : i32
        %dma_wait3A_76 = tpu.memref_slice %arg5[%add3A_72, %dma_wait3A] : memref<40000x128xf32, #tpu.memory_space<hbm>> -> memref<640x128xf32, #tpu.memory_space<hbm>>
        %dma_wait3A_77 = arith.constant 0 : i32
        %dma_wait3A_78 = tpu.memref_slice %arg9[%mul3A_0, %dma_wait3A_77] : memref<10240x128xf32, #tpu.memory_space<vmem_shared>> -> memref<640x128xf32, #tpu.memory_space<vmem_shared>>
        tpu.wait_dma2 semaphore(%run_scoped3A : memref<!tpu.dma_semaphore, #tpu.memory_space<semaphore_mem>>) src(%dma_wait3A_78 : memref<640x128xf32, #tpu.memory_space<vmem_shared>>) dst(%dma_wait3A_76 : memref<640x128xf32, #tpu.memory_space<hbm>>)
        tpu.yield
      }) : () -> ()
    } else {
    }
    %eq3A_65 = arith.constant 15 : i32
    %eq3A_66 = arith.cmpi eq, %arg1, %eq3A_65 : i32
    %convert_element_type3A_67 = arith.extui %eq3A_66 : i1 to i32
    %cond3A_68 = arith.constant 0 : i32
    %cond3A_69 = arith.cmpi ne, %convert_element_type3A_67, %cond3A_68 : i32
    scf.if %cond3A_69 {
      %mul3A_70 = arith.constant 10000 : i32
      %mul3A_71 = arith.muli %add3A_35, %mul3A_70 : i32
      %add3A_72 = arith.addi %mul3A_71, %mul3A_0 : i32
      "tpu.region"() ({
        %run_scoped3A = tpu.sem_alloc : memref<!tpu.dma_semaphore, #tpu.memory_space<semaphore_mem>>
        %dma_start3A = arith.constant 0 : i32
        %dma_start3A_73 = tpu.memref_slice %arg5[%add3A_72, %dma_start3A] : memref<40000x128xf32, #tpu.memory_space<hbm>> -> memref<400x128xf32, #tpu.memory_space<hbm>>
        %dma_start3A_74 = arith.constant 0 : i32
        %dma_start3A_75 = tpu.memref_slice %arg9[%mul3A_0, %dma_start3A_74] : memref<10240x128xf32, #tpu.memory_space<vmem_shared>> -> memref<400x128xf32, #tpu.memory_space<vmem_shared>>
        tpu.enqueue_dma source(%dma_start3A_75 : memref<400x128xf32, #tpu.memory_space<vmem_shared>>) target(%dma_start3A_73 : memref<400x128xf32, #tpu.memory_space<hbm>>) target_semaphore(%run_scoped3A : memref<!tpu.dma_semaphore, #tpu.memory_space<semaphore_mem>>)
        %dma_wait3A = arith.constant 0 : i32
        %dma_wait3A_76 = tpu.memref_slice %arg5[%add3A_72, %dma_wait3A] : memref<40000x128xf32, #tpu.memory_space<hbm>> -> memref<400x128xf32, #tpu.memory_space<hbm>>
        %dma_wait3A_77 = arith.constant 0 : i32
        %dma_wait3A_78 = tpu.memref_slice %arg9[%mul3A_0, %dma_wait3A_77] : memref<10240x128xf32, #tpu.memory_space<vmem_shared>> -> memref<400x128xf32, #tpu.memory_space<vmem_shared>>
        tpu.wait_dma2 semaphore(%run_scoped3A : memref<!tpu.dma_semaphore, #tpu.memory_space<semaphore_mem>>) src(%dma_wait3A_78 : memref<400x128xf32, #tpu.memory_space<vmem_shared>>) dst(%dma_wait3A_76 : memref<400x128xf32, #tpu.memory_space<hbm>>)
        tpu.yield
      }) : () -> ()
    } else {
    }
    return
  }
}

#map = affine_map<(d0, d1) -> (0, 0, 0, 0)>
#map1 = affine_map<(d0, d1) -> (0, 0, 0)>
#map2 = affine_map<(d0, d1) -> (0, 0)>
module attributes {stable_mosaic.version = 14 : i64} {
  func.func @_agg(%arg0: i32, %arg1: i32, %arg2: memref<4x16x79x128xi32, #tpu.memory_space<hbm>>, %arg3: memref<16x79x128xi32, #tpu.memory_space<hbm>>, %arg4: memref<40000x128xf32, #tpu.memory_space<hbm>>, %arg5: memref<40000x128xf32, #tpu.memory_space<hbm>>, %arg6: memref<79x128xi32, #tpu.memory_space<vmem>>, %arg7: memref<79x128xi32, #tpu.memory_space<vmem>>, %arg8: memref<128x128xf32, #tpu.memory_space<vmem>>, %arg9: memref<10240x128xf32, #tpu.memory_space<vmem_shared>>, %arg10: memref<!tpu.dma_semaphore, #tpu.memory_space<semaphore_mem>>) attributes {dimension_semantics = [#tpu.dimension_semantics<core_parallel>, #tpu.dimension_semantics<subcore_parallel>], iteration_bounds = array<i64: 2, 16>, scalar_prefetch = 0 : i64, scratch_operands = 5 : i64, tpu.core_type = #tpu.core_type<sc_vector_subcore>, window_params = [{transform_indices = #map}, {transform_indices = #map1}, {transform_indices = #map2}, {transform_indices = #map2}]} {
    %mul3A = arith.constant 640 : i32
    %mul3A_0 = arith.muli %arg1, %mul3A : i32
    %mul3A_1 = arith.constant 2 : i32
    %mul3A_2 = arith.muli %arg0, %mul3A_1 : i32
    %add3A = arith.constant 0 : i32
    %add3A_3 = arith.addi %mul3A_2, %add3A : i32
    %scan3A = arith.constant 0 : i32
    %scan3A_4 = arith.constant 0 : i32
    %scan3A_5 = arith.constant 128 : i32
    %scan3A_6 = arith.addi %scan3A_4, %scan3A_5 : i32
    %scan3A_7 = arith.constant 1 : i32
    scf.for %scan3A_70 = %scan3A_4 to %scan3A_6 step %scan3A_7  : i32 {
      %broadcast_in_dim3A = arith.constant 0.000000e+00 : f32
      %broadcast_in_dim3A_71 = vector.broadcast %broadcast_in_dim3A : f32 to vector<16xf32>
      %swap3A = arith.index_cast %scan3A_70 : i32 to index
      %swap3A_72 = arith.constant 0 : index
      %swap3A_73 = tpu.vector_load %arg8[%swap3A, %swap3A_72] {strides = array<i32>} : memref<128x128xf32, #tpu.memory_space<vmem>>, vector<1x16xf32>,
      %swap3A_74 = vector.shape_cast %swap3A_73 : vector<1x16xf32> to vector<16xf32>
      %swap3A_75 = vector.shape_cast %broadcast_in_dim3A_71 : vector<16xf32> to vector<1x16xf32>
      tpu.vector_store %arg8[%swap3A, %swap3A_72], %swap3A_75 {strides = array<i32>} : memref<128x128xf32, #tpu.memory_space<vmem>>, vector<1x16xf32>,
      %broadcast_in_dim3A_76 = arith.constant 0.000000e+00 : f32
      %broadcast_in_dim3A_77 = vector.broadcast %broadcast_in_dim3A_76 : f32 to vector<16xf32>
      %swap3A_78 = arith.index_cast %scan3A_70 : i32 to index
      %swap3A_79 = arith.constant 16 : index
      %swap3A_80 = tpu.vector_load %arg8[%swap3A_78, %swap3A_79] {strides = array<i32>} : memref<128x128xf32, #tpu.memory_space<vmem>>, vector<1x16xf32>,
      %swap3A_81 = vector.shape_cast %swap3A_80 : vector<1x16xf32> to vector<16xf32>
      %swap3A_82 = vector.shape_cast %broadcast_in_dim3A_77 : vector<16xf32> to vector<1x16xf32>
      tpu.vector_store %arg8[%swap3A_78, %swap3A_79], %swap3A_82 {strides = array<i32>} : memref<128x128xf32, #tpu.memory_space<vmem>>, vector<1x16xf32>,
      %broadcast_in_dim3A_83 = arith.constant 0.000000e+00 : f32
      %broadcast_in_dim3A_84 = vector.broadcast %broadcast_in_dim3A_83 : f32 to vector<16xf32>
      %swap3A_85 = arith.index_cast %scan3A_70 : i32 to index
      %swap3A_86 = arith.constant 32 : index
      %swap3A_87 = tpu.vector_load %arg8[%swap3A_85, %swap3A_86] {strides = array<i32>} : memref<128x128xf32, #tpu.memory_space<vmem>>, vector<1x16xf32>,
      %swap3A_88 = vector.shape_cast %swap3A_87 : vector<1x16xf32> to vector<16xf32>
      %swap3A_89 = vector.shape_cast %broadcast_in_dim3A_84 : vector<16xf32> to vector<1x16xf32>
      tpu.vector_store %arg8[%swap3A_85, %swap3A_86], %swap3A_89 {strides = array<i32>} : memref<128x128xf32, #tpu.memory_space<vmem>>, vector<1x16xf32>,
      %broadcast_in_dim3A_90 = arith.constant 0.000000e+00 : f32
      %broadcast_in_dim3A_91 = vector.broadcast %broadcast_in_dim3A_90 : f32 to vector<16xf32>
      %swap3A_92 = arith.index_cast %scan3A_70 : i32 to index
      %swap3A_93 = arith.constant 48 : index
      %swap3A_94 = tpu.vector_load %arg8[%swap3A_92, %swap3A_93] {strides = array<i32>} : memref<128x128xf32, #tpu.memory_space<vmem>>, vector<1x16xf32>,
      %swap3A_95 = vector.shape_cast %swap3A_94 : vector<1x16xf32> to vector<16xf32>
      %swap3A_96 = vector.shape_cast %broadcast_in_dim3A_91 : vector<16xf32> to vector<1x16xf32>
      tpu.vector_store %arg8[%swap3A_92, %swap3A_93], %swap3A_96 {strides = array<i32>} : memref<128x128xf32, #tpu.memory_space<vmem>>, vector<1x16xf32>,
      %broadcast_in_dim3A_97 = arith.constant 0.000000e+00 : f32
      %broadcast_in_dim3A_98 = vector.broadcast %broadcast_in_dim3A_97 : f32 to vector<16xf32>
      %swap3A_99 = arith.index_cast %scan3A_70 : i32 to index
      %swap3A_100 = arith.constant 64 : index
      %swap3A_101 = tpu.vector_load %arg8[%swap3A_99, %swap3A_100] {strides = array<i32>} : memref<128x128xf32, #tpu.memory_space<vmem>>, vector<1x16xf32>,
      %swap3A_102 = vector.shape_cast %swap3A_101 : vector<1x16xf32> to vector<16xf32>
      %swap3A_103 = vector.shape_cast %broadcast_in_dim3A_98 : vector<16xf32> to vector<1x16xf32>
      tpu.vector_store %arg8[%swap3A_99, %swap3A_100], %swap3A_103 {strides = array<i32>} : memref<128x128xf32, #tpu.memory_space<vmem>>, vector<1x16xf32>,
      %broadcast_in_dim3A_104 = arith.constant 0.000000e+00 : f32
      %broadcast_in_dim3A_105 = vector.broadcast %broadcast_in_dim3A_104 : f32 to vector<16xf32>
      %swap3A_106 = arith.index_cast %scan3A_70 : i32 to index
      %swap3A_107 = arith.constant 80 : index
      %swap3A_108 = tpu.vector_load %arg8[%swap3A_106, %swap3A_107] {strides = array<i32>} : memref<128x128xf32, #tpu.memory_space<vmem>>, vector<1x16xf32>,
      %swap3A_109 = vector.shape_cast %swap3A_108 : vector<1x16xf32> to vector<16xf32>
      %swap3A_110 = vector.shape_cast %broadcast_in_dim3A_105 : vector<16xf32> to vector<1x16xf32>
      tpu.vector_store %arg8[%swap3A_106, %swap3A_107], %swap3A_110 {strides = array<i32>} : memref<128x128xf32, #tpu.memory_space<vmem>>, vector<1x16xf32>,
      %broadcast_in_dim3A_111 = arith.constant 0.000000e+00 : f32
      %broadcast_in_dim3A_112 = vector.broadcast %broadcast_in_dim3A_111 : f32 to vector<16xf32>
      %swap3A_113 = arith.index_cast %scan3A_70 : i32 to index
      %swap3A_114 = arith.constant 96 : index
      %swap3A_115 = tpu.vector_load %arg8[%swap3A_113, %swap3A_114] {strides = array<i32>} : memref<128x128xf32, #tpu.memory_space<vmem>>, vector<1x16xf32>,
      %swap3A_116 = vector.shape_cast %swap3A_115 : vector<1x16xf32> to vector<16xf32>
      %swap3A_117 = vector.shape_cast %broadcast_in_dim3A_112 : vector<16xf32> to vector<1x16xf32>
      tpu.vector_store %arg8[%swap3A_113, %swap3A_114], %swap3A_117 {strides = array<i32>} : memref<128x128xf32, #tpu.memory_space<vmem>>, vector<1x16xf32>,
      %broadcast_in_dim3A_118 = arith.constant 0.000000e+00 : f32
      %broadcast_in_dim3A_119 = vector.broadcast %broadcast_in_dim3A_118 : f32 to vector<16xf32>
      %swap3A_120 = arith.index_cast %scan3A_70 : i32 to index
      %swap3A_121 = arith.constant 112 : index
      %swap3A_122 = tpu.vector_load %arg8[%swap3A_120, %swap3A_121] {strides = array<i32>} : memref<128x128xf32, #tpu.memory_space<vmem>>, vector<1x16xf32>,
      %swap3A_123 = vector.shape_cast %swap3A_122 : vector<1x16xf32> to vector<16xf32>
      %swap3A_124 = vector.shape_cast %broadcast_in_dim3A_119 : vector<16xf32> to vector<1x16xf32>
      tpu.vector_store %arg8[%swap3A_120, %swap3A_121], %swap3A_124 {strides = array<i32>} : memref<128x128xf32, #tpu.memory_space<vmem>>, vector<1x16xf32>,
    }
    %scan3A_8 = arith.constant 128 : i32
    %add3A_9 = arith.constant 0 : i32
    %add3A_10 = arith.addi %mul3A_0, %add3A_9 : i32
    "tpu.region"() ({
      %run_scoped3A = tpu.sem_alloc : memref<!tpu.dma_semaphore, #tpu.memory_space<semaphore_mem>>
      %dma_start3A = arith.constant 0 : i32
      %dma_start3A_70 = tpu.memref_slice %arg9[%add3A_10, %dma_start3A] : memref<10240x128xf32, #tpu.memory_space<vmem_shared>> -> memref<128x128xf32, #tpu.memory_space<vmem_shared>>
      %dma_start3A_71 = arith.constant 0 : i32
      %dma_start3A_72 = tpu.memref_slice %arg9[%add3A_10, %dma_start3A_71] : memref<10240x128xf32, #tpu.memory_space<vmem_shared>> -> memref<128x128xf32, #tpu.memory_space<vmem_shared>>
      tpu.enqueue_dma source(%arg8 : memref<128x128xf32, #tpu.memory_space<vmem>>) target(%dma_start3A_72 : memref<128x128xf32, #tpu.memory_space<vmem_shared>>) target_semaphore(%run_scoped3A : memref<!tpu.dma_semaphore, #tpu.memory_space<semaphore_mem>>)
      %dma_wait3A = arith.constant 0 : i32
      %dma_wait3A_73 = tpu.memref_slice %arg9[%add3A_10, %dma_wait3A] : memref<10240x128xf32, #tpu.memory_space<vmem_shared>> -> memref<128x128xf32, #tpu.memory_space<vmem_shared>>
      %dma_wait3A_74 = arith.constant 0 : i32
      %dma_wait3A_75 = tpu.memref_slice %arg9[%add3A_10, %dma_wait3A_74] : memref<10240x128xf32, #tpu.memory_space<vmem_shared>> -> memref<128x128xf32, #tpu.memory_space<vmem_shared>>
      tpu.wait_dma2 semaphore(%run_scoped3A : memref<!tpu.dma_semaphore, #tpu.memory_space<semaphore_mem>>) src(%arg8 : memref<128x128xf32, #tpu.memory_space<vmem>>) dst(%dma_wait3A_75 : memref<128x128xf32, #tpu.memory_space<vmem_shared>>)
      tpu.yield
    }) : () -> ()
    %add3A_11 = arith.constant 128 : i32
    %add3A_12 = arith.addi %mul3A_0, %add3A_11 : i32
    "tpu.region"() ({
      %run_scoped3A = tpu.sem_alloc : memref<!tpu.dma_semaphore, #tpu.memory_space<semaphore_mem>>
      %dma_start3A = arith.constant 0 : i32
      %dma_start3A_70 = tpu.memref_slice %arg9[%add3A_12, %dma_start3A] : memref<10240x128xf32, #tpu.memory_space<vmem_shared>> -> memref<128x128xf32, #tpu.memory_space<vmem_shared>>
      %dma_start3A_71 = arith.constant 0 : i32
      %dma_start3A_72 = tpu.memref_slice %arg9[%add3A_12, %dma_start3A_71] : memref<10240x128xf32, #tpu.memory_space<vmem_shared>> -> memref<128x128xf32, #tpu.memory_space<vmem_shared>>
      tpu.enqueue_dma source(%arg8 : memref<128x128xf32, #tpu.memory_space<vmem>>) target(%dma_start3A_72 : memref<128x128xf32, #tpu.memory_space<vmem_shared>>) target_semaphore(%run_scoped3A : memref<!tpu.dma_semaphore, #tpu.memory_space<semaphore_mem>>)
      %dma_wait3A = arith.constant 0 : i32
      %dma_wait3A_73 = tpu.memref_slice %arg9[%add3A_12, %dma_wait3A] : memref<10240x128xf32, #tpu.memory_space<vmem_shared>> -> memref<128x128xf32, #tpu.memory_space<vmem_shared>>
      %dma_wait3A_74 = arith.constant 0 : i32
      %dma_wait3A_75 = tpu.memref_slice %arg9[%add3A_12, %dma_wait3A_74] : memref<10240x128xf32, #tpu.memory_space<vmem_shared>> -> memref<128x128xf32, #tpu.memory_space<vmem_shared>>
      tpu.wait_dma2 semaphore(%run_scoped3A : memref<!tpu.dma_semaphore, #tpu.memory_space<semaphore_mem>>) src(%arg8 : memref<128x128xf32, #tpu.memory_space<vmem>>) dst(%dma_wait3A_75 : memref<128x128xf32, #tpu.memory_space<vmem_shared>>)
      tpu.yield
    }) : () -> ()
    %add3A_13 = arith.constant 256 : i32
    %add3A_14 = arith.addi %mul3A_0, %add3A_13 : i32
    "tpu.region"() ({
      %run_scoped3A = tpu.sem_alloc : memref<!tpu.dma_semaphore, #tpu.memory_space<semaphore_mem>>
      %dma_start3A = arith.constant 0 : i32
      %dma_start3A_70 = tpu.memref_slice %arg9[%add3A_14, %dma_start3A] : memref<10240x128xf32, #tpu.memory_space<vmem_shared>> -> memref<128x128xf32, #tpu.memory_space<vmem_shared>>
      %dma_start3A_71 = arith.constant 0 : i32
      %dma_start3A_72 = tpu.memref_slice %arg9[%add3A_14, %dma_start3A_71] : memref<10240x128xf32, #tpu.memory_space<vmem_shared>> -> memref<128x128xf32, #tpu.memory_space<vmem_shared>>
      tpu.enqueue_dma source(%arg8 : memref<128x128xf32, #tpu.memory_space<vmem>>) target(%dma_start3A_72 : memref<128x128xf32, #tpu.memory_space<vmem_shared>>) target_semaphore(%run_scoped3A : memref<!tpu.dma_semaphore, #tpu.memory_space<semaphore_mem>>)
      %dma_wait3A = arith.constant 0 : i32
      %dma_wait3A_73 = tpu.memref_slice %arg9[%add3A_14, %dma_wait3A] : memref<10240x128xf32, #tpu.memory_space<vmem_shared>> -> memref<128x128xf32, #tpu.memory_space<vmem_shared>>
      %dma_wait3A_74 = arith.constant 0 : i32
      %dma_wait3A_75 = tpu.memref_slice %arg9[%add3A_14, %dma_wait3A_74] : memref<10240x128xf32, #tpu.memory_space<vmem_shared>> -> memref<128x128xf32, #tpu.memory_space<vmem_shared>>
      tpu.wait_dma2 semaphore(%run_scoped3A : memref<!tpu.dma_semaphore, #tpu.memory_space<semaphore_mem>>) src(%arg8 : memref<128x128xf32, #tpu.memory_space<vmem>>) dst(%dma_wait3A_75 : memref<128x128xf32, #tpu.memory_space<vmem_shared>>)
      tpu.yield
    }) : () -> ()
    %add3A_15 = arith.constant 384 : i32
    %add3A_16 = arith.addi %mul3A_0, %add3A_15 : i32
    "tpu.region"() ({
      %run_scoped3A = tpu.sem_alloc : memref<!tpu.dma_semaphore, #tpu.memory_space<semaphore_mem>>
      %dma_start3A = arith.constant 0 : i32
      %dma_start3A_70 = tpu.memref_slice %arg9[%add3A_16, %dma_start3A] : memref<10240x128xf32, #tpu.memory_space<vmem_shared>> -> memref<128x128xf32, #tpu.memory_space<vmem_shared>>
      %dma_start3A_71 = arith.constant 0 : i32
      %dma_start3A_72 = tpu.memref_slice %arg9[%add3A_16, %dma_start3A_71] : memref<10240x128xf32, #tpu.memory_space<vmem_shared>> -> memref<128x128xf32, #tpu.memory_space<vmem_shared>>
      tpu.enqueue_dma source(%arg8 : memref<128x128xf32, #tpu.memory_space<vmem>>) target(%dma_start3A_72 : memref<128x128xf32, #tpu.memory_space<vmem_shared>>) target_semaphore(%run_scoped3A : memref<!tpu.dma_semaphore, #tpu.memory_space<semaphore_mem>>)
      %dma_wait3A = arith.constant 0 : i32
      %dma_wait3A_73 = tpu.memref_slice %arg9[%add3A_16, %dma_wait3A] : memref<10240x128xf32, #tpu.memory_space<vmem_shared>> -> memref<128x128xf32, #tpu.memory_space<vmem_shared>>
      %dma_wait3A_74 = arith.constant 0 : i32
      %dma_wait3A_75 = tpu.memref_slice %arg9[%add3A_16, %dma_wait3A_74] : memref<10240x128xf32, #tpu.memory_space<vmem_shared>> -> memref<128x128xf32, #tpu.memory_space<vmem_shared>>
      tpu.wait_dma2 semaphore(%run_scoped3A : memref<!tpu.dma_semaphore, #tpu.memory_space<semaphore_mem>>) src(%arg8 : memref<128x128xf32, #tpu.memory_space<vmem>>) dst(%dma_wait3A_75 : memref<128x128xf32, #tpu.memory_space<vmem_shared>>)
      tpu.yield
    }) : () -> ()
    %add3A_17 = arith.constant 512 : i32
    %add3A_18 = arith.addi %mul3A_0, %add3A_17 : i32
    "tpu.region"() ({
      %run_scoped3A = tpu.sem_alloc : memref<!tpu.dma_semaphore, #tpu.memory_space<semaphore_mem>>
      %dma_start3A = arith.constant 0 : i32
      %dma_start3A_70 = tpu.memref_slice %arg9[%add3A_18, %dma_start3A] : memref<10240x128xf32, #tpu.memory_space<vmem_shared>> -> memref<128x128xf32, #tpu.memory_space<vmem_shared>>
      %dma_start3A_71 = arith.constant 0 : i32
      %dma_start3A_72 = tpu.memref_slice %arg9[%add3A_18, %dma_start3A_71] : memref<10240x128xf32, #tpu.memory_space<vmem_shared>> -> memref<128x128xf32, #tpu.memory_space<vmem_shared>>
      tpu.enqueue_dma source(%arg8 : memref<128x128xf32, #tpu.memory_space<vmem>>) target(%dma_start3A_72 : memref<128x128xf32, #tpu.memory_space<vmem_shared>>) target_semaphore(%run_scoped3A : memref<!tpu.dma_semaphore, #tpu.memory_space<semaphore_mem>>)
      %dma_wait3A = arith.constant 0 : i32
      %dma_wait3A_73 = tpu.memref_slice %arg9[%add3A_18, %dma_wait3A] : memref<10240x128xf32, #tpu.memory_space<vmem_shared>> -> memref<128x128xf32, #tpu.memory_space<vmem_shared>>
      %dma_wait3A_74 = arith.constant 0 : i32
      %dma_wait3A_75 = tpu.memref_slice %arg9[%add3A_18, %dma_wait3A_74] : memref<10240x128xf32, #tpu.memory_space<vmem_shared>> -> memref<128x128xf32, #tpu.memory_space<vmem_shared>>
      tpu.wait_dma2 semaphore(%run_scoped3A : memref<!tpu.dma_semaphore, #tpu.memory_space<semaphore_mem>>) src(%arg8 : memref<128x128xf32, #tpu.memory_space<vmem>>) dst(%dma_wait3A_75 : memref<128x128xf32, #tpu.memory_space<vmem_shared>>)
      tpu.yield
    }) : () -> ()
    %barrier3A = arith.constant 0 : index
    tpu.barrier barrier_id(%barrier3A)
    "tpu.region"() ({
      %run_scoped3A = tpu.sem_alloc : memref<!tpu.dma_semaphore, #tpu.memory_space<semaphore_mem>>
      %dma_start3A = arith.constant 0 : i32
      %dma_start3A_70 = arith.constant 0 : i32
      %dma_start3A_71 = tpu.memref_slice %arg2[%add3A_3, %arg1, %dma_start3A, %dma_start3A_70] : memref<4x16x79x128xi32, #tpu.memory_space<hbm>> -> memref<1x1x79x128xi32, #tpu.memory_space<hbm>>
      %dma_start3A_72 = tpu.memref_squeeze %dma_start3A_71 : memref<1x1x79x128xi32, #tpu.memory_space<hbm>> -> memref<79x128xi32, #tpu.memory_space<hbm>>
      %dma_start3A_73 = arith.constant 0 : i32
      %dma_start3A_74 = arith.constant 0 : i32
      %dma_start3A_75 = tpu.memref_slice %arg2[%add3A_3, %arg1, %dma_start3A_73, %dma_start3A_74] : memref<4x16x79x128xi32, #tpu.memory_space<hbm>> -> memref<1x1x79x128xi32, #tpu.memory_space<hbm>>
      %dma_start3A_76 = tpu.memref_squeeze %dma_start3A_75 : memref<1x1x79x128xi32, #tpu.memory_space<hbm>> -> memref<79x128xi32, #tpu.memory_space<hbm>>
      tpu.enqueue_dma source(%dma_start3A_76 : memref<79x128xi32, #tpu.memory_space<hbm>>) target(%arg6 : memref<79x128xi32, #tpu.memory_space<vmem>>) target_semaphore(%run_scoped3A : memref<!tpu.dma_semaphore, #tpu.memory_space<semaphore_mem>>)
      %dma_wait3A = arith.constant 0 : i32
      %dma_wait3A_77 = arith.constant 0 : i32
      %dma_wait3A_78 = tpu.memref_slice %arg2[%add3A_3, %arg1, %dma_wait3A, %dma_wait3A_77] : memref<4x16x79x128xi32, #tpu.memory_space<hbm>> -> memref<1x1x79x128xi32, #tpu.memory_space<hbm>>
      %dma_wait3A_79 = tpu.memref_squeeze %dma_wait3A_78 : memref<1x1x79x128xi32, #tpu.memory_space<hbm>> -> memref<79x128xi32, #tpu.memory_space<hbm>>
      %dma_wait3A_80 = arith.constant 0 : i32
      %dma_wait3A_81 = arith.constant 0 : i32
      %dma_wait3A_82 = tpu.memref_slice %arg2[%add3A_3, %arg1, %dma_wait3A_80, %dma_wait3A_81] : memref<4x16x79x128xi32, #tpu.memory_space<hbm>> -> memref<1x1x79x128xi32, #tpu.memory_space<hbm>>
      %dma_wait3A_83 = tpu.memref_squeeze %dma_wait3A_82 : memref<1x1x79x128xi32, #tpu.memory_space<hbm>> -> memref<79x128xi32, #tpu.memory_space<hbm>>
      tpu.wait_dma2 semaphore(%run_scoped3A : memref<!tpu.dma_semaphore, #tpu.memory_space<semaphore_mem>>) src(%dma_wait3A_83 : memref<79x128xi32, #tpu.memory_space<hbm>>) dst(%arg6 : memref<79x128xi32, #tpu.memory_space<vmem>>)
      tpu.yield
    }) : () -> ()
    "tpu.region"() ({
      %run_scoped3A = tpu.sem_alloc : memref<!tpu.dma_semaphore, #tpu.memory_space<semaphore_mem>>
      %dma_start3A = arith.constant 0 : i32
      %dma_start3A_70 = arith.constant 0 : i32
      %dma_start3A_71 = tpu.memref_slice %arg3[%arg1, %dma_start3A, %dma_start3A_70] : memref<16x79x128xi32, #tpu.memory_space<hbm>> -> memref<1x79x128xi32, #tpu.memory_space<hbm>>
      %dma_start3A_72 = tpu.memref_squeeze %dma_start3A_71 : memref<1x79x128xi32, #tpu.memory_space<hbm>> -> memref<79x128xi32, #tpu.memory_space<hbm>>
      %dma_start3A_73 = arith.constant 0 : i32
      %dma_start3A_74 = arith.constant 0 : i32
      %dma_start3A_75 = tpu.memref_slice %arg3[%arg1, %dma_start3A_73, %dma_start3A_74] : memref<16x79x128xi32, #tpu.memory_space<hbm>> -> memref<1x79x128xi32, #tpu.memory_space<hbm>>
      %dma_start3A_76 = tpu.memref_squeeze %dma_start3A_75 : memref<1x79x128xi32, #tpu.memory_space<hbm>> -> memref<79x128xi32, #tpu.memory_space<hbm>>
      tpu.enqueue_dma source(%dma_start3A_76 : memref<79x128xi32, #tpu.memory_space<hbm>>) target(%arg7 : memref<79x128xi32, #tpu.memory_space<vmem>>) target_semaphore(%run_scoped3A : memref<!tpu.dma_semaphore, #tpu.memory_space<semaphore_mem>>)
      %dma_wait3A = arith.constant 0 : i32
      %dma_wait3A_77 = arith.constant 0 : i32
      %dma_wait3A_78 = tpu.memref_slice %arg3[%arg1, %dma_wait3A, %dma_wait3A_77] : memref<16x79x128xi32, #tpu.memory_space<hbm>> -> memref<1x79x128xi32, #tpu.memory_space<hbm>>
      %dma_wait3A_79 = tpu.memref_squeeze %dma_wait3A_78 : memref<1x79x128xi32, #tpu.memory_space<hbm>> -> memref<79x128xi32, #tpu.memory_space<hbm>>
      %dma_wait3A_80 = arith.constant 0 : i32
      %dma_wait3A_81 = arith.constant 0 : i32
      %dma_wait3A_82 = tpu.memref_slice %arg3[%arg1, %dma_wait3A_80, %dma_wait3A_81] : memref<16x79x128xi32, #tpu.memory_space<hbm>> -> memref<1x79x128xi32, #tpu.memory_space<hbm>>
      %dma_wait3A_83 = tpu.memref_squeeze %dma_wait3A_82 : memref<1x79x128xi32, #tpu.memory_space<hbm>> -> memref<79x128xi32, #tpu.memory_space<hbm>>
      tpu.wait_dma2 semaphore(%run_scoped3A : memref<!tpu.dma_semaphore, #tpu.memory_space<semaphore_mem>>) src(%dma_wait3A_83 : memref<79x128xi32, #tpu.memory_space<hbm>>) dst(%arg7 : memref<79x128xi32, #tpu.memory_space<vmem>>)
      tpu.yield
    }) : () -> ()
    %scan3A_19 = arith.constant 0 : i32
    %scan3A_20 = arith.constant 0 : i32
    %scan3A_21 = arith.constant 79 : i32
    %scan3A_22 = arith.addi %scan3A_20, %scan3A_21 : i32
    %scan3A_23 = arith.constant 1 : i32
    scf.for %scan3A_70 = %scan3A_20 to %scan3A_22 step %scan3A_23  : i32 {
      %dma_start3A = arith.constant 0 : i32
      %dma_start3A_71 = tpu.memref_slice %arg6[%scan3A_70, %dma_start3A] : memref<79x128xi32, #tpu.memory_space<vmem>> -> memref<1x128xi32, #tpu.memory_space<vmem>>
      %dma_start3A_72 = tpu.memref_squeeze %dma_start3A_71 : memref<1x128xi32, #tpu.memory_space<vmem>> -> memref<128xi32, #tpu.memory_space<vmem>>
      %dma_start3A_73 = arith.constant 0 : i32
      %dma_start3A_74 = arith.constant 0 : i32
      %dma_start3A_75 = tpu.memref_slice %arg4[%dma_start3A_73, %dma_start3A_74] : memref<40000x128xf32, #tpu.memory_space<hbm>> -> memref<40000x128xf32, #tpu.memory_space<hbm>>
      tpu.enqueue_indirect_dma source(%dma_start3A_75 : memref<40000x128xf32, #tpu.memory_space<hbm>>) target(%arg8 : memref<128x128xf32, #tpu.memory_space<vmem>>) offsets(%dma_start3A_72 : memref<128xi32, #tpu.memory_space<vmem>>) semaphore(%arg10 : memref<!tpu.dma_semaphore, #tpu.memory_space<semaphore_mem>>)
      %dma_wait3A = arith.constant 0 : i32
      %dma_wait3A_76 = tpu.memref_slice %arg6[%scan3A_70, %dma_wait3A] : memref<79x128xi32, #tpu.memory_space<vmem>> -> memref<1x128xi32, #tpu.memory_space<vmem>>
      %dma_wait3A_77 = tpu.memref_squeeze %dma_wait3A_76 : memref<1x128xi32, #tpu.memory_space<vmem>> -> memref<128xi32, #tpu.memory_space<vmem>>
      %dma_wait3A_78 = arith.constant 0 : i32
      %dma_wait3A_79 = arith.constant 0 : i32
      %dma_wait3A_80 = tpu.memref_slice %arg4[%dma_wait3A_78, %dma_wait3A_79] : memref<40000x128xf32, #tpu.memory_space<hbm>> -> memref<40000x128xf32, #tpu.memory_space<hbm>>
      tpu.wait_indirect_dma semaphore(%arg10 : memref<!tpu.dma_semaphore, #tpu.memory_space<semaphore_mem>>) src(%dma_wait3A_80 : memref<40000x128xf32, #tpu.memory_space<hbm>>) dst(%arg8 : memref<128x128xf32, #tpu.memory_space<vmem>>)
      "tpu.region"() ({
        %run_scoped3A = tpu.sem_alloc : memref<!tpu.dma_semaphore, #tpu.memory_space<semaphore_mem>>
        %dma_start3A_81 = arith.constant 0 : i32
        %dma_start3A_82 = tpu.memref_slice %arg7[%scan3A_70, %dma_start3A_81] : memref<79x128xi32, #tpu.memory_space<vmem>> -> memref<1x128xi32, #tpu.memory_space<vmem>>
        %dma_start3A_83 = tpu.memref_squeeze %dma_start3A_82 : memref<1x128xi32, #tpu.memory_space<vmem>> -> memref<128xi32, #tpu.memory_space<vmem>>
        %dma_start3A_84 = arith.constant 0 : i32
        %dma_start3A_85 = arith.constant 0 : i32
        %dma_start3A_86 = tpu.memref_slice %arg9[%dma_start3A_84, %dma_start3A_85] : memref<10240x128xf32, #tpu.memory_space<vmem_shared>> -> memref<10240x128xf32, #tpu.memory_space<vmem_shared>>
        tpu.enqueue_indirect_dma source(%arg8 : memref<128x128xf32, #tpu.memory_space<vmem>>) target(%dma_start3A_86 : memref<10240x128xf32, #tpu.memory_space<vmem_shared>>) offsets(%dma_start3A_83 : memref<128xi32, #tpu.memory_space<vmem>>) semaphore(%run_scoped3A : memref<!tpu.dma_semaphore, #tpu.memory_space<semaphore_mem>>) {add = true}
        %dma_wait3A_87 = arith.constant 0 : i32
        %dma_wait3A_88 = tpu.memref_slice %arg7[%scan3A_70, %dma_wait3A_87] : memref<79x128xi32, #tpu.memory_space<vmem>> -> memref<1x128xi32, #tpu.memory_space<vmem>>
        %dma_wait3A_89 = tpu.memref_squeeze %dma_wait3A_88 : memref<1x128xi32, #tpu.memory_space<vmem>> -> memref<128xi32, #tpu.memory_space<vmem>>
        %dma_wait3A_90 = arith.constant 0 : i32
        %dma_wait3A_91 = arith.constant 0 : i32
        %dma_wait3A_92 = tpu.memref_slice %arg9[%dma_wait3A_90, %dma_wait3A_91] : memref<10240x128xf32, #tpu.memory_space<vmem_shared>> -> memref<10240x128xf32, #tpu.memory_space<vmem_shared>>
        tpu.wait_indirect_dma semaphore(%run_scoped3A : memref<!tpu.dma_semaphore, #tpu.memory_space<semaphore_mem>>) src(%arg8 : memref<128x128xf32, #tpu.memory_space<vmem>>) dst(%dma_wait3A_92 : memref<10240x128xf32, #tpu.memory_space<vmem_shared>>)
        tpu.yield
      }) : () -> ()
    }
    %scan3A_24 = arith.constant 79 : i32
    %barrier3A_25 = arith.constant 0 : index
    tpu.barrier barrier_id(%barrier3A_25)
    %lt3A = arith.constant 15 : i32
    %lt3A_26 = arith.cmpi slt, %arg1, %lt3A : i32
    %convert_element_type3A = arith.extui %lt3A_26 : i1 to i32
    %cond3A = arith.constant 0 : i32
    %cond3A_27 = arith.cmpi ne, %convert_element_type3A, %cond3A : i32
    scf.if %cond3A_27 {
      %mul3A_70 = arith.constant 10000 : i32
      %mul3A_71 = arith.muli %add3A_3, %mul3A_70 : i32
      %add3A_72 = arith.addi %mul3A_71, %mul3A_0 : i32
      "tpu.region"() ({
        %run_scoped3A = tpu.sem_alloc : memref<!tpu.dma_semaphore, #tpu.memory_space<semaphore_mem>>
        %dma_start3A = arith.constant 0 : i32
        %dma_start3A_73 = tpu.memref_slice %arg5[%add3A_72, %dma_start3A] : memref<40000x128xf32, #tpu.memory_space<hbm>> -> memref<640x128xf32, #tpu.memory_space<hbm>>
        %dma_start3A_74 = arith.constant 0 : i32
        %dma_start3A_75 = tpu.memref_slice %arg9[%mul3A_0, %dma_start3A_74] : memref<10240x128xf32, #tpu.memory_space<vmem_shared>> -> memref<640x128xf32, #tpu.memory_space<vmem_shared>>
        tpu.enqueue_dma source(%dma_start3A_75 : memref<640x128xf32, #tpu.memory_space<vmem_shared>>) target(%dma_start3A_73 : memref<640x128xf32, #tpu.memory_space<hbm>>) target_semaphore(%run_scoped3A : memref<!tpu.dma_semaphore, #tpu.memory_space<semaphore_mem>>)
        %dma_wait3A = arith.constant 0 : i32
        %dma_wait3A_76 = tpu.memref_slice %arg5[%add3A_72, %dma_wait3A] : memref<40000x128xf32, #tpu.memory_space<hbm>> -> memref<640x128xf32, #tpu.memory_space<hbm>>
        %dma_wait3A_77 = arith.constant 0 : i32
        %dma_wait3A_78 = tpu.memref_slice %arg9[%mul3A_0, %dma_wait3A_77] : memref<10240x128xf32, #tpu.memory_space<vmem_shared>> -> memref<640x128xf32, #tpu.memory_space<vmem_shared>>
        tpu.wait_dma2 semaphore(%run_scoped3A : memref<!tpu.dma_semaphore, #tpu.memory_space<semaphore_mem>>) src(%dma_wait3A_78 : memref<640x128xf32, #tpu.memory_space<vmem_shared>>) dst(%dma_wait3A_76 : memref<640x128xf32, #tpu.memory_space<hbm>>)
        tpu.yield
      }) : () -> ()
    } else {
    }
    %eq3A = arith.constant 15 : i32
    %eq3A_28 = arith.cmpi eq, %arg1, %eq3A : i32
    %convert_element_type3A_29 = arith.extui %eq3A_28 : i1 to i32
    %cond3A_30 = arith.constant 0 : i32
    %cond3A_31 = arith.cmpi ne, %convert_element_type3A_29, %cond3A_30 : i32
    scf.if %cond3A_31 {
      %mul3A_70 = arith.constant 10000 : i32
      %mul3A_71 = arith.muli %add3A_3, %mul3A_70 : i32
      %add3A_72 = arith.addi %mul3A_71, %mul3A_0 : i32
      "tpu.region"() ({
        %run_scoped3A = tpu.sem_alloc : memref<!tpu.dma_semaphore, #tpu.memory_space<semaphore_mem>>
        %dma_start3A = arith.constant 0 : i32
        %dma_start3A_73 = tpu.memref_slice %arg5[%add3A_72, %dma_start3A] : memref<40000x128xf32, #tpu.memory_space<hbm>> -> memref<400x128xf32, #tpu.memory_space<hbm>>
        %dma_start3A_74 = arith.constant 0 : i32
        %dma_start3A_75 = tpu.memref_slice %arg9[%mul3A_0, %dma_start3A_74] : memref<10240x128xf32, #tpu.memory_space<vmem_shared>> -> memref<400x128xf32, #tpu.memory_space<vmem_shared>>
        tpu.enqueue_dma source(%dma_start3A_75 : memref<400x128xf32, #tpu.memory_space<vmem_shared>>) target(%dma_start3A_73 : memref<400x128xf32, #tpu.memory_space<hbm>>) target_semaphore(%run_scoped3A : memref<!tpu.dma_semaphore, #tpu.memory_space<semaphore_mem>>)
        %dma_wait3A = arith.constant 0 : i32
        %dma_wait3A_76 = tpu.memref_slice %arg5[%add3A_72, %dma_wait3A] : memref<40000x128xf32, #tpu.memory_space<hbm>> -> memref<400x128xf32, #tpu.memory_space<hbm>>
        %dma_wait3A_77 = arith.constant 0 : i32
        %dma_wait3A_78 = tpu.memref_slice %arg9[%mul3A_0, %dma_wait3A_77] : memref<10240x128xf32, #tpu.memory_space<vmem_shared>> -> memref<400x128xf32, #tpu.memory_space<vmem_shared>>
        tpu.wait_dma2 semaphore(%run_scoped3A : memref<!tpu.dma_semaphore, #tpu.memory_space<semaphore_mem>>) src(%dma_wait3A_78 : memref<400x128xf32, #tpu.memory_space<vmem_shared>>) dst(%dma_wait3A_76 : memref<400x128xf32, #tpu.memory_space<hbm>>)
        tpu.yield
      }) : () -> ()
    } else {
    }
    %mul3A_32 = arith.constant 2 : i32
    %mul3A_33 = arith.muli %arg0, %mul3A_32 : i32
    %add3A_34 = arith.constant 1 : i32
    %add3A_35 = arith.addi %mul3A_33, %add3A_34 : i32
    %scan3A_36 = arith.constant 0 : i32
    %scan3A_37 = arith.constant 0 : i32
    %scan3A_38 = arith.constant 128 : i32
    %scan3A_39 = arith.addi %scan3A_37, %scan3A_38 : i32
    %scan3A_40 = arith.constant 1 : i32
    scf.for %scan3A_70 = %scan3A_37 to %scan3A_39 step %scan3A_40  : i32 {
      %broadcast_in_dim3A = arith.constant 0.000000e+00 : f32
      %broadcast_in_dim3A_71 = vector.broadcast %broadcast_in_dim3A : f32 to vector<16xf32>
      %swap3A = arith.index_cast %scan3A_70 : i32 to index
      %swap3A_72 = arith.constant 0 : index
      %swap3A_73 = tpu.vector_load %arg8[%swap3A, %swap3A_72] {strides = array<i32>} : memref<128x128xf32, #tpu.memory_space<vmem>>, vector<1x16xf32>,
      %swap3A_74 = vector.shape_cast %swap3A_73 : vector<1x16xf32> to vector<16xf32>
      %swap3A_75 = vector.shape_cast %broadcast_in_dim3A_71 : vector<16xf32> to vector<1x16xf32>
      tpu.vector_store %arg8[%swap3A, %swap3A_72], %swap3A_75 {strides = array<i32>} : memref<128x128xf32, #tpu.memory_space<vmem>>, vector<1x16xf32>,
      %broadcast_in_dim3A_76 = arith.constant 0.000000e+00 : f32
      %broadcast_in_dim3A_77 = vector.broadcast %broadcast_in_dim3A_76 : f32 to vector<16xf32>
      %swap3A_78 = arith.index_cast %scan3A_70 : i32 to index
      %swap3A_79 = arith.constant 16 : index
      %swap3A_80 = tpu.vector_load %arg8[%swap3A_78, %swap3A_79] {strides = array<i32>} : memref<128x128xf32, #tpu.memory_space<vmem>>, vector<1x16xf32>,
      %swap3A_81 = vector.shape_cast %swap3A_80 : vector<1x16xf32> to vector<16xf32>
      %swap3A_82 = vector.shape_cast %broadcast_in_dim3A_77 : vector<16xf32> to vector<1x16xf32>
      tpu.vector_store %arg8[%swap3A_78, %swap3A_79], %swap3A_82 {strides = array<i32>} : memref<128x128xf32, #tpu.memory_space<vmem>>, vector<1x16xf32>,
      %broadcast_in_dim3A_83 = arith.constant 0.000000e+00 : f32
      %broadcast_in_dim3A_84 = vector.broadcast %broadcast_in_dim3A_83 : f32 to vector<16xf32>
      %swap3A_85 = arith.index_cast %scan3A_70 : i32 to index
      %swap3A_86 = arith.constant 32 : index
      %swap3A_87 = tpu.vector_load %arg8[%swap3A_85, %swap3A_86] {strides = array<i32>} : memref<128x128xf32, #tpu.memory_space<vmem>>, vector<1x16xf32>,
      %swap3A_88 = vector.shape_cast %swap3A_87 : vector<1x16xf32> to vector<16xf32>
      %swap3A_89 = vector.shape_cast %broadcast_in_dim3A_84 : vector<16xf32> to vector<1x16xf32>
      tpu.vector_store %arg8[%swap3A_85, %swap3A_86], %swap3A_89 {strides = array<i32>} : memref<128x128xf32, #tpu.memory_space<vmem>>, vector<1x16xf32>,
      %broadcast_in_dim3A_90 = arith.constant 0.000000e+00 : f32
      %broadcast_in_dim3A_91 = vector.broadcast %broadcast_in_dim3A_90 : f32 to vector<16xf32>
      %swap3A_92 = arith.index_cast %scan3A_70 : i32 to index
      %swap3A_93 = arith.constant 48 : index
      %swap3A_94 = tpu.vector_load %arg8[%swap3A_92, %swap3A_93] {strides = array<i32>} : memref<128x128xf32, #tpu.memory_space<vmem>>, vector<1x16xf32>,
      %swap3A_95 = vector.shape_cast %swap3A_94 : vector<1x16xf32> to vector<16xf32>
      %swap3A_96 = vector.shape_cast %broadcast_in_dim3A_91 : vector<16xf32> to vector<1x16xf32>
      tpu.vector_store %arg8[%swap3A_92, %swap3A_93], %swap3A_96 {strides = array<i32>} : memref<128x128xf32, #tpu.memory_space<vmem>>, vector<1x16xf32>,
      %broadcast_in_dim3A_97 = arith.constant 0.000000e+00 : f32
      %broadcast_in_dim3A_98 = vector.broadcast %broadcast_in_dim3A_97 : f32 to vector<16xf32>
      %swap3A_99 = arith.index_cast %scan3A_70 : i32 to index
      %swap3A_100 = arith.constant 64 : index
      %swap3A_101 = tpu.vector_load %arg8[%swap3A_99, %swap3A_100] {strides = array<i32>} : memref<128x128xf32, #tpu.memory_space<vmem>>, vector<1x16xf32>,
      %swap3A_102 = vector.shape_cast %swap3A_101 : vector<1x16xf32> to vector<16xf32>
      %swap3A_103 = vector.shape_cast %broadcast_in_dim3A_98 : vector<16xf32> to vector<1x16xf32>
      tpu.vector_store %arg8[%swap3A_99, %swap3A_100], %swap3A_103 {strides = array<i32>} : memref<128x128xf32, #tpu.memory_space<vmem>>, vector<1x16xf32>,
      %broadcast_in_dim3A_104 = arith.constant 0.000000e+00 : f32
      %broadcast_in_dim3A_105 = vector.broadcast %broadcast_in_dim3A_104 : f32 to vector<16xf32>
      %swap3A_106 = arith.index_cast %scan3A_70 : i32 to index
      %swap3A_107 = arith.constant 80 : index
      %swap3A_108 = tpu.vector_load %arg8[%swap3A_106, %swap3A_107] {strides = array<i32>} : memref<128x128xf32, #tpu.memory_space<vmem>>, vector<1x16xf32>,
      %swap3A_109 = vector.shape_cast %swap3A_108 : vector<1x16xf32> to vector<16xf32>
      %swap3A_110 = vector.shape_cast %broadcast_in_dim3A_105 : vector<16xf32> to vector<1x16xf32>
      tpu.vector_store %arg8[%swap3A_106, %swap3A_107], %swap3A_110 {strides = array<i32>} : memref<128x128xf32, #tpu.memory_space<vmem>>, vector<1x16xf32>,
      %broadcast_in_dim3A_111 = arith.constant 0.000000e+00 : f32
      %broadcast_in_dim3A_112 = vector.broadcast %broadcast_in_dim3A_111 : f32 to vector<16xf32>
      %swap3A_113 = arith.index_cast %scan3A_70 : i32 to index
      %swap3A_114 = arith.constant 96 : index
      %swap3A_115 = tpu.vector_load %arg8[%swap3A_113, %swap3A_114] {strides = array<i32>} : memref<128x128xf32, #tpu.memory_space<vmem>>, vector<1x16xf32>,
      %swap3A_116 = vector.shape_cast %swap3A_115 : vector<1x16xf32> to vector<16xf32>
      %swap3A_117 = vector.shape_cast %broadcast_in_dim3A_112 : vector<16xf32> to vector<1x16xf32>
      tpu.vector_store %arg8[%swap3A_113, %swap3A_114], %swap3A_117 {strides = array<i32>} : memref<128x128xf32, #tpu.memory_space<vmem>>, vector<1x16xf32>,
      %broadcast_in_dim3A_118 = arith.constant 0.000000e+00 : f32
      %broadcast_in_dim3A_119 = vector.broadcast %broadcast_in_dim3A_118 : f32 to vector<16xf32>
      %swap3A_120 = arith.index_cast %scan3A_70 : i32 to index
      %swap3A_121 = arith.constant 112 : index
      %swap3A_122 = tpu.vector_load %arg8[%swap3A_120, %swap3A_121] {strides = array<i32>} : memref<128x128xf32, #tpu.memory_space<vmem>>, vector<1x16xf32>,
      %swap3A_123 = vector.shape_cast %swap3A_122 : vector<1x16xf32> to vector<16xf32>
      %swap3A_124 = vector.shape_cast %broadcast_in_dim3A_119 : vector<16xf32> to vector<1x16xf32>
      tpu.vector_store %arg8[%swap3A_120, %swap3A_121], %swap3A_124 {strides = array<i32>} : memref<128x128xf32, #tpu.memory_space<vmem>>, vector<1x16xf32>,
    }
    %scan3A_41 = arith.constant 128 : i32
    %add3A_42 = arith.constant 0 : i32
    %add3A_43 = arith.addi %mul3A_0, %add3A_42 : i32
    "tpu.region"() ({
      %run_scoped3A = tpu.sem_alloc : memref<!tpu.dma_semaphore, #tpu.memory_space<semaphore_mem>>
      %dma_start3A = arith.constant 0 : i32
      %dma_start3A_70 = tpu.memref_slice %arg9[%add3A_43, %dma_start3A] : memref<10240x128xf32, #tpu.memory_space<vmem_shared>> -> memref<128x128xf32, #tpu.memory_space<vmem_shared>>
      %dma_start3A_71 = arith.constant 0 : i32
      %dma_start3A_72 = tpu.memref_slice %arg9[%add3A_43, %dma_start3A_71] : memref<10240x128xf32, #tpu.memory_space<vmem_shared>> -> memref<128x128xf32, #tpu.memory_space<vmem_shared>>
      tpu.enqueue_dma source(%arg8 : memref<128x128xf32, #tpu.memory_space<vmem>>) target(%dma_start3A_72 : memref<128x128xf32, #tpu.memory_space<vmem_shared>>) target_semaphore(%run_scoped3A : memref<!tpu.dma_semaphore, #tpu.memory_space<semaphore_mem>>)
      %dma_wait3A = arith.constant 0 : i32
      %dma_wait3A_73 = tpu.memref_slice %arg9[%add3A_43, %dma_wait3A] : memref<10240x128xf32, #tpu.memory_space<vmem_shared>> -> memref<128x128xf32, #tpu.memory_space<vmem_shared>>
      %dma_wait3A_74 = arith.constant 0 : i32
      %dma_wait3A_75 = tpu.memref_slice %arg9[%add3A_43, %dma_wait3A_74] : memref<10240x128xf32, #tpu.memory_space<vmem_shared>> -> memref<128x128xf32, #tpu.memory_space<vmem_shared>>
      tpu.wait_dma2 semaphore(%run_scoped3A : memref<!tpu.dma_semaphore, #tpu.memory_space<semaphore_mem>>) src(%arg8 : memref<128x128xf32, #tpu.memory_space<vmem>>) dst(%dma_wait3A_75 : memref<128x128xf32, #tpu.memory_space<vmem_shared>>)
      tpu.yield
    }) : () -> ()
    %add3A_44 = arith.constant 128 : i32
    %add3A_45 = arith.addi %mul3A_0, %add3A_44 : i32
    "tpu.region"() ({
      %run_scoped3A = tpu.sem_alloc : memref<!tpu.dma_semaphore, #tpu.memory_space<semaphore_mem>>
      %dma_start3A = arith.constant 0 : i32
      %dma_start3A_70 = tpu.memref_slice %arg9[%add3A_45, %dma_start3A] : memref<10240x128xf32, #tpu.memory_space<vmem_shared>> -> memref<128x128xf32, #tpu.memory_space<vmem_shared>>
      %dma_start3A_71 = arith.constant 0 : i32
      %dma_start3A_72 = tpu.memref_slice %arg9[%add3A_45, %dma_start3A_71] : memref<10240x128xf32, #tpu.memory_space<vmem_shared>> -> memref<128x128xf32, #tpu.memory_space<vmem_shared>>
      tpu.enqueue_dma source(%arg8 : memref<128x128xf32, #tpu.memory_space<vmem>>) target(%dma_start3A_72 : memref<128x128xf32, #tpu.memory_space<vmem_shared>>) target_semaphore(%run_scoped3A : memref<!tpu.dma_semaphore, #tpu.memory_space<semaphore_mem>>)
      %dma_wait3A = arith.constant 0 : i32
      %dma_wait3A_73 = tpu.memref_slice %arg9[%add3A_45, %dma_wait3A] : memref<10240x128xf32, #tpu.memory_space<vmem_shared>> -> memref<128x128xf32, #tpu.memory_space<vmem_shared>>
      %dma_wait3A_74 = arith.constant 0 : i32
      %dma_wait3A_75 = tpu.memref_slice %arg9[%add3A_45, %dma_wait3A_74] : memref<10240x128xf32, #tpu.memory_space<vmem_shared>> -> memref<128x128xf32, #tpu.memory_space<vmem_shared>>
      tpu.wait_dma2 semaphore(%run_scoped3A : memref<!tpu.dma_semaphore, #tpu.memory_space<semaphore_mem>>) src(%arg8 : memref<128x128xf32, #tpu.memory_space<vmem>>) dst(%dma_wait3A_75 : memref<128x128xf32, #tpu.memory_space<vmem_shared>>)
      tpu.yield
    }) : () -> ()
    %add3A_46 = arith.constant 256 : i32
    %add3A_47 = arith.addi %mul3A_0, %add3A_46 : i32
    "tpu.region"() ({
      %run_scoped3A = tpu.sem_alloc : memref<!tpu.dma_semaphore, #tpu.memory_space<semaphore_mem>>
      %dma_start3A = arith.constant 0 : i32
      %dma_start3A_70 = tpu.memref_slice %arg9[%add3A_47, %dma_start3A] : memref<10240x128xf32, #tpu.memory_space<vmem_shared>> -> memref<128x128xf32, #tpu.memory_space<vmem_shared>>
      %dma_start3A_71 = arith.constant 0 : i32
      %dma_start3A_72 = tpu.memref_slice %arg9[%add3A_47, %dma_start3A_71] : memref<10240x128xf32, #tpu.memory_space<vmem_shared>> -> memref<128x128xf32, #tpu.memory_space<vmem_shared>>
      tpu.enqueue_dma source(%arg8 : memref<128x128xf32, #tpu.memory_space<vmem>>) target(%dma_start3A_72 : memref<128x128xf32, #tpu.memory_space<vmem_shared>>) target_semaphore(%run_scoped3A : memref<!tpu.dma_semaphore, #tpu.memory_space<semaphore_mem>>)
      %dma_wait3A = arith.constant 0 : i32
      %dma_wait3A_73 = tpu.memref_slice %arg9[%add3A_47, %dma_wait3A] : memref<10240x128xf32, #tpu.memory_space<vmem_shared>> -> memref<128x128xf32, #tpu.memory_space<vmem_shared>>
      %dma_wait3A_74 = arith.constant 0 : i32
      %dma_wait3A_75 = tpu.memref_slice %arg9[%add3A_47, %dma_wait3A_74] : memref<10240x128xf32, #tpu.memory_space<vmem_shared>> -> memref<128x128xf32, #tpu.memory_space<vmem_shared>>
      tpu.wait_dma2 semaphore(%run_scoped3A : memref<!tpu.dma_semaphore, #tpu.memory_space<semaphore_mem>>) src(%arg8 : memref<128x128xf32, #tpu.memory_space<vmem>>) dst(%dma_wait3A_75 : memref<128x128xf32, #tpu.memory_space<vmem_shared>>)
      tpu.yield
    }) : () -> ()
    %add3A_48 = arith.constant 384 : i32
    %add3A_49 = arith.addi %mul3A_0, %add3A_48 : i32
    "tpu.region"() ({
      %run_scoped3A = tpu.sem_alloc : memref<!tpu.dma_semaphore, #tpu.memory_space<semaphore_mem>>
      %dma_start3A = arith.constant 0 : i32
      %dma_start3A_70 = tpu.memref_slice %arg9[%add3A_49, %dma_start3A] : memref<10240x128xf32, #tpu.memory_space<vmem_shared>> -> memref<128x128xf32, #tpu.memory_space<vmem_shared>>
      %dma_start3A_71 = arith.constant 0 : i32
      %dma_start3A_72 = tpu.memref_slice %arg9[%add3A_49, %dma_start3A_71] : memref<10240x128xf32, #tpu.memory_space<vmem_shared>> -> memref<128x128xf32, #tpu.memory_space<vmem_shared>>
      tpu.enqueue_dma source(%arg8 : memref<128x128xf32, #tpu.memory_space<vmem>>) target(%dma_start3A_72 : memref<128x128xf32, #tpu.memory_space<vmem_shared>>) target_semaphore(%run_scoped3A : memref<!tpu.dma_semaphore, #tpu.memory_space<semaphore_mem>>)
      %dma_wait3A = arith.constant 0 : i32
      %dma_wait3A_73 = tpu.memref_slice %arg9[%add3A_49, %dma_wait3A] : memref<10240x128xf32, #tpu.memory_space<vmem_shared>> -> memref<128x128xf32, #tpu.memory_space<vmem_shared>>
      %dma_wait3A_74 = arith.constant 0 : i32
      %dma_wait3A_75 = tpu.memref_slice %arg9[%add3A_49, %dma_wait3A_74] : memref<10240x128xf32, #tpu.memory_space<vmem_shared>> -> memref<128x128xf32, #tpu.memory_space<vmem_shared>>
      tpu.wait_dma2 semaphore(%run_scoped3A : memref<!tpu.dma_semaphore, #tpu.memory_space<semaphore_mem>>) src(%arg8 : memref<128x128xf32, #tpu.memory_space<vmem>>) dst(%dma_wait3A_75 : memref<128x128xf32, #tpu.memory_space<vmem_shared>>)
      tpu.yield
    }) : () -> ()
    %add3A_50 = arith.constant 512 : i32
    %add3A_51 = arith.addi %mul3A_0, %add3A_50 : i32
    "tpu.region"() ({
      %run_scoped3A = tpu.sem_alloc : memref<!tpu.dma_semaphore, #tpu.memory_space<semaphore_mem>>
      %dma_start3A = arith.constant 0 : i32
      %dma_start3A_70 = tpu.memref_slice %arg9[%add3A_51, %dma_start3A] : memref<10240x128xf32, #tpu.memory_space<vmem_shared>> -> memref<128x128xf32, #tpu.memory_space<vmem_shared>>
      %dma_start3A_71 = arith.constant 0 : i32
      %dma_start3A_72 = tpu.memref_slice %arg9[%add3A_51, %dma_start3A_71] : memref<10240x128xf32, #tpu.memory_space<vmem_shared>> -> memref<128x128xf32, #tpu.memory_space<vmem_shared>>
      tpu.enqueue_dma source(%arg8 : memref<128x128xf32, #tpu.memory_space<vmem>>) target(%dma_start3A_72 : memref<128x128xf32, #tpu.memory_space<vmem_shared>>) target_semaphore(%run_scoped3A : memref<!tpu.dma_semaphore, #tpu.memory_space<semaphore_mem>>)
      %dma_wait3A = arith.constant 0 : i32
      %dma_wait3A_73 = tpu.memref_slice %arg9[%add3A_51, %dma_wait3A] : memref<10240x128xf32, #tpu.memory_space<vmem_shared>> -> memref<128x128xf32, #tpu.memory_space<vmem_shared>>
      %dma_wait3A_74 = arith.constant 0 : i32
      %dma_wait3A_75 = tpu.memref_slice %arg9[%add3A_51, %dma_wait3A_74] : memref<10240x128xf32, #tpu.memory_space<vmem_shared>> -> memref<128x128xf32, #tpu.memory_space<vmem_shared>>
      tpu.wait_dma2 semaphore(%run_scoped3A : memref<!tpu.dma_semaphore, #tpu.memory_space<semaphore_mem>>) src(%arg8 : memref<128x128xf32, #tpu.memory_space<vmem>>) dst(%dma_wait3A_75 : memref<128x128xf32, #tpu.memory_space<vmem_shared>>)
      tpu.yield
    }) : () -> ()
    %barrier3A_52 = arith.constant 0 : index
    tpu.barrier barrier_id(%barrier3A_52)
    "tpu.region"() ({
      %run_scoped3A = tpu.sem_alloc : memref<!tpu.dma_semaphore, #tpu.memory_space<semaphore_mem>>
      %dma_start3A = arith.constant 0 : i32
      %dma_start3A_70 = arith.constant 0 : i32
      %dma_start3A_71 = tpu.memref_slice %arg2[%add3A_35, %arg1, %dma_start3A, %dma_start3A_70] : memref<4x16x79x128xi32, #tpu.memory_space<hbm>> -> memref<1x1x79x128xi32, #tpu.memory_space<hbm>>
      %dma_start3A_72 = tpu.memref_squeeze %dma_start3A_71 : memref<1x1x79x128xi32, #tpu.memory_space<hbm>> -> memref<79x128xi32, #tpu.memory_space<hbm>>
      %dma_start3A_73 = arith.constant 0 : i32
      %dma_start3A_74 = arith.constant 0 : i32
      %dma_start3A_75 = tpu.memref_slice %arg2[%add3A_35, %arg1, %dma_start3A_73, %dma_start3A_74] : memref<4x16x79x128xi32, #tpu.memory_space<hbm>> -> memref<1x1x79x128xi32, #tpu.memory_space<hbm>>
      %dma_start3A_76 = tpu.memref_squeeze %dma_start3A_75 : memref<1x1x79x128xi32, #tpu.memory_space<hbm>> -> memref<79x128xi32, #tpu.memory_space<hbm>>
      tpu.enqueue_dma source(%dma_start3A_76 : memref<79x128xi32, #tpu.memory_space<hbm>>) target(%arg6 : memref<79x128xi32, #tpu.memory_space<vmem>>) target_semaphore(%run_scoped3A : memref<!tpu.dma_semaphore, #tpu.memory_space<semaphore_mem>>)
      %dma_wait3A = arith.constant 0 : i32
      %dma_wait3A_77 = arith.constant 0 : i32
      %dma_wait3A_78 = tpu.memref_slice %arg2[%add3A_35, %arg1, %dma_wait3A, %dma_wait3A_77] : memref<4x16x79x128xi32, #tpu.memory_space<hbm>> -> memref<1x1x79x128xi32, #tpu.memory_space<hbm>>
      %dma_wait3A_79 = tpu.memref_squeeze %dma_wait3A_78 : memref<1x1x79x128xi32, #tpu.memory_space<hbm>> -> memref<79x128xi32, #tpu.memory_space<hbm>>
      %dma_wait3A_80 = arith.constant 0 : i32
      %dma_wait3A_81 = arith.constant 0 : i32
      %dma_wait3A_82 = tpu.memref_slice %arg2[%add3A_35, %arg1, %dma_wait3A_80, %dma_wait3A_81] : memref<4x16x79x128xi32, #tpu.memory_space<hbm>> -> memref<1x1x79x128xi32, #tpu.memory_space<hbm>>
      %dma_wait3A_83 = tpu.memref_squeeze %dma_wait3A_82 : memref<1x1x79x128xi32, #tpu.memory_space<hbm>> -> memref<79x128xi32, #tpu.memory_space<hbm>>
      tpu.wait_dma2 semaphore(%run_scoped3A : memref<!tpu.dma_semaphore, #tpu.memory_space<semaphore_mem>>) src(%dma_wait3A_83 : memref<79x128xi32, #tpu.memory_space<hbm>>) dst(%arg6 : memref<79x128xi32, #tpu.memory_space<vmem>>)
      tpu.yield
    }) : () -> ()
    "tpu.region"() ({
      %run_scoped3A = tpu.sem_alloc : memref<!tpu.dma_semaphore, #tpu.memory_space<semaphore_mem>>
      %dma_start3A = arith.constant 0 : i32
      %dma_start3A_70 = arith.constant 0 : i32
      %dma_start3A_71 = tpu.memref_slice %arg3[%arg1, %dma_start3A, %dma_start3A_70] : memref<16x79x128xi32, #tpu.memory_space<hbm>> -> memref<1x79x128xi32, #tpu.memory_space<hbm>>
      %dma_start3A_72 = tpu.memref_squeeze %dma_start3A_71 : memref<1x79x128xi32, #tpu.memory_space<hbm>> -> memref<79x128xi32, #tpu.memory_space<hbm>>
      %dma_start3A_73 = arith.constant 0 : i32
      %dma_start3A_74 = arith.constant 0 : i32
      %dma_start3A_75 = tpu.memref_slice %arg3[%arg1, %dma_start3A_73, %dma_start3A_74] : memref<16x79x128xi32, #tpu.memory_space<hbm>> -> memref<1x79x128xi32, #tpu.memory_space<hbm>>
      %dma_start3A_76 = tpu.memref_squeeze %dma_start3A_75 : memref<1x79x128xi32, #tpu.memory_space<hbm>> -> memref<79x128xi32, #tpu.memory_space<hbm>>
      tpu.enqueue_dma source(%dma_start3A_76 : memref<79x128xi32, #tpu.memory_space<hbm>>) target(%arg7 : memref<79x128xi32, #tpu.memory_space<vmem>>) target_semaphore(%run_scoped3A : memref<!tpu.dma_semaphore, #tpu.memory_space<semaphore_mem>>)
      %dma_wait3A = arith.constant 0 : i32
      %dma_wait3A_77 = arith.constant 0 : i32
      %dma_wait3A_78 = tpu.memref_slice %arg3[%arg1, %dma_wait3A, %dma_wait3A_77] : memref<16x79x128xi32, #tpu.memory_space<hbm>> -> memref<1x79x128xi32, #tpu.memory_space<hbm>>
      %dma_wait3A_79 = tpu.memref_squeeze %dma_wait3A_78 : memref<1x79x128xi32, #tpu.memory_space<hbm>> -> memref<79x128xi32, #tpu.memory_space<hbm>>
      %dma_wait3A_80 = arith.constant 0 : i32
      %dma_wait3A_81 = arith.constant 0 : i32
      %dma_wait3A_82 = tpu.memref_slice %arg3[%arg1, %dma_wait3A_80, %dma_wait3A_81] : memref<16x79x128xi32, #tpu.memory_space<hbm>> -> memref<1x79x128xi32, #tpu.memory_space<hbm>>
      %dma_wait3A_83 = tpu.memref_squeeze %dma_wait3A_82 : memref<1x79x128xi32, #tpu.memory_space<hbm>> -> memref<79x128xi32, #tpu.memory_space<hbm>>
      tpu.wait_dma2 semaphore(%run_scoped3A : memref<!tpu.dma_semaphore, #tpu.memory_space<semaphore_mem>>) src(%dma_wait3A_83 : memref<79x128xi32, #tpu.memory_space<hbm>>) dst(%arg7 : memref<79x128xi32, #tpu.memory_space<vmem>>)
      tpu.yield
    }) : () -> ()
    %scan3A_53 = arith.constant 0 : i32
    %scan3A_54 = arith.constant 0 : i32
    %scan3A_55 = arith.constant 79 : i32
    %scan3A_56 = arith.addi %scan3A_54, %scan3A_55 : i32
    %scan3A_57 = arith.constant 1 : i32
    scf.for %scan3A_70 = %scan3A_54 to %scan3A_56 step %scan3A_57  : i32 {
      %dma_start3A = arith.constant 0 : i32
      %dma_start3A_71 = tpu.memref_slice %arg6[%scan3A_70, %dma_start3A] : memref<79x128xi32, #tpu.memory_space<vmem>> -> memref<1x128xi32, #tpu.memory_space<vmem>>
      %dma_start3A_72 = tpu.memref_squeeze %dma_start3A_71 : memref<1x128xi32, #tpu.memory_space<vmem>> -> memref<128xi32, #tpu.memory_space<vmem>>
      %dma_start3A_73 = arith.constant 0 : i32
      %dma_start3A_74 = arith.constant 0 : i32
      %dma_start3A_75 = tpu.memref_slice %arg4[%dma_start3A_73, %dma_start3A_74] : memref<40000x128xf32, #tpu.memory_space<hbm>> -> memref<40000x128xf32, #tpu.memory_space<hbm>>
      tpu.enqueue_indirect_dma source(%dma_start3A_75 : memref<40000x128xf32, #tpu.memory_space<hbm>>) target(%arg8 : memref<128x128xf32, #tpu.memory_space<vmem>>) offsets(%dma_start3A_72 : memref<128xi32, #tpu.memory_space<vmem>>) semaphore(%arg10 : memref<!tpu.dma_semaphore, #tpu.memory_space<semaphore_mem>>)
      %dma_wait3A = arith.constant 0 : i32
      %dma_wait3A_76 = tpu.memref_slice %arg6[%scan3A_70, %dma_wait3A] : memref<79x128xi32, #tpu.memory_space<vmem>> -> memref<1x128xi32, #tpu.memory_space<vmem>>
      %dma_wait3A_77 = tpu.memref_squeeze %dma_wait3A_76 : memref<1x128xi32, #tpu.memory_space<vmem>> -> memref<128xi32, #tpu.memory_space<vmem>>
      %dma_wait3A_78 = arith.constant 0 : i32
      %dma_wait3A_79 = arith.constant 0 : i32
      %dma_wait3A_80 = tpu.memref_slice %arg4[%dma_wait3A_78, %dma_wait3A_79] : memref<40000x128xf32, #tpu.memory_space<hbm>> -> memref<40000x128xf32, #tpu.memory_space<hbm>>
      tpu.wait_indirect_dma semaphore(%arg10 : memref<!tpu.dma_semaphore, #tpu.memory_space<semaphore_mem>>) src(%dma_wait3A_80 : memref<40000x128xf32, #tpu.memory_space<hbm>>) dst(%arg8 : memref<128x128xf32, #tpu.memory_space<vmem>>)
      "tpu.region"() ({
        %run_scoped3A = tpu.sem_alloc : memref<!tpu.dma_semaphore, #tpu.memory_space<semaphore_mem>>
        %dma_start3A_81 = arith.constant 0 : i32
        %dma_start3A_82 = tpu.memref_slice %arg7[%scan3A_70, %dma_start3A_81] : memref<79x128xi32, #tpu.memory_space<vmem>> -> memref<1x128xi32, #tpu.memory_space<vmem>>
        %dma_start3A_83 = tpu.memref_squeeze %dma_start3A_82 : memref<1x128xi32, #tpu.memory_space<vmem>> -> memref<128xi32, #tpu.memory_space<vmem>>
        %dma_start3A_84 = arith.constant 0 : i32
        %dma_start3A_85 = arith.constant 0 : i32
        %dma_start3A_86 = tpu.memref_slice %arg9[%dma_start3A_84, %dma_start3A_85] : memref<10240x128xf32, #tpu.memory_space<vmem_shared>> -> memref<10240x128xf32, #tpu.memory_space<vmem_shared>>
        tpu.enqueue_indirect_dma source(%arg8 : memref<128x128xf32, #tpu.memory_space<vmem>>) target(%dma_start3A_86 : memref<10240x128xf32, #tpu.memory_space<vmem_shared>>) offsets(%dma_start3A_83 : memref<128xi32, #tpu.memory_space<vmem>>) semaphore(%run_scoped3A : memref<!tpu.dma_semaphore, #tpu.memory_space<semaphore_mem>>) {add = true}
        %dma_wait3A_87 = arith.constant 0 : i32
        %dma_wait3A_88 = tpu.memref_slice %arg7[%scan3A_70, %dma_wait3A_87] : memref<79x128xi32, #tpu.memory_space<vmem>> -> memref<1x128xi32, #tpu.memory_space<vmem>>
        %dma_wait3A_89 = tpu.memref_squeeze %dma_wait3A_88 : memref<1x128xi32, #tpu.memory_space<vmem>> -> memref<128xi32, #tpu.memory_space<vmem>>
        %dma_wait3A_90 = arith.constant 0 : i32
        %dma_wait3A_91 = arith.constant 0 : i32
        %dma_wait3A_92 = tpu.memref_slice %arg9[%dma_wait3A_90, %dma_wait3A_91] : memref<10240x128xf32, #tpu.memory_space<vmem_shared>> -> memref<10240x128xf32, #tpu.memory_space<vmem_shared>>
        tpu.wait_indirect_dma semaphore(%run_scoped3A : memref<!tpu.dma_semaphore, #tpu.memory_space<semaphore_mem>>) src(%arg8 : memref<128x128xf32, #tpu.memory_space<vmem>>) dst(%dma_wait3A_92 : memref<10240x128xf32, #tpu.memory_space<vmem_shared>>)
        tpu.yield
      }) : () -> ()
    }
    %scan3A_58 = arith.constant 79 : i32
    %barrier3A_59 = arith.constant 0 : index
    tpu.barrier barrier_id(%barrier3A_59)
    %lt3A_60 = arith.constant 15 : i32
    %lt3A_61 = arith.cmpi slt, %arg1, %lt3A_60 : i32
    %convert_element_type3A_62 = arith.extui %lt3A_61 : i1 to i32
    %cond3A_63 = arith.constant 0 : i32
    %cond3A_64 = arith.cmpi ne, %convert_element_type3A_62, %cond3A_63 : i32
    scf.if %cond3A_64 {
      %mul3A_70 = arith.constant 10000 : i32
      %mul3A_71 = arith.muli %add3A_35, %mul3A_70 : i32
      %add3A_72 = arith.addi %mul3A_71, %mul3A_0 : i32
      "tpu.region"() ({
        %run_scoped3A = tpu.sem_alloc : memref<!tpu.dma_semaphore, #tpu.memory_space<semaphore_mem>>
        %dma_start3A = arith.constant 0 : i32
        %dma_start3A_73 = tpu.memref_slice %arg5[%add3A_72, %dma_start3A] : memref<40000x128xf32, #tpu.memory_space<hbm>> -> memref<640x128xf32, #tpu.memory_space<hbm>>
        %dma_start3A_74 = arith.constant 0 : i32
        %dma_start3A_75 = tpu.memref_slice %arg9[%mul3A_0, %dma_start3A_74] : memref<10240x128xf32, #tpu.memory_space<vmem_shared>> -> memref<640x128xf32, #tpu.memory_space<vmem_shared>>
        tpu.enqueue_dma source(%dma_start3A_75 : memref<640x128xf32, #tpu.memory_space<vmem_shared>>) target(%dma_start3A_73 : memref<640x128xf32, #tpu.memory_space<hbm>>) target_semaphore(%run_scoped3A : memref<!tpu.dma_semaphore, #tpu.memory_space<semaphore_mem>>)
        %dma_wait3A = arith.constant 0 : i32
        %dma_wait3A_76 = tpu.memref_slice %arg5[%add3A_72, %dma_wait3A] : memref<40000x128xf32, #tpu.memory_space<hbm>> -> memref<640x128xf32, #tpu.memory_space<hbm>>
        %dma_wait3A_77 = arith.constant 0 : i32
        %dma_wait3A_78 = tpu.memref_slice %arg9[%mul3A_0, %dma_wait3A_77] : memref<10240x128xf32, #tpu.memory_space<vmem_shared>> -> memref<640x128xf32, #tpu.memory_space<vmem_shared>>
        tpu.wait_dma2 semaphore(%run_scoped3A : memref<!tpu.dma_semaphore, #tpu.memory_space<semaphore_mem>>) src(%dma_wait3A_78 : memref<640x128xf32, #tpu.memory_space<vmem_shared>>) dst(%dma_wait3A_76 : memref<640x128xf32, #tpu.memory_space<hbm>>)
        tpu.yield
      }) : () -> ()
    } else {
    }
    %eq3A_65 = arith.constant 15 : i32
    %eq3A_66 = arith.cmpi eq, %arg1, %eq3A_65 : i32
    %convert_element_type3A_67 = arith.extui %eq3A_66 : i1 to i32
    %cond3A_68 = arith.constant 0 : i32
    %cond3A_69 = arith.cmpi ne, %convert_element_type3A_67, %cond3A_68 : i32
    scf.if %cond3A_69 {
      %mul3A_70 = arith.constant 10000 : i32
      %mul3A_71 = arith.muli %add3A_35, %mul3A_70 : i32
      %add3A_72 = arith.addi %mul3A_71, %mul3A_0 : i32
      "tpu.region"() ({
        %run_scoped3A = tpu.sem_alloc : memref<!tpu.dma_semaphore, #tpu.memory_space<semaphore_mem>>
        %dma_start3A = arith.constant 0 : i32
        %dma_start3A_73 = tpu.memref_slice %arg5[%add3A_72, %dma_start3A] : memref<40000x128xf32, #tpu.memory_space<hbm>> -> memref<400x128xf32, #tpu.memory_space<hbm>>
        %dma_start3A_74 = arith.constant 0 : i32
        %dma_start3A_75 = tpu.memref_slice %arg9[%mul3A_0, %dma_start3A_74] : memref<10240x128xf32, #tpu.memory_space<vmem_shared>> -> memref<400x128xf32, #tpu.memory_space<vmem_shared>>
        tpu.enqueue_dma source(%dma_start3A_75 : memref<400x128xf32, #tpu.memory_space<vmem_shared>>) target(%dma_start3A_73 : memref<400x128xf32, #tpu.memory_space<hbm>>) target_semaphore(%run_scoped3A : memref<!tpu.dma_semaphore, #tpu.memory_space<semaphore_mem>>)
        %dma_wait3A = arith.constant 0 : i32
        %dma_wait3A_76 = tpu.memref_slice %arg5[%add3A_72, %dma_wait3A] : memref<40000x128xf32, #tpu.memory_space<hbm>> -> memref<400x128xf32, #tpu.memory_space<hbm>>
        %dma_wait3A_77 = arith.constant 0 : i32
        %dma_wait3A_78 = tpu.memref_slice %arg9[%mul3A_0, %dma_wait3A_77] : memref<10240x128xf32, #tpu.memory_space<vmem_shared>> -> memref<400x128xf32, #tpu.memory_space<vmem_shared>>
        tpu.wait_dma2 semaphore(%run_scoped3A : memref<!tpu.dma_semaphore, #tpu.memory_space<semaphore_mem>>) src(%dma_wait3A_78 : memref<400x128xf32, #tpu.memory_space<vmem_shared>>) dst(%dma_wait3A_76 : memref<400x128xf32, #tpu.memory_space<hbm>>)
        tpu.yield
      }) : () -> ()
    } else {
    }
    return
  }
}

module attributes {stable_mosaic.version = 14 : i64} {
  func.func @_front_body(%arg0: i32, %arg1: memref<1000x256xf32, #tpu.memory_space<vmem>>, %arg2: memref<256x512xf32, #tpu.memory_space<vmem>>, %arg3: memref<1x512xf32, #tpu.memory_space<vmem>>, %arg4: memref<512x512xf32, #tpu.memory_space<vmem>>, %arg5: memref<2x1000x128xf32, #tpu.memory_space<vmem>>, %arg6: memref<4x1000x128xf32, #tpu.memory_space<vmem>>, %arg7: memref<1000x1xf32, #tpu.memory_space<vmem>>) attributes {dimension_semantics = [#tpu.dimension_semantics<arbitrary>], iteration_bounds = array<i64: 10>, scalar_prefetch = 0 : i64, scratch_operands = 0 : i64, tpu.core_type = #tpu.core_type<tc>, window_params = [{transform_indices = @transform_0, window_bounds = array<i64: 1000, 256>}, {pipeline_mode = #tpu.pipeline_mode<synchronous>, transform_indices = @transform_1, window_bounds = array<i64: 256, 512>}, {pipeline_mode = #tpu.pipeline_mode<synchronous>, transform_indices = @transform_2, window_bounds = array<i64: 1, 512>}, {pipeline_mode = #tpu.pipeline_mode<synchronous>, transform_indices = @transform_3, window_bounds = array<i64: 512, 512>}, {transform_indices = @transform_4, window_bounds = array<i64: 2, 1000, 128>}, {transform_indices = @transform_5, window_bounds = array<i64: 4, 1000, 128>}, {transform_indices = @transform_6, window_bounds = array<i64: 1000, 1>}]} {
    %get3A = arith.constant 0 : index
    %get3A_0 = arith.constant 0 : index
    %get3A_1 = arith.constant 0 : index
    %get3A_2 = vector.load %arg5[%get3A, %get3A_0, %get3A_1] : memref<2x1000x128xf32, #tpu.memory_space<vmem>>, vector<1x1000x1xf32>
    %get3A_3 = vector.shape_cast %get3A_2 : vector<1x1000x1xf32> to vector<1000x1xf32>
    %get3A_4 = arith.constant 1 : index
    %get3A_5 = arith.constant 0 : index
    %get3A_6 = arith.constant 0 : index
    %get3A_7 = vector.load %arg5[%get3A_4, %get3A_5, %get3A_6] : memref<2x1000x128xf32, #tpu.memory_space<vmem>>, vector<1x1000x1xf32>
    %get3A_8 = vector.shape_cast %get3A_7 : vector<1x1000x1xf32> to vector<1000x1xf32>
    %add3A = arith.addf %get3A_3, %get3A_8 : vector<1000x1xf32>
    %add3A_9 = arith.constant 1.000000e+00 : f32
    %add3A_10 = vector.broadcast %add3A_9 : f32 to vector<1000x1xf32>
    %add3A_11 = arith.addf %add3A, %add3A_10 : vector<1000x1xf32>
    %rsqrt3A = math.rsqrt %add3A_11 : vector<1000x1xf32>
    %swap3A = arith.constant 0 : index
    %swap3A_12 = arith.constant 0 : index
    %swap3A_13 = vector.load %arg7[%swap3A, %swap3A_12] : memref<1000x1xf32, #tpu.memory_space<vmem>>, vector<1000x1xf32>
    tpu.vector_store %arg7[%swap3A, %swap3A_12], %rsqrt3A {strides = array<i32>} : memref<1000x1xf32, #tpu.memory_space<vmem>>, vector<1000x1xf32>,
    %get3A_14 = arith.constant 0 : index
    %get3A_15 = arith.constant 0 : index
    %get3A_16 = vector.load %arg1[%get3A_14, %get3A_15] : memref<1000x256xf32, #tpu.memory_space<vmem>>, vector<1000x256xf32>
    %get3A_17 = arith.constant 0 : index
    %get3A_18 = arith.constant 0 : index
    %get3A_19 = vector.load %arg2[%get3A_17, %get3A_18] : memref<256x512xf32, #tpu.memory_space<vmem>>, vector<256x512xf32>
    %dot_general3A = arith.constant dense<0.000000e+00> : vector<1000x512xf32>
    %dot_general3A_20 = tpu.matmul %get3A_16, %get3A_19, %dot_general3A {dimension_numbers = #tpu.dot_dimension_numbers<[1], [0], [0], [1], [0, 0, 1, 1], [], []>, transpose_lhs_hint = false} : vector<1000x256xf32>, vector<256x512xf32>, vector<1000x512xf32> -> vector<1000x512xf32>
    %get3A_21 = arith.constant 0 : index
    %get3A_22 = arith.constant 0 : index
    %get3A_23 = vector.load %arg3[%get3A_21, %get3A_22] : memref<1x512xf32, #tpu.memory_space<vmem>>, vector<1x512xf32>
    %add3A_24 = vector.broadcast %get3A_23 : vector<1x512xf32> to vector<1000x512xf32>
    %add3A_25 = arith.addf %dot_general3A_20, %add3A_24 : vector<1000x512xf32>
    %max3A = arith.constant 0.000000e+00 : f32
    %max3A_26 = vector.broadcast %max3A : f32 to vector<1000x512xf32>
    %max3A_27 = arith.maximumf %add3A_25, %max3A_26 : vector<1000x512xf32>
    %get3A_28 = arith.constant 0 : index
    %get3A_29 = arith.constant 0 : index
    %get3A_30 = vector.load %arg4[%get3A_28, %get3A_29] : memref<512x512xf32, #tpu.memory_space<vmem>>, vector<512x512xf32>
    %dot_general3A_31 = arith.constant dense<0.000000e+00> : vector<1000x512xf32>
    %dot_general3A_32 = tpu.matmul %max3A_27, %get3A_30, %dot_general3A_31 {dimension_numbers = #tpu.dot_dimension_numbers<[1], [0], [0], [1], [0, 0, 1, 1], [], []>, transpose_lhs_hint = false} : vector<1000x512xf32>, vector<512x512xf32>, vector<1000x512xf32> -> vector<1000x512xf32>
    %mul3A = vector.broadcast %rsqrt3A : vector<1000x1xf32> to vector<1000x512xf32>
    %mul3A_33 = arith.mulf %dot_general3A_32, %mul3A : vector<1000x512xf32>
    %slice3A = vector.extract_strided_slice %mul3A_33 {offsets = [0, 0], sizes = [1000, 128], strides = [1, 1]} : vector<1000x512xf32> to vector<1000x128xf32>
    %swap3A_34 = arith.constant 0 : index
    %swap3A_35 = arith.constant 0 : index
    %swap3A_36 = arith.constant 0 : index
    %swap3A_37 = vector.load %arg6[%swap3A_34, %swap3A_35, %swap3A_36] : memref<4x1000x128xf32, #tpu.memory_space<vmem>>, vector<1x1000x128xf32>
    %swap3A_38 = vector.shape_cast %swap3A_37 : vector<1x1000x128xf32> to vector<1000x128xf32>
    %swap3A_39 = vector.shape_cast %slice3A : vector<1000x128xf32> to vector<1x1000x128xf32>
    tpu.vector_store %arg6[%swap3A_34, %swap3A_35, %swap3A_36], %swap3A_39 {strides = array<i32>} : memref<4x1000x128xf32, #tpu.memory_space<vmem>>, vector<1x1000x128xf32>,
    %slice3A_40 = vector.extract_strided_slice %mul3A_33 {offsets = [0, 128], sizes = [1000, 128], strides = [1, 1]} : vector<1000x512xf32> to vector<1000x128xf32>
    %swap3A_41 = arith.constant 1 : index
    %swap3A_42 = arith.constant 0 : index
    %swap3A_43 = arith.constant 0 : index
    %swap3A_44 = vector.load %arg6[%swap3A_41, %swap3A_42, %swap3A_43] : memref<4x1000x128xf32, #tpu.memory_space<vmem>>, vector<1x1000x128xf32>
    %swap3A_45 = vector.shape_cast %swap3A_44 : vector<1x1000x128xf32> to vector<1000x128xf32>
    %swap3A_46 = vector.shape_cast %slice3A_40 : vector<1000x128xf32> to vector<1x1000x128xf32>
    tpu.vector_store %arg6[%swap3A_41, %swap3A_42, %swap3A_43], %swap3A_46 {strides = array<i32>} : memref<4x1000x128xf32, #tpu.memory_space<vmem>>, vector<1x1000x128xf32>,
    %slice3A_47 = vector.extract_strided_slice %mul3A_33 {offsets = [0, 256], sizes = [1000, 128], strides = [1, 1]} : vector<1000x512xf32> to vector<1000x128xf32>
    %swap3A_48 = arith.constant 2 : index
    %swap3A_49 = arith.constant 0 : index
    %swap3A_50 = arith.constant 0 : index
    %swap3A_51 = vector.load %arg6[%swap3A_48, %swap3A_49, %swap3A_50] : memref<4x1000x128xf32, #tpu.memory_space<vmem>>, vector<1x1000x128xf32>
    %swap3A_52 = vector.shape_cast %swap3A_51 : vector<1x1000x128xf32> to vector<1000x128xf32>
    %swap3A_53 = vector.shape_cast %slice3A_47 : vector<1000x128xf32> to vector<1x1000x128xf32>
    tpu.vector_store %arg6[%swap3A_48, %swap3A_49, %swap3A_50], %swap3A_53 {strides = array<i32>} : memref<4x1000x128xf32, #tpu.memory_space<vmem>>, vector<1x1000x128xf32>,
    %slice3A_54 = vector.extract_strided_slice %mul3A_33 {offsets = [0, 384], sizes = [1000, 128], strides = [1, 1]} : vector<1000x512xf32> to vector<1000x128xf32>
    %swap3A_55 = arith.constant 3 : index
    %swap3A_56 = arith.constant 0 : index
    %swap3A_57 = arith.constant 0 : index
    %swap3A_58 = vector.load %arg6[%swap3A_55, %swap3A_56, %swap3A_57] : memref<4x1000x128xf32, #tpu.memory_space<vmem>>, vector<1x1000x128xf32>
    %swap3A_59 = vector.shape_cast %swap3A_58 : vector<1x1000x128xf32> to vector<1000x128xf32>
    %swap3A_60 = vector.shape_cast %slice3A_54 : vector<1000x128xf32> to vector<1x1000x128xf32>
    tpu.vector_store %arg6[%swap3A_55, %swap3A_56, %swap3A_57], %swap3A_60 {strides = array<i32>} : memref<4x1000x128xf32, #tpu.memory_space<vmem>>, vector<1x1000x128xf32>,
    return
  }
  func.func @transform_0(%arg0: i32) -> (i32, i32) {
    %c0_i32 = arith.constant 0 : i32
    %c0_i32_0 = arith.constant 0 : i32
    return %arg0, %c0_i32 : i32, i32
  }
  func.func @transform_1(%arg0: i32) -> (i32, i32) {
    %c0_i32 = arith.constant 0 : i32
    %c0_i32_0 = arith.constant 0 : i32
    %c0_i32_1 = arith.constant 0 : i32
    return %c0_i32, %c0_i32_0 : i32, i32
  }
  func.func @transform_2(%arg0: i32) -> (i32, i32) {
    %c0_i32 = arith.constant 0 : i32
    %c0_i32_0 = arith.constant 0 : i32
    %c0_i32_1 = arith.constant 0 : i32
    return %c0_i32, %c0_i32_0 : i32, i32
  }
  func.func @transform_3(%arg0: i32) -> (i32, i32) {
    %c0_i32 = arith.constant 0 : i32
    %c0_i32_0 = arith.constant 0 : i32
    %c0_i32_1 = arith.constant 0 : i32
    return %c0_i32, %c0_i32_0 : i32, i32
  }
  func.func @transform_4(%arg0: i32) -> (i32, i32, i32) {
    %c0_i32 = arith.constant 0 : i32
    %c0_i32_0 = arith.constant 0 : i32
    %c0_i32_1 = arith.constant 0 : i32
    return %c0_i32, %arg0, %c0_i32_0 : i32, i32, i32
  }
  func.func @transform_5(%arg0: i32) -> (i32, i32, i32) {
    %c0_i32 = arith.constant 0 : i32
    %c0_i32_0 = arith.constant 0 : i32
    %c0_i32_1 = arith.constant 0 : i32
    return %c0_i32, %arg0, %c0_i32_0 : i32, i32, i32
  }
  func.func @transform_6(%arg0: i32) -> (i32, i32) {
    %c0_i32 = arith.constant 0 : i32
    %c0_i32_0 = arith.constant 0 : i32
    return %arg0, %c0_i32 : i32, i32
  }
}

module attributes {stable_mosaic.version = 14 : i64} {
  func.func @_mid_body(%arg0: i32, %arg1: i32, %arg2: i32, %arg3: memref<1x1000x128xf32, #tpu.memory_space<vmem>>, %arg4: memref<1x1000x128xf32, #tpu.memory_space<vmem>>, %arg5: memref<1000x1xf32, #tpu.memory_space<vmem>>, %arg6: memref<1x1x128xf32, #tpu.memory_space<vmem>>, %arg7: memref<128x128xf32, #tpu.memory_space<vmem>>, %arg8: memref<1x1000x128xf32, #tpu.memory_space<vmem>>) attributes {dimension_semantics = [#tpu.dimension_semantics<arbitrary>, #tpu.dimension_semantics<arbitrary>, #tpu.dimension_semantics<arbitrary>], iteration_bounds = array<i64: 10, 4, 4>, scalar_prefetch = 0 : i64, scratch_operands = 0 : i64, tpu.core_type = #tpu.core_type<tc>, window_params = [{transform_indices = @transform_0, window_bounds = array<i64: 1, 1000, 128>}, {transform_indices = @transform_1, window_bounds = array<i64: 1, 1000, 128>}, {transform_indices = @transform_2, window_bounds = array<i64: 1000, 1>}, {transform_indices = @transform_3, window_bounds = array<i64: 1, 1, 128>}, {transform_indices = @transform_4, window_bounds = array<i64: 128, 128>}, {transform_indices = @transform_5, window_bounds = array<i64: 1, 1000, 128>}]} {
    %get3A = arith.constant 0 : index
    %get3A_0 = arith.constant 0 : index
    %get3A_1 = arith.constant 0 : index
    %get3A_2 = vector.load %arg3[%get3A, %get3A_0, %get3A_1] : memref<1x1000x128xf32, #tpu.memory_space<vmem>>, vector<1x1000x128xf32>
    %get3A_3 = vector.shape_cast %get3A_2 : vector<1x1000x128xf32> to vector<1000x128xf32>
    %get3A_4 = arith.constant 0 : index
    %get3A_5 = arith.constant 0 : index
    %get3A_6 = arith.constant 0 : index
    %get3A_7 = vector.load %arg4[%get3A_4, %get3A_5, %get3A_6] : memref<1x1000x128xf32, #tpu.memory_space<vmem>>, vector<1x1000x128xf32>
    %get3A_8 = vector.shape_cast %get3A_7 : vector<1x1000x128xf32> to vector<1000x128xf32>
    %add3A = arith.addf %get3A_3, %get3A_8 : vector<1000x128xf32>
    %get3A_9 = arith.constant 0 : index
    %get3A_10 = arith.constant 0 : index
    %get3A_11 = vector.load %arg5[%get3A_9, %get3A_10] : memref<1000x1xf32, #tpu.memory_space<vmem>>, vector<1000x1xf32>
    %mul3A = vector.broadcast %get3A_11 : vector<1000x1xf32> to vector<1000x128xf32>
    %mul3A_12 = arith.mulf %add3A, %mul3A : vector<1000x128xf32>
    %get3A_13 = arith.constant 0 : index
    %get3A_14 = arith.constant 0 : index
    %get3A_15 = arith.constant 0 : index
    %get3A_16 = vector.load %arg6[%get3A_13, %get3A_14, %get3A_15] : memref<1x1x128xf32, #tpu.memory_space<vmem>>, vector<1x1x128xf32>
    %get3A_17 = vector.shape_cast %get3A_16 : vector<1x1x128xf32> to vector<1x128xf32>
    %add3A_18 = vector.broadcast %get3A_17 : vector<1x128xf32> to vector<1000x128xf32>
    %add3A_19 = arith.addf %mul3A_12, %add3A_18 : vector<1000x128xf32>
    %max3A = arith.constant 0.000000e+00 : f32
    %max3A_20 = vector.broadcast %max3A : f32 to vector<1000x128xf32>
    %max3A_21 = arith.maximumf %add3A_19, %max3A_20 : vector<1000x128xf32>
    %get3A_22 = arith.constant 0 : index
    %get3A_23 = arith.constant 0 : index
    %get3A_24 = vector.load %arg7[%get3A_22, %get3A_23] : memref<128x128xf32, #tpu.memory_space<vmem>>, vector<128x128xf32>
    %dot_general3A = arith.constant dense<0.000000e+00> : vector<1000x128xf32>
    %dot_general3A_25 = tpu.matmul %max3A_21, %get3A_24, %dot_general3A {dimension_numbers = #tpu.dot_dimension_numbers<[1], [0], [0], [1], [0, 0, 1, 1], [], []>, transpose_lhs_hint = false} : vector<1000x128xf32>, vector<128x128xf32>, vector<1000x128xf32> -> vector<1000x128xf32>
    %eq3A = arith.constant 0 : i32
    %eq3A_26 = arith.cmpi eq, %arg2, %eq3A : i32
    %convert_element_type3A = arith.extui %eq3A_26 : i1 to i32
    %cond3A = arith.constant 0 : i32
    %cond3A_27 = arith.cmpi ne, %convert_element_type3A, %cond3A : i32
    scf.if %cond3A_27 {
      %swap3A = arith.constant 0 : index
      %swap3A_37 = arith.constant 0 : index
      %swap3A_38 = arith.constant 0 : index
      %swap3A_39 = vector.load %arg8[%swap3A, %swap3A_37, %swap3A_38] : memref<1x1000x128xf32, #tpu.memory_space<vmem>>, vector<1x1000x128xf32>
      %swap3A_40 = vector.shape_cast %swap3A_39 : vector<1x1000x128xf32> to vector<1000x128xf32>
      %swap3A_41 = vector.shape_cast %dot_general3A_25 : vector<1000x128xf32> to vector<1x1000x128xf32>
      tpu.vector_store %arg8[%swap3A, %swap3A_37, %swap3A_38], %swap3A_41 {strides = array<i32>} : memref<1x1000x128xf32, #tpu.memory_space<vmem>>, vector<1x1000x128xf32>,
    } else {
    }
    %gt3A = arith.constant 0 : i32
    %gt3A_28 = arith.cmpi sgt, %arg2, %gt3A : i32
    %convert_element_type3A_29 = arith.extui %gt3A_28 : i1 to i32
    %cond3A_30 = arith.constant 0 : i32
    %cond3A_31 = arith.cmpi ne, %convert_element_type3A_29, %cond3A_30 : i32
    scf.if %cond3A_31 {
      %get3A_37 = arith.constant 0 : index
      %get3A_38 = arith.constant 0 : index
      %get3A_39 = arith.constant 0 : index
      %get3A_40 = vector.load %arg8[%get3A_37, %get3A_38, %get3A_39] : memref<1x1000x128xf32, #tpu.memory_space<vmem>>, vector<1x1000x128xf32>
      %get3A_41 = vector.shape_cast %get3A_40 : vector<1x1000x128xf32> to vector<1000x128xf32>
      %add3A_42 = arith.addf %get3A_41, %dot_general3A_25 : vector<1000x128xf32>
      %swap3A = arith.constant 0 : index
      %swap3A_43 = arith.constant 0 : index
      %swap3A_44 = arith.constant 0 : index
      %swap3A_45 = vector.load %arg8[%swap3A, %swap3A_43, %swap3A_44] : memref<1x1000x128xf32, #tpu.memory_space<vmem>>, vector<1x1000x128xf32>
      %swap3A_46 = vector.shape_cast %swap3A_45 : vector<1x1000x128xf32> to vector<1000x128xf32>
      %swap3A_47 = vector.shape_cast %add3A_42 : vector<1000x128xf32> to vector<1x1000x128xf32>
      tpu.vector_store %arg8[%swap3A, %swap3A_43, %swap3A_44], %swap3A_47 {strides = array<i32>} : memref<1x1000x128xf32, #tpu.memory_space<vmem>>, vector<1x1000x128xf32>,
    } else {
    }
    %eq3A_32 = arith.constant 3 : i32
    %eq3A_33 = arith.cmpi eq, %arg2, %eq3A_32 : i32
    %convert_element_type3A_34 = arith.extui %eq3A_33 : i1 to i32
    %cond3A_35 = arith.constant 0 : i32
    %cond3A_36 = arith.cmpi ne, %convert_element_type3A_34, %cond3A_35 : i32
    scf.if %cond3A_36 {
      %get3A_37 = arith.constant 0 : index
      %get3A_38 = arith.constant 0 : index
      %get3A_39 = arith.constant 0 : index
      %get3A_40 = vector.load %arg8[%get3A_37, %get3A_38, %get3A_39] : memref<1x1000x128xf32, #tpu.memory_space<vmem>>, vector<1x1000x128xf32>
      %get3A_41 = vector.shape_cast %get3A_40 : vector<1x1000x128xf32> to vector<1000x128xf32>
      %get3A_42 = arith.constant 0 : index
      %get3A_43 = arith.constant 0 : index
      %get3A_44 = vector.load %arg5[%get3A_42, %get3A_43] : memref<1000x1xf32, #tpu.memory_space<vmem>>, vector<1000x1xf32>
      %mul3A_45 = vector.broadcast %get3A_44 : vector<1000x1xf32> to vector<1000x128xf32>
      %mul3A_46 = arith.mulf %get3A_41, %mul3A_45 : vector<1000x128xf32>
      %swap3A = arith.constant 0 : index
      %swap3A_47 = arith.constant 0 : index
      %swap3A_48 = arith.constant 0 : index
      %swap3A_49 = vector.load %arg8[%swap3A, %swap3A_47, %swap3A_48] : memref<1x1000x128xf32, #tpu.memory_space<vmem>>, vector<1x1000x128xf32>
      %swap3A_50 = vector.shape_cast %swap3A_49 : vector<1x1000x128xf32> to vector<1000x128xf32>
      %swap3A_51 = vector.shape_cast %mul3A_46 : vector<1000x128xf32> to vector<1x1000x128xf32>
      tpu.vector_store %arg8[%swap3A, %swap3A_47, %swap3A_48], %swap3A_51 {strides = array<i32>} : memref<1x1000x128xf32, #tpu.memory_space<vmem>>, vector<1x1000x128xf32>,
    } else {
    }
    return
  }
  func.func @transform_0(%arg0: i32, %arg1: i32, %arg2: i32) -> (i32, i32, i32) {
    %c0_i32 = arith.constant 0 : i32
    %c0_i32_0 = arith.constant 0 : i32
    return %arg2, %arg0, %c0_i32 : i32, i32, i32
  }
  func.func @transform_1(%arg0: i32, %arg1: i32, %arg2: i32) -> (i32, i32, i32) {
    %c0_i32 = arith.constant 0 : i32
    %c0_i32_0 = arith.constant 0 : i32
    return %arg2, %arg0, %c0_i32 : i32, i32, i32
  }
  func.func @transform_2(%arg0: i32, %arg1: i32, %arg2: i32) -> (i32, i32) {
    %c0_i32 = arith.constant 0 : i32
    %c0_i32_0 = arith.constant 0 : i32
    return %arg0, %c0_i32 : i32, i32
  }
  func.func @transform_3(%arg0: i32, %arg1: i32, %arg2: i32) -> (i32, i32, i32) {
    %c0_i32 = arith.constant 0 : i32
    %c0_i32_0 = arith.constant 0 : i32
    %c0_i32_1 = arith.constant 0 : i32
    return %arg2, %c0_i32, %c0_i32_0 : i32, i32, i32
  }
  func.func @transform_4(%arg0: i32, %arg1: i32, %arg2: i32) -> (i32, i32) {
    %c0_i32 = arith.constant 0 : i32
    return %arg2, %arg1 : i32, i32
  }
  func.func @transform_5(%arg0: i32, %arg1: i32, %arg2: i32) -> (i32, i32, i32) {
    %c0_i32 = arith.constant 0 : i32
    %c0_i32_0 = arith.constant 0 : i32
    return %arg1, %arg0, %c0_i32 : i32, i32, i32
  }
}

module attributes {stable_mosaic.version = 14 : i64} {
  func.func @_final_body(%arg0: i32, %arg1: memref<4x1000x128xf32, #tpu.memory_space<vmem>>, %arg2: memref<4x1000x128xf32, #tpu.memory_space<vmem>>, %arg3: memref<1000x1xf32, #tpu.memory_space<vmem>>, %arg4: memref<4x128xf32, #tpu.memory_space<vmem>>, %arg5: memref<4x128xf32, #tpu.memory_space<vmem>>, %arg6: memref<1x1xf32, #tpu.memory_space<vmem>>, %arg7: memref<1x1xf32, #tpu.memory_space<vmem>>, %arg8: memref<1000x1xf32, #tpu.memory_space<vmem>>, %arg9: memref<1000x1xf32, #tpu.memory_space<vmem>>) attributes {dimension_semantics = [#tpu.dimension_semantics<arbitrary>], iteration_bounds = array<i64: 10>, scalar_prefetch = 0 : i64, scratch_operands = 0 : i64, tpu.core_type = #tpu.core_type<tc>, window_params = [{transform_indices = @transform_0, window_bounds = array<i64: 4, 1000, 128>}, {transform_indices = @transform_1, window_bounds = array<i64: 4, 1000, 128>}, {transform_indices = @transform_2, window_bounds = array<i64: 1000, 1>}, {pipeline_mode = #tpu.pipeline_mode<synchronous>, transform_indices = @transform_3, window_bounds = array<i64: 4, 128>}, {pipeline_mode = #tpu.pipeline_mode<synchronous>, transform_indices = @transform_4, window_bounds = array<i64: 4, 128>}, {pipeline_mode = #tpu.pipeline_mode<synchronous>, transform_indices = @transform_5, window_bounds = array<i64: 1, 1>}, {pipeline_mode = #tpu.pipeline_mode<synchronous>, transform_indices = @transform_6, window_bounds = array<i64: 1, 1>}, {transform_indices = @transform_7, window_bounds = array<i64: 1000, 1>}, {transform_indices = @transform_8, window_bounds = array<i64: 1000, 1>}]} {
    %get3A = arith.constant 0 : index
    %get3A_0 = arith.constant 0 : index
    %get3A_1 = vector.load %arg7[%get3A, %get3A_0] : memref<1x1xf32, #tpu.memory_space<vmem>>, vector<1x1xf32>
    %get3A_2 = vector.extract %get3A_1[0, 0] : f32 from vector<1x1xf32>
    %neg3A = arith.constant 0.000000e+00 : f32
    %neg3A_3 = arith.subf %neg3A, %get3A_2 : f32
    %exp3A = math.exp %neg3A_3 : f32
    %add3A = arith.constant 1.000000e+00 : f32
    %add3A_4 = arith.addf %add3A, %exp3A : f32
    %div3A = arith.constant 1.000000e+00 : f32
    %div3A_5 = arith.divf %div3A, %add3A_4 : f32
    %get3A_6 = arith.constant 0 : index
    %get3A_7 = arith.constant 0 : index
    %get3A_8 = vector.load %arg3[%get3A_6, %get3A_7] : memref<1000x1xf32, #tpu.memory_space<vmem>>, vector<1000x1xf32>
    %broadcast_in_dim3A = arith.constant 0.000000e+00 : f32
    %broadcast_in_dim3A_9 = vector.broadcast %broadcast_in_dim3A : f32 to vector<1000x1xf32>
    %get3A_10 = arith.constant 0 : index
    %get3A_11 = arith.constant 0 : index
    %get3A_12 = arith.constant 0 : index
    %get3A_13 = vector.load %arg1[%get3A_10, %get3A_11, %get3A_12] : memref<4x1000x128xf32, #tpu.memory_space<vmem>>, vector<1x1000x128xf32>
    %get3A_14 = vector.shape_cast %get3A_13 : vector<1x1000x128xf32> to vector<1000x128xf32>
    %get3A_15 = arith.constant 0 : index
    %get3A_16 = arith.constant 0 : index
    %get3A_17 = arith.constant 0 : index
    %get3A_18 = vector.load %arg2[%get3A_15, %get3A_16, %get3A_17] : memref<4x1000x128xf32, #tpu.memory_space<vmem>>, vector<1x1000x128xf32>
    %get3A_19 = vector.shape_cast %get3A_18 : vector<1x1000x128xf32> to vector<1000x128xf32>
    %add3A_20 = arith.addf %get3A_14, %get3A_19 : vector<1000x128xf32>
    %mul3A = vector.broadcast %get3A_8 : vector<1000x1xf32> to vector<1000x128xf32>
    %mul3A_21 = arith.mulf %add3A_20, %mul3A : vector<1000x128xf32>
    %get3A_22 = arith.constant 0 : index
    %get3A_23 = arith.constant 0 : index
    %get3A_24 = vector.load %arg4[%get3A_22, %get3A_23] : memref<4x128xf32, #tpu.memory_space<vmem>>, vector<1x128xf32>
    %add3A_25 = vector.broadcast %get3A_24 : vector<1x128xf32> to vector<1000x128xf32>
    %add3A_26 = arith.addf %mul3A_21, %add3A_25 : vector<1000x128xf32>
    %max3A = arith.constant 0.000000e+00 : f32
    %max3A_27 = vector.broadcast %max3A : f32 to vector<1000x128xf32>
    %max3A_28 = arith.maximumf %add3A_26, %max3A_27 : vector<1000x128xf32>
    %get3A_29 = arith.constant 0 : index
    %get3A_30 = arith.constant 0 : index
    %get3A_31 = vector.load %arg5[%get3A_29, %get3A_30] : memref<4x128xf32, #tpu.memory_space<vmem>>, vector<1x128xf32>
    %mul3A_32 = vector.broadcast %get3A_31 : vector<1x128xf32> to vector<1000x128xf32>
    %mul3A_33 = arith.mulf %max3A_28, %mul3A_32 : vector<1000x128xf32>
    %reduce_sum3A = arith.constant dense<0.000000e+00> : vector<1000xf32>
    %reduce_sum3A_34 = vector.multi_reduction <add>, %mul3A_33, %reduce_sum3A [1] : vector<1000x128xf32> to vector<1000xf32>
    %broadcast_in_dim3A_35 = vector.shape_cast %reduce_sum3A_34 : vector<1000xf32> to vector<1000x1xf32>
    %add3A_36 = arith.addf %broadcast_in_dim3A_9, %broadcast_in_dim3A_35 : vector<1000x1xf32>
    %get3A_37 = arith.constant 1 : index
    %get3A_38 = arith.constant 0 : index
    %get3A_39 = arith.constant 0 : index
    %get3A_40 = vector.load %arg1[%get3A_37, %get3A_38, %get3A_39] : memref<4x1000x128xf32, #tpu.memory_space<vmem>>, vector<1x1000x128xf32>
    %get3A_41 = vector.shape_cast %get3A_40 : vector<1x1000x128xf32> to vector<1000x128xf32>
    %get3A_42 = arith.constant 1 : index
    %get3A_43 = arith.constant 0 : index
    %get3A_44 = arith.constant 0 : index
    %get3A_45 = vector.load %arg2[%get3A_42, %get3A_43, %get3A_44] : memref<4x1000x128xf32, #tpu.memory_space<vmem>>, vector<1x1000x128xf32>
    %get3A_46 = vector.shape_cast %get3A_45 : vector<1x1000x128xf32> to vector<1000x128xf32>
    %add3A_47 = arith.addf %get3A_41, %get3A_46 : vector<1000x128xf32>
    %mul3A_48 = vector.broadcast %get3A_8 : vector<1000x1xf32> to vector<1000x128xf32>
    %mul3A_49 = arith.mulf %add3A_47, %mul3A_48 : vector<1000x128xf32>
    %get3A_50 = arith.constant 1 : index
    %get3A_51 = arith.constant 0 : index
    %get3A_52 = vector.load %arg4[%get3A_50, %get3A_51] : memref<4x128xf32, #tpu.memory_space<vmem>>, vector<1x128xf32>
    %add3A_53 = vector.broadcast %get3A_52 : vector<1x128xf32> to vector<1000x128xf32>
    %add3A_54 = arith.addf %mul3A_49, %add3A_53 : vector<1000x128xf32>
    %max3A_55 = arith.constant 0.000000e+00 : f32
    %max3A_56 = vector.broadcast %max3A_55 : f32 to vector<1000x128xf32>
    %max3A_57 = arith.maximumf %add3A_54, %max3A_56 : vector<1000x128xf32>
    %get3A_58 = arith.constant 1 : index
    %get3A_59 = arith.constant 0 : index
    %get3A_60 = vector.load %arg5[%get3A_58, %get3A_59] : memref<4x128xf32, #tpu.memory_space<vmem>>, vector<1x128xf32>
    %mul3A_61 = vector.broadcast %get3A_60 : vector<1x128xf32> to vector<1000x128xf32>
    %mul3A_62 = arith.mulf %max3A_57, %mul3A_61 : vector<1000x128xf32>
    %reduce_sum3A_63 = arith.constant dense<0.000000e+00> : vector<1000xf32>
    %reduce_sum3A_64 = vector.multi_reduction <add>, %mul3A_62, %reduce_sum3A_63 [1] : vector<1000x128xf32> to vector<1000xf32>
    %broadcast_in_dim3A_65 = vector.shape_cast %reduce_sum3A_64 : vector<1000xf32> to vector<1000x1xf32>
    %add3A_66 = arith.addf %add3A_36, %broadcast_in_dim3A_65 : vector<1000x1xf32>
    %get3A_67 = arith.constant 2 : index
    %get3A_68 = arith.constant 0 : index
    %get3A_69 = arith.constant 0 : index
    %get3A_70 = vector.load %arg1[%get3A_67, %get3A_68, %get3A_69] : memref<4x1000x128xf32, #tpu.memory_space<vmem>>, vector<1x1000x128xf32>
    %get3A_71 = vector.shape_cast %get3A_70 : vector<1x1000x128xf32> to vector<1000x128xf32>
    %get3A_72 = arith.constant 2 : index
    %get3A_73 = arith.constant 0 : index
    %get3A_74 = arith.constant 0 : index
    %get3A_75 = vector.load %arg2[%get3A_72, %get3A_73, %get3A_74] : memref<4x1000x128xf32, #tpu.memory_space<vmem>>, vector<1x1000x128xf32>
    %get3A_76 = vector.shape_cast %get3A_75 : vector<1x1000x128xf32> to vector<1000x128xf32>
    %add3A_77 = arith.addf %get3A_71, %get3A_76 : vector<1000x128xf32>
    %mul3A_78 = vector.broadcast %get3A_8 : vector<1000x1xf32> to vector<1000x128xf32>
    %mul3A_79 = arith.mulf %add3A_77, %mul3A_78 : vector<1000x128xf32>
    %get3A_80 = arith.constant 2 : index
    %get3A_81 = arith.constant 0 : index
    %get3A_82 = vector.load %arg4[%get3A_80, %get3A_81] : memref<4x128xf32, #tpu.memory_space<vmem>>, vector<1x128xf32>
    %add3A_83 = vector.broadcast %get3A_82 : vector<1x128xf32> to vector<1000x128xf32>
    %add3A_84 = arith.addf %mul3A_79, %add3A_83 : vector<1000x128xf32>
    %max3A_85 = arith.constant 0.000000e+00 : f32
    %max3A_86 = vector.broadcast %max3A_85 : f32 to vector<1000x128xf32>
    %max3A_87 = arith.maximumf %add3A_84, %max3A_86 : vector<1000x128xf32>
    %get3A_88 = arith.constant 2 : index
    %get3A_89 = arith.constant 0 : index
    %get3A_90 = vector.load %arg5[%get3A_88, %get3A_89] : memref<4x128xf32, #tpu.memory_space<vmem>>, vector<1x128xf32>
    %mul3A_91 = vector.broadcast %get3A_90 : vector<1x128xf32> to vector<1000x128xf32>
    %mul3A_92 = arith.mulf %max3A_87, %mul3A_91 : vector<1000x128xf32>
    %reduce_sum3A_93 = arith.constant dense<0.000000e+00> : vector<1000xf32>
    %reduce_sum3A_94 = vector.multi_reduction <add>, %mul3A_92, %reduce_sum3A_93 [1] : vector<1000x128xf32> to vector<1000xf32>
    %broadcast_in_dim3A_95 = vector.shape_cast %reduce_sum3A_94 : vector<1000xf32> to vector<1000x1xf32>
    %add3A_96 = arith.addf %add3A_66, %broadcast_in_dim3A_95 : vector<1000x1xf32>
    %get3A_97 = arith.constant 3 : index
    %get3A_98 = arith.constant 0 : index
    %get3A_99 = arith.constant 0 : index
    %get3A_100 = vector.load %arg1[%get3A_97, %get3A_98, %get3A_99] : memref<4x1000x128xf32, #tpu.memory_space<vmem>>, vector<1x1000x128xf32>
    %get3A_101 = vector.shape_cast %get3A_100 : vector<1x1000x128xf32> to vector<1000x128xf32>
    %get3A_102 = arith.constant 3 : index
    %get3A_103 = arith.constant 0 : index
    %get3A_104 = arith.constant 0 : index
    %get3A_105 = vector.load %arg2[%get3A_102, %get3A_103, %get3A_104] : memref<4x1000x128xf32, #tpu.memory_space<vmem>>, vector<1x1000x128xf32>
    %get3A_106 = vector.shape_cast %get3A_105 : vector<1x1000x128xf32> to vector<1000x128xf32>
    %add3A_107 = arith.addf %get3A_101, %get3A_106 : vector<1000x128xf32>
    %mul3A_108 = vector.broadcast %get3A_8 : vector<1000x1xf32> to vector<1000x128xf32>
    %mul3A_109 = arith.mulf %add3A_107, %mul3A_108 : vector<1000x128xf32>
    %get3A_110 = arith.constant 3 : index
    %get3A_111 = arith.constant 0 : index
    %get3A_112 = vector.load %arg4[%get3A_110, %get3A_111] : memref<4x128xf32, #tpu.memory_space<vmem>>, vector<1x128xf32>
    %add3A_113 = vector.broadcast %get3A_112 : vector<1x128xf32> to vector<1000x128xf32>
    %add3A_114 = arith.addf %mul3A_109, %add3A_113 : vector<1000x128xf32>
    %max3A_115 = arith.constant 0.000000e+00 : f32
    %max3A_116 = vector.broadcast %max3A_115 : f32 to vector<1000x128xf32>
    %max3A_117 = arith.maximumf %add3A_114, %max3A_116 : vector<1000x128xf32>
    %get3A_118 = arith.constant 3 : index
    %get3A_119 = arith.constant 0 : index
    %get3A_120 = vector.load %arg5[%get3A_118, %get3A_119] : memref<4x128xf32, #tpu.memory_space<vmem>>, vector<1x128xf32>
    %mul3A_121 = vector.broadcast %get3A_120 : vector<1x128xf32> to vector<1000x128xf32>
    %mul3A_122 = arith.mulf %max3A_117, %mul3A_121 : vector<1000x128xf32>
    %reduce_sum3A_123 = arith.constant dense<0.000000e+00> : vector<1000xf32>
    %reduce_sum3A_124 = vector.multi_reduction <add>, %mul3A_122, %reduce_sum3A_123 [1] : vector<1000x128xf32> to vector<1000xf32>
    %broadcast_in_dim3A_125 = vector.shape_cast %reduce_sum3A_124 : vector<1000xf32> to vector<1000x1xf32>
    %add3A_126 = arith.addf %add3A_96, %broadcast_in_dim3A_125 : vector<1000x1xf32>
    %get3A_127 = arith.constant 0 : index
    %get3A_128 = arith.constant 0 : index
    %get3A_129 = vector.load %arg6[%get3A_127, %get3A_128] : memref<1x1xf32, #tpu.memory_space<vmem>>, vector<1x1xf32>
    %get3A_130 = vector.extract %get3A_129[0, 0] : f32 from vector<1x1xf32>
    %add3A_131 = vector.broadcast %get3A_130 : f32 to vector<1000x1xf32>
    %add3A_132 = arith.addf %add3A_126, %add3A_131 : vector<1000x1xf32>
    %get3A_133 = arith.constant 0 : index
    %get3A_134 = arith.constant 0 : index
    %get3A_135 = vector.load %arg8[%get3A_133, %get3A_134] : memref<1000x1xf32, #tpu.memory_space<vmem>>, vector<1000x1xf32>
    %mul3A_136 = vector.broadcast %div3A_5 : f32 to vector<1000x1xf32>
    %mul3A_137 = arith.mulf %mul3A_136, %get3A_135 : vector<1000x1xf32>
    %sub3A = arith.constant 1.000000e+00 : f32
    %sub3A_138 = arith.subf %sub3A, %div3A_5 : f32
    %mul3A_139 = vector.broadcast %sub3A_138 : f32 to vector<1000x1xf32>
    %mul3A_140 = arith.mulf %mul3A_139, %add3A_132 : vector<1000x1xf32>
    %add3A_141 = arith.addf %mul3A_137, %mul3A_140 : vector<1000x1xf32>
    %swap3A = arith.constant 0 : index
    %swap3A_142 = arith.constant 0 : index
    %swap3A_143 = vector.load %arg9[%swap3A, %swap3A_142] : memref<1000x1xf32, #tpu.memory_space<vmem>>, vector<1000x1xf32>
    tpu.vector_store %arg9[%swap3A, %swap3A_142], %add3A_141 {strides = array<i32>} : memref<1000x1xf32, #tpu.memory_space<vmem>>, vector<1000x1xf32>,
    return
  }
  func.func @transform_0(%arg0: i32) -> (i32, i32, i32) {
    %c0_i32 = arith.constant 0 : i32
    %c0_i32_0 = arith.constant 0 : i32
    %c0_i32_1 = arith.constant 0 : i32
    return %c0_i32, %arg0, %c0_i32_0 : i32, i32, i32
  }
  func.func @transform_1(%arg0: i32) -> (i32, i32, i32) {
    %c0_i32 = arith.constant 0 : i32
    %c0_i32_0 = arith.constant 0 : i32
    %c0_i32_1 = arith.constant 0 : i32
    return %c0_i32, %arg0, %c0_i32_0 : i32, i32, i32
  }
  func.func @transform_2(%arg0: i32) -> (i32, i32) {
    %c0_i32 = arith.constant 0 : i32
    %c0_i32_0 = arith.constant 0 : i32
    return %arg0, %c0_i32 : i32, i32
  }
  func.func @transform_3(%arg0: i32) -> (i32, i32) {
    %c0_i32 = arith.constant 0 : i32
    %c0_i32_0 = arith.constant 0 : i32
    %c0_i32_1 = arith.constant 0 : i32
    return %c0_i32, %c0_i32_0 : i32, i32
  }
  func.func @transform_4(%arg0: i32) -> (i32, i32) {
    %c0_i32 = arith.constant 0 : i32
    %c0_i32_0 = arith.constant 0 : i32
    %c0_i32_1 = arith.constant 0 : i32
    return %c0_i32, %c0_i32_0 : i32, i32
  }
  func.func @transform_5(%arg0: i32) -> (i32, i32) {
    %c0_i32 = arith.constant 0 : i32
    %c0_i32_0 = arith.constant 0 : i32
    %c0_i32_1 = arith.constant 0 : i32
    return %c0_i32, %c0_i32_0 : i32, i32
  }
  func.func @transform_6(%arg0: i32) -> (i32, i32) {
    %c0_i32 = arith.constant 0 : i32
    %c0_i32_0 = arith.constant 0 : i32
    %c0_i32_1 = arith.constant 0 : i32
    return %c0_i32, %c0_i32_0 : i32, i32
  }
  func.func @transform_7(%arg0: i32) -> (i32, i32) {
    %c0_i32 = arith.constant 0 : i32
    %c0_i32_0 = arith.constant 0 : i32
    return %arg0, %c0_i32 : i32, i32
  }
  func.func @transform_8(%arg0: i32) -> (i32, i32) {
    %c0_i32 = arith.constant 0 : i32
    %c0_i32_0 = arith.constant 0 : i32
    return %arg0, %c0_i32 : i32, i32
  }
}

</mosaic_0001>

<sc_bundles>
// kernel: kernel.11.cloned.1.call-start
scs
__scs_entry_jumppad:
0x0: {  	(pc) =	sbr.rel $0x88, $3  }
0x1: {  	(tag) =	ssettag $0x0;
	lr =	simm.s32 $0x1  }
0x2: {  	[smem:$0x3F95] =	sst lr;
	_ =	strace $0xD0000000  }
0x3: {  	_ = 	snop  }
0x4: {  	_ = 	snop  }
0x5: {  	_ = 	snop  }
0x6: {  	_ = 	snop  }
0x7: {  	_ = 	snop  }
__scs_overlays_trampoline_lowered:
0x8: {  	[smem:$0x3FA4] =	sst s0  }
0x9: {  	[smem:$0x3FA5] =	sst s1  }
0xa: {  	[smem:$0x3FA6] =	sst s2  }
0xb: {  	[smem:$0x3FA7] =	sst s3  }
0xc: {  	[smem:$0x3FA8] =	sst s4  }
0xd: {  	[smem:$0x3FA9] =	sst s5  }
0xe: {  	[smem:$0x3FAA] =	sst s6  }
0xf: {  	[smem:$0x3FAB] =	sst s7  }
0x10: {  	[smem:$0x3FAC] =	sst s8  }
0x11: {  	[smem:$0x3FAD] =	sst s9;
	s0 =	simm.s32 @!p0 $0x0  }
0x12: {  	s1 =	sld [smem:$0x3F93];
	s0 =	simm.s32 @p0 $0x1  }
0x13: {  	[smem:$0x3FAE] =	sst s0;
	s0 =	simm.s32 @!p1 $0x0  }
0x14: {  	s2 =	sld [smem:$0x3F92];
	s0 =	simm.s32 @p1 $0x1  }
0x15: {  	[smem:$0x3FAF] =	sst s0;
	s0 =	simm.s32 @!p2 $0x0  }
0x16: {  	s3 =	sld [smem:$0x3FDB];
	s0 =	simm.s32 @p2 $0x1  }
0x17: {  	s4 =	simm.s32 $0x1BF5;
	[smem:$0x3FB1] =	sst s0  }
0x18: {  	s0 =	sld [smem:$0x3F94];
	_ =	swait.ge [sflag:s4], $0x0  }
0x19: {  	s7 =	sld [smem:$0x3F95]  }
0x1a: {  	s8 =	sadd.s32 $0xFFFFE003, lr  }
0x1b: {  	s9 =	sadd.s32 $0xFFFFFEF7, lr;
	s5 =	simm.s32 $0xFFFFFFFF;
	p2 =	slt.u32 s8, $0xFFFFF086  }
0x1c: {  	p1 =	slt.u32 s9, $0xF7A;
	s5 =	simm.s32 @!p2 $0x0  }
0x1d: {  	s5 =	simm.s32 @p1 $0x1;
	p0 =	seq.s32 s7, s2  }
0x1e: {  	s7 =	smul.u32 @!p0 $0xF7A, s2;
	p2 =	seq.s32 @!p0 s5, $0x0  }
0x1f: {  	s9 =	smul.u32 $0xF7A, s1;
	s8 =	simm.s32 @!p0 $0x1BF5;
	p2 =	por !p2, p0  }
0x20: {  	[sflag:s8] =	ssyncset.s32 @!p0 $0xFFFFF086;
	s6 =	sadd.s32 @!p0 s3, s7;
	s7 =	simm.s32 @!p0 $0x108  }
0x21: {  	s3 =	sadd.s32 s3, s9;
	s6 =	sadd.s32 @!p0 $0x88, s6;
	s7 =	simm.s32 @p2 $0x1082  }
0x22: {  	[simem:s7], [sflag:s8] =	dma.local @!p0 [hbm:s6], $0xF7A  }
0x23: {  	s9 =	sor.u32 $0xD0000000, s2;
	s6 =	simm.s32 $0x108;
	_ =	swait.ge @!p0 [sflag:s8], $0x0  }
0x24: {  	s3 =	sadd.s32 $0x88, s3;
	s6 =	simm.s32 @!p1 $0x1082;
	[sflag:s4] =	ssyncset.s32 $0xFFFFF086  }
0x25: {  	[simem:s6], [sflag:s4] =	dma.local [hbm:s3], $0xF7A  }
0x26: {  	[smem:$0x3F95] =	sst s1;
	(tag) =	ssettag s2;
	_ =	strace s9  }
0x27: {  	s1 =	sld [smem:$0x3FA5]  }
0x28: {  	s2 =	sld [smem:$0x3FA6]  }
0x29: {  	s4 =	sld [smem:$0x3FA8]  }
0x2a: {  	p0 =	seq.s32 s5, $0x0;
	s5 =	sld [smem:$0x3FA9]  }
0x2b: {  	s6 =	sld [smem:$0x3FAA]  }
0x2c: {  	s7 =	sld [smem:$0x3FAB]  }
0x2d: {  	s3 =	simm.s32 $0x108;
	s8 =	sld [smem:$0x3FAC]  }
0x2e: {  	s3 =	simm.s32 @!p0 $0x1082;
	s9 =	sld [smem:$0x3FAD]  }
0x2f: {  	lr =	sadd.s32 s0, s3;
	s0 =	sld [smem:$0x3FA4]  }
0x30: {  	s3 =	sld [smem:$0x3FA7]  }
0x31: {  	[smem:$0x3FB0] =	sst s10  }
0x32: {  	s10 =	sld [smem:$0x3FAE];
	_ =	sdelay $0x3  }
0x33: {  	p0 =	seq.s32 s10, $0x1;
	s10 =	sld [smem:$0x3FB0];
	_ =	sdelay $0x3  }
0x34: {  	[smem:$0x3FB0] =	sst s10  }
0x35: {  	s10 =	sld [smem:$0x3FAF];
	_ =	sdelay $0x3  }
0x36: {  	p1 =	seq.s32 s10, $0x1;
	s10 =	sld [smem:$0x3FB0];
	_ =	sdelay $0x3  }
0x37: {  	[smem:$0x3FB0] =	sst s10  }
0x38: {  	s10 =	sld [smem:$0x3FB1]  }
0x39: {  	_ = 	snop;
	(pc) =	sbr.ind lr, $3  }
0x3a: {  	_ = 	snop  }
0x3b: {  	_ = 	snop  }
0x3c: {  	p2 =	seq.s32 s10, $0x1;
	s10 =	sld [smem:$0x3FB0]  }
0x3d: {  	_ =	shalt  }
0x3e: {  	_ =	shalt  }
0x3f: {  	_ =	shalt  }
0x40: {  	_ =	shalt  }
0x41: {  	_ =	shalt  }
0x42: {  	_ =	shalt  }
0x43: {  	_ =	shalt  }
0x44: {  	_ =	shalt  }
0x45: {  	_ =	shalt  }
0x46: {  	_ =	shalt  }
0x47: {  	_ =	shalt  }
0x48: {  	_ =	shalt  }
0x49: {  	_ =	shalt  }
0x4a: {  	_ =	shalt  }
0x4b: {  	_ =	shalt  }
0x4c: {  	_ =	shalt  }
0x4d: {  	_ =	shalt  }
0x4e: {  	_ =	shalt  }
0x4f: {  	_ =	shalt  }
0x50: {  	_ =	shalt  }
0x51: {  	_ =	shalt  }
0x52: {  	_ =	shalt  }
0x53: {  	_ =	shalt  }
0x54: {  	_ =	shalt  }
0x55: {  	_ =	shalt  }
0x56: {  	_ =	shalt  }
0x57: {  	_ =	shalt  }
0x58: {  	_ =	shalt  }
0x59: {  	_ =	shalt  }
0x5a: {  	_ =	shalt  }
0x5b: {  	_ =	shalt  }
0x5c: {  	_ =	shalt  }
0x5d: {  	_ =	shalt  }
0x5e: {  	_ =	shalt  }
0x5f: {  	_ =	shalt  }
0x60: {  	_ =	shalt  }
0x61: {  	_ =	shalt  }
0x62: {  	_ =	shalt  }
0x63: {  	_ =	shalt  }
0x64: {  	_ =	shalt  }
0x65: {  	_ =	shalt  }
0x66: {  	_ =	shalt  }
0x67: {  	_ =	shalt  }
0x68: {  	_ =	shalt  }
0x69: {  	_ =	shalt  }
0x6a: {  	_ =	shalt  }
0x6b: {  	_ =	shalt  }
0x6c: {  	_ =	shalt  }
0x6d: {  	_ =	shalt  }
0x6e: {  	_ =	shalt  }
0x6f: {  	_ =	shalt  }
0x70: {  	_ =	shalt  }
0x71: {  	_ =	shalt  }
0x72: {  	_ =	shalt  }
0x73: {  	_ =	shalt  }
0x74: {  	_ =	shalt  }
0x75: {  	_ =	shalt  }
0x76: {  	_ =	shalt  }
0x77: {  	_ =	shalt  }
0x78: {  	_ =	shalt  }
0x79: {  	_ =	shalt  }
0x7a: {  	_ =	shalt  }
0x7b: {  	_ =	shalt  }
0x7c: {  	_ =	shalt  }
0x7d: {  	_ =	shalt  }
0x7e: {  	_ =	shalt  }
0x7f: {  	_ =	shalt  }
0x80: {  	_ =	shalt  }
0x81: {  	_ =	shalt  }
0x82: {  	_ =	shalt  }
0x83: {  	_ =	shalt  }
0x84: {  	_ =	shalt  }
0x85: {  	_ =	shalt  }
0x86: {  	_ =	shalt  }
0x87: {  	_ =	shalt  }
.Lfunc_end0:
.L_simem_size_0:
called_computation.1_lowered:
.L_overlay_start_0:
0x88: {  	s2 =	sld [smem:$0x3FD9]  }
0x89: {  	s3 =	sld [smem:$0x3FFE];
	_ =	sdelay $0x1  }
0x8a: {  	s1 =	srdreg.scid  }
0x8b: {  	s0 =	sand.u32 $0x1, s1  }
0x8c: {  	s16 =	sshll.u32 s0, $0xA;
	s2 =	sadd.s32 s3, s2  }
0x8d: {  	s2 =	sadd.s32 s2, s16  }
0x8e: {  	[smem:$0x3FBC] =	sst s2  }
0x8f: {  	_ = 	snop  }
0x90: {  	(tm) =	ssettm $0x1  }
0x91: {  	s17 =	sld [smem:$0x3FFB];
	_ =	sdelay $0x3  }
0x92: {  	_ =	strace s17  }
0x93: {  	s2 =	sld [smem:$0x3FFC];
	_ =	sdelay $0x3  }
0x94: {  	_ =	strace s2  }
0x95: {  	s2 =	sld [smem:$0x3FFD];
	_ =	sdelay $0x3  }
0x96: {  	_ =	strace s2  }
0x97: {  	_ =	strace $0x8FFFFFFF  }
0x98: {  	s18 =	sld [smem:$0x3FDB];
	_ =	sdelay $0x1  }
0x99: {  	s19 =	simm.s32 $_scs_section_size  }
0x9a: {  	s4 =	simm.s32 $_size__tile_overlayer_lowered;
	s5 =	simm.s32 $_tile_overlayer_lowered  }
0x9b: {  	s22 =	simm.s32 $0x1BFF;
	s21 =	sshll.u32 s5, $0x1;
	s2 =	sadd.s32 s19, s18  }
0x9c: {  	s6 =	simm.s32 $0x0;
	s20 =	sshll.u32 s4, $0x1;
	s4 =	sadd.s32 s21, s2  }
0x9d: {  	[timem:s6], [sflag:s22] =	dma.local [hbm:s4], s20  }
0x9e: {  	_ =	swait.ge [sflag:s22], s20  }
0x9f: {  	s3 =	ssub.s32 $0x0, s20;
	[sflag:s22] =	ssyncset.done $0x0  }
0xa0: {  	[sflag:s22] =	ssyncadd.s32 s3;
	_ =	sdelay $0x1  }
0xa1: {  	s23 =	simm.s32 $0x1B8B  }
0xa2: {  	_ =	swait.ge [sflag:s23], $0x1  }
0xa3: {  	[sflag:s23] =	ssyncset.done $0x0  }
0xa4: {  	s25 =	simm.s32 $0x1B8E;
	s24 =	sld [smem:$0x3FFE];
	[sflag:s23] =	ssyncadd.s32 $0xFFFFFFFF  }
0xa5: {  	s26 =	simm.s32 $execute0_lowered;
	[smem:$0x3FD2] =	sst s25  }
0xa6: {  	s4 =	sshll.u32 s26, $0x1;
	_ =	strace $0x80000049;
	[dreg:$0x1] =	wrdreg $0xFFFFFFFF  }
0xa7: {  	s28 =	simm.s32 $_size_execute0_lowered;
	s2 =	sadd.s32 s2, s4;
	[dreg:$0x0] =	wrdreg $0x0  }
0xa8: {  	s4 =	sshll.u32 s28, $0x1;
	[dreg:$0x2] =	wrdreg s2  }
0xa9: {  	[dreg:$0x3] =	wrdreg s4  }
0xaa: {  	[dreg:$0x4] =	wrdreg $0xC0  }
0xab: {  	_ =	task [dreg:s6], $0x5FFFF  }
0xac: {  	[dreg:$0x1] =	wrdreg $0xFFFFFFFF  }
0xad: {  	[dreg:$0x0] =	wrdreg $0x60  }
0xae: {  	[dreg:$0x2] =	wrdreg s24  }
0xaf: {  	[dreg:$0x3] =	wrdreg $0x90000  }
0xb0: {  	[dreg:$0x4] =	wrdreg $0x9  }
0xb1: {  	_ =	task.clear_ibuf [dreg:s6], $0x5FFFF;
	_ =	strace $0x90000049  }
0xb2: {  	s29 =	simm.s32 $0x9;
	_ =	strace $0x8000004B  }
0xb3: {  	_ =	swait.ge [sflag:s29], $0x1  }
0xb4: {  	[sflag:s29] =	ssyncadd.s32 $0xFFFFFFFF  }
0xb5: {  	_ =	strace $0x9000004B  }
0xb6: {  	_ =	sfence  }
0xb7: {  	s30 =	sld [smem:$0x0];
	_ =	sdelay $0x2  }
0xb8: {  	s31 =	sshll.u32 s1, $0xD;
	s1 =	sshrl.u32 s1, $0x2  }
0xb9: {  	s3 =	sand.u32 $0x4000, s31;
	s1 =	sadd.s32 s1, s30  }
0xba: {  	s0 =	sor.u32 s3, s0;
	s1 =	sshll.u32 s1, $0x11  }
0xbb: {  	s0 =	sor.u32 s1, s0  }
0xbc: {  	s0 =	sadd.s32 $0x8F2B, s0  }
0xbd: {  	[sflag:s0] =	ssyncadd.remote.s32 $0x1  }
0xbe: {  	_ =	sfence.sel $0xFFFF  }
0xbf: {  	[dreg:$0x0] =	wrdreg $0xFFFFFFFF;
	(pc) =	sbr.abs _section_cstart, $3  }
0xc0: {  	[dreg:$0x1] =	wrdreg $0xFFFFFFFF  }
0xc1: {  	_ =	task.clear_ibuf [dreg:s6], $0x2FFFF;
	_ =	strace $0x9FFFFFFF  }
0xc2: {  	(tm) =	ssettm $0x7FFFFFFF  }
0xc3: {  	_ =	shalt  }
tec
execute0_lowered:
.L_overlay_start_1:
0x0: {  	(tag) =	ssettag $0x1  }
0x1: {  	s5 =	rddreg [dreg:$0x0]  }
0x2: {  	s2 =	rddreg [dreg:$0x1];
	s1 =	stileid.u32  }
0x3: {  	s0 =	rddreg [dreg:$0x2];
	s14 =	smul.u32 $0x2800, s1  }
0x4: {  	s3 =	simm.s32 $0x0;
	s6 =	srdreg.scid;
	s23 =	smul.u32 $0x50000, s1  }
0x5: {  	s22 =	simm.s32 $0x1;
	s10 =	sand.u32 $0x1, s6;
	s17 =	smul.u32 $0x280, s1  }
0x6: {  	[smem:$0x7FF] =	sst s3;
	s15 =	sadd.s32 $0x56C00, s5;
	s12 =	smul.u32 $0x50000, s10  }
0x7: {  	s16 =	sadd.s32 $0x107000, s5;
	p0 =	seq.s32 s1, $0xF;
	s13 =	smul.u32 $0x4E20, s10  }
0x8: {  	_ =	strace $0x8000004A;
	s19 =	smul.u32 $0x271000, s10;
	s20 =	sshllo.u32 s10, $0x1  }
0x9: {  	s24 =	ssub.s32 $0x2, s10;
	s4 =	sshrl.u32 s14, $0x3;
	s21 =	smul.u32 $0x28000, s20  }
0xa: {  	s7 =	sshrl.u32 s24, $0x1;
	s6 =	sshrl.u32 s23, $0x2;
	s28 =	smul.u32 $0x2710, s20  }
0xb: {  	s20 =	smul.u32 $0x138800, s20;
	s11 =	sadd.s32 s4, s5;
	s4 =	sadd.s32 $0x6AC00, s5  }
0xc: {  	s18 =	ssub.s32 s24, s7;
	s5 =	sadd.s32 s6, s2;
	s12 =	sadd.s32 s14, s12  }
0xd: {  	s25 =	sadd.s32 s17, s13;
	s26 =	sshrl.u32 s19, $0x3;
	s19 =	simm.s32 $0x2  }
0xe: {  	s6 =	sadd.s32 $0x4000, s5;
	s7 =	sadd.s32 $0x8000, s5;
	s8 =	sadd.s32 $0xC000, s5  }
0xf: {  	s9 =	sadd.s32 $0x10000, s5;
	s12 =	sshrl.u32 s12, $0x3;
	s11 =	sadd.s32 $0x1C00, s11  }
0x10: {  	s13 =	sadd.s32 s16, s26;
	s14 =	sadd.s32 s14, s21;
	s17 =	sadd.s32 s17, s28  }
0x11: {  	s29 =	sshrl.u32 s20, $0x3;
	s20 =	simm.s32 $0x2800;
	s21 =	simm.s32 $0x80  }
0x12: {  	s10 =	sadd.s32 s15, s12;
	s12 =	sshll.u32 s25, $0x4;
	s13 =	sadd.s32 $0x25800, s13  }
0x13: {  	s14 =	sshrl.u32 s14, $0x3;
	s30 =	sshll.u32 s17, $0x4;
	s31 =	sadd.s32 s16, s29  }
0x14: {  	s17 =	smax.u32 s18, $0x1;
	s18 =	simm.s32 $0x5000;
	s12 =	sadd.s32 s16, s12  }
0x15: {  	v0 =	vimm.f32 $0.0e+00;
	s14 =	sadd.s32 s15, s14;
	s15 =	sadd.s32 s16, s30;
	s16 =	sadd.s32 $0x25800, s31  }
.LBB2_1:
0x16: {  	s23 =	simm.s32 $0x0;
	s24 =	simm.s32 $0x200  }
.LBB2_2:
0x17: {  	p1 =	sne.s32 s24, $0xFE00;
	[tilespmem:s23+$0x5070] =	vst v0  }
0x18: {  	[tilespmem:s23+$0x5000] =	vst v0  }
0x19: {  	[tilespmem:s23+$0x5010] =	vst v0  }
.Ltmp0:
0x1a: {  	[tilespmem:s23+$0x5020] =	vst v0;
	(pc) =	sbr.rel @p1 .LBB2_2-.Ltmp0, $4  }
0x1b: {  	[tilespmem:s23+$0x5030] =	vst v0  }
0x1c: {  	[tilespmem:s23+$0x5040] =	vst v0  }
0x1d: {  	[tilespmem:s23+$0x5050] =	vst v0  }
0x1e: {  	[tilespmem:s23+$0x5060] =	vst v0;
	s23 =	sshra.s32 s24, $0x2;
	s24 =	sadd.s32 $0x200, s24  }
0x1f: {  	[tilespmem:s23+$0x5070] =	vst v0  }
0x20: {  	[tilespmem:s23+$0x5000] =	vst v0  }
0x21: {  	[tilespmem:s23+$0x5010] =	vst v0  }
0x22: {  	[tilespmem:s23+$0x5020] =	vst v0  }
0x23: {  	[tilespmem:s23+$0x5030] =	vst v0  }
0x24: {  	[tilespmem:s23+$0x5040] =	vst v0  }
0x25: {  	[tilespmem:s23+$0x5050] =	vst v0  }
0x26: {  	[tilespmem:s23+$0x5060] =	vst v0  }
0x27: {  	[spmem:s5] =	stream.linear.scatter [tilespmem:s18], [sflag:$0x2], $0x4000, $0x38;
	[tilespmem:$0x1D000] =	vst v63  }
0x28: {  	_ =	swait.ge [sflag:s19], $0x4000  }
0x29: {  	[sflag:s19] =	ssyncset.done $0x0  }
0x2a: {  	[sflag:s19] =	ssyncadd.s32 $0xFFFFC000  }
0x2b: {  	[spmem:s6] =	stream.linear.scatter [tilespmem:s18], [sflag:$0x2], $0x4000, $0x38;
	[tilespmem:$0x1D000] =	vst v63  }
0x2c: {  	_ =	swait.ge [sflag:s19], $0x4000  }
0x2d: {  	[sflag:s19] =	ssyncset.done $0x0  }
0x2e: {  	[sflag:s19] =	ssyncadd.s32 $0xFFFFC000  }
0x2f: {  	[spmem:s7] =	stream.linear.scatter [tilespmem:s18], [sflag:$0x2], $0x4000, $0x38;
	[tilespmem:$0x1D000] =	vst v63  }
0x30: {  	_ =	swait.ge [sflag:s19], $0x4000  }
0x31: {  	[sflag:s19] =	ssyncset.done $0x0  }
0x32: {  	[sflag:s19] =	ssyncadd.s32 $0xFFFFC000  }
0x33: {  	[spmem:s8] =	stream.linear.scatter [tilespmem:s18], [sflag:$0x2], $0x4000, $0x38;
	[tilespmem:$0x1D000] =	vst v63  }
0x34: {  	_ =	swait.ge [sflag:s19], $0x4000  }
0x35: {  	[sflag:s19] =	ssyncset.done $0x0  }
0x36: {  	[sflag:s19] =	ssyncadd.s32 $0xFFFFC000  }
0x37: {  	[spmem:s9] =	stream.linear.scatter [tilespmem:s18], [sflag:$0x2], $0x4000, $0x38;
	[tilespmem:$0x1D000] =	vst v63  }
0x38: {  	_ =	swait.ge [sflag:s19], $0x4000  }
0x39: {  	[sflag:s19] =	ssyncset.done $0x0  }
0x3a: {  	[sflag:s19] =	ssyncadd.s32 $0xFFFFC000  }
0x3b: {  	s29 =	simm.s32 $0x0;
	[bflag:$0x0] =	sbarrier.arrive $0xFFFF  }
0x3c: {  	[tilespmem:s29], [sflag:$0x2] =	stream.linear.gather [hbm4b:s10+s29], $0x2780, $0x38;
	[tilespmem:$0x1D000] =	vst v63  }
0x3d: {  	_ =	swait.ge [sflag:s19], $0x2780  }
0x3e: {  	[sflag:s19] =	ssyncset.done $0x0  }
0x3f: {  	[sflag:s19] =	ssyncadd.s32 $0xFFFFD880  }
0x40: {  	[tilespmem:s20], [sflag:$0x2] =	stream.linear.gather [hbm4b:s11+s29], $0x2780, $0x38;
	[tilespmem:$0x1D000] =	vst v63  }
0x41: {  	_ =	swait.ge [sflag:s19], $0x2780  }
0x42: {  	[sflag:s19] =	ssyncset.done $0x0  }
0x43: {  	s30 =	simm.s32 $0x0;
	[sflag:s19] =	ssyncadd.s32 $0xFFFFD880  }
0x44: {  	[tilespmem:s18], [sflag:$0x1] =	stream.indirect.gather [hbm4b:s4+s21], $0x80, s30, s21, $0xb8;
	[tilespmem:$0x1D000] =	vst v63  }
0x45: {  	_ =	swait.ge [sflag:s22], $0x4000  }
0x46: {  	[sflag:s22] =	ssyncset.done $0x0  }
0x47: {  	s31 =	simm.s32 $0x2800;
	[sflag:s22] =	ssyncadd.s32 $0xFFFFC000  }
0x48: {  	[spmem:s2] =	stream.indirect.scatter.add.f32 [tilespmem:s18], [sflag:$0x2], $0x80, s31, s21, $0xb8;
	[tilespmem:$0x1D000] =	vst v63  }
0x49: {  	_ =	swait.ge [sflag:s19], $0x4000  }
0x4a: {  	s23 =	simm.s32 $0x200;
	s24 =	simm.s32 $0x400;
	[sflag:s19] =	ssyncset.done $0x0  }
.LBB2_4:
0x4b: {  	s25 =	sshra.s32 s23, $0x2  }
0x4c: {  	[sflag:s19] =	ssyncadd.s32 $0xFFFFC000;
	s23 =	smov.u32 s24;
	s26 =	sadd.s32 $0x200, s24  }
0x4d: {  	[tilespmem:s18], [sflag:$0x1] =	stream.indirect.gather [hbm4b:s4+s21], $0x80, s25, s21, $0xb8;
	[tilespmem:$0x1D000] =	vst v63  }
0x4e: {  	p1 =	sne.s32 s24, $0x9C00;
	_ =	swait.ge [sflag:s22], $0x4000  }
.Ltmp1:
0x4f: {  	[sflag:s22] =	ssyncset.done $0x0;
	(pc) =	sbr.rel @p1 .LBB2_4-.Ltmp1, $4  }
0x50: {  	s24 =	sadd.s32 $0x2800, s25;
	[sflag:s22] =	ssyncadd.s32 $0xFFFFC000  }
0x51: {  	[spmem:s2] =	stream.indirect.scatter.add.f32 [tilespmem:s18], [sflag:$0x2], $0x80, s24, s21, $0xb8;
	[tilespmem:$0x1D000] =	vst v63  }
0x52: {  	_ =	swait.ge [sflag:s19], $0x4000  }
0x53: {  	s24 =	smov.u32 s26;
	[sflag:s19] =	ssyncset.done $0x0  }
0x54: {  	s23 =	sshra.s32 s23, $0x2;
	[sflag:s19] =	ssyncadd.s32 $0xFFFFC000  }
0x55: {  	[tilespmem:s18], [sflag:$0x1] =	stream.indirect.gather [hbm4b:s4+s21], $0x80, s23, s21, $0xb8;
	[tilespmem:$0x1D000] =	vst v63  }
0x56: {  	_ =	swait.ge [sflag:s22], $0x4000  }
0x57: {  	[sflag:s22] =	ssyncset.done $0x0  }
0x58: {  	s23 =	sadd.s32 $0x2800, s23;
	[sflag:s22] =	ssyncadd.s32 $0xFFFFC000  }
0x59: {  	[spmem:s2] =	stream.indirect.scatter.add.f32 [tilespmem:s18], [sflag:$0x2], $0x80, s23, s21, $0xb8;
	[tilespmem:$0x1D000] =	vst v63  }
0x5a: {  	_ =	swait.ge [sflag:s19], $0x4000  }
0x5b: {  	[sflag:s19] =	ssyncset.done $0x0  }
0x5c: {  	[sflag:s19] =	ssyncadd.s32 $0xFFFFC000  }
0x5d: {  	s24 =	simm.s32 @p0 $0x1FC2;
	s23 =	sshrl.u32 @p0 s5, $0x3;
	[bflag:$0x0] =	sbarrier.arrive $0xFFFF  }
0x5e: {  	[hbm:s13], [sflag:s24] =	dma.local @p0 [spmem:s23], $0x1900  }
0x5f: {  	s24 =	simm.s32 @p0 $0x2  }
0x60: {  	_ =	swait.ge @p0 [sflag:s24], $0x1900  }
0x61: {  	s25 =	sshll.u32 @!p0 s1, $0x6;
	s26 =	simm.s32 @!p0 $0x2;
	[sflag:s24] =	ssyncset.done @p0 $0x0  }
0x62: {  	[sflag:s24] =	ssyncadd.s32 @p0 $0xFFFFE700;
	s24 =	sor.u32 @!p0 $0x1C02, s25;
	s25 =	sshrl.u32 @!p0 s5, $0x3  }
0x63: {  	[hbm:s12], [sflag:s24] =	dma.local @!p0 [spmem:s25], $0x2800  }
0x64: {  	_ =	swait.ge @!p0 [sflag:s26], $0x2800  }
0x65: {  	[sflag:s26] =	ssyncset.done @!p0 $0x0  }
0x66: {  	s28 =	simm.s32 $0x200;
	[sflag:s26] =	ssyncadd.s32 @!p0 $0xFFFFD800;
	s26 =	simm.s32 $0x0  }
.LBB2_6:
0x67: {  	p1 =	sne.s32 s28, $0xFE00;
	[tilespmem:s26+$0x5070] =	vst v0  }
0x68: {  	[tilespmem:s26+$0x5000] =	vst v0  }
0x69: {  	[tilespmem:s26+$0x5010] =	vst v0  }
.Ltmp2:
0x6a: {  	[tilespmem:s26+$0x5020] =	vst v0;
	(pc) =	sbr.rel @p1 .LBB2_6-.Ltmp2, $4  }
0x6b: {  	[tilespmem:s26+$0x5030] =	vst v0  }
0x6c: {  	[tilespmem:s26+$0x5040] =	vst v0  }
0x6d: {  	[tilespmem:s26+$0x5050] =	vst v0  }
0x6e: {  	[tilespmem:s26+$0x5060] =	vst v0;
	s26 =	sshra.s32 s28, $0x2;
	s28 =	sadd.s32 $0x200, s28  }
0x6f: {  	[tilespmem:s26+$0x5070] =	vst v0  }
0x70: {  	[tilespmem:s26+$0x5000] =	vst v0  }
0x71: {  	[tilespmem:s26+$0x5010] =	vst v0  }
0x72: {  	[tilespmem:s26+$0x5020] =	vst v0  }
0x73: {  	[tilespmem:s26+$0x5030] =	vst v0  }
0x74: {  	[tilespmem:s26+$0x5040] =	vst v0  }
0x75: {  	[tilespmem:s26+$0x5050] =	vst v0  }
0x76: {  	[tilespmem:s26+$0x5060] =	vst v0  }
0x77: {  	[spmem:s5] =	stream.linear.scatter [tilespmem:s18], [sflag:$0x2], $0x4000, $0x38;
	[tilespmem:$0x1D000] =	vst v63  }
0x78: {  	_ =	swait.ge [sflag:s19], $0x4000  }
0x79: {  	[sflag:s19] =	ssyncset.done $0x0  }
0x7a: {  	[sflag:s19] =	ssyncadd.s32 $0xFFFFC000  }
0x7b: {  	[spmem:s6] =	stream.linear.scatter [tilespmem:s18], [sflag:$0x2], $0x4000, $0x38;
	[tilespmem:$0x1D000] =	vst v63  }
0x7c: {  	_ =	swait.ge [sflag:s19], $0x4000  }
0x7d: {  	[sflag:s19] =	ssyncset.done $0x0  }
0x7e: {  	[sflag:s19] =	ssyncadd.s32 $0xFFFFC000  }
0x7f: {  	[spmem:s7] =	stream.linear.scatter [tilespmem:s18], [sflag:$0x2], $0x4000, $0x38;
	[tilespmem:$0x1D000] =	vst v63  }
0x80: {  	_ =	swait.ge [sflag:s19], $0x4000  }
0x81: {  	[sflag:s19] =	ssyncset.done $0x0  }
0x82: {  	[sflag:s19] =	ssyncadd.s32 $0xFFFFC000  }
0x83: {  	[spmem:s8] =	stream.linear.scatter [tilespmem:s18], [sflag:$0x2], $0x4000, $0x38;
	[tilespmem:$0x1D000] =	vst v63  }
0x84: {  	_ =	swait.ge [sflag:s19], $0x4000  }
0x85: {  	[sflag:s19] =	ssyncset.done $0x0  }
0x86: {  	[sflag:s19] =	ssyncadd.s32 $0xFFFFC000  }
0x87: {  	[spmem:s9] =	stream.linear.scatter [tilespmem:s18], [sflag:$0x2], $0x4000, $0x38;
	[tilespmem:$0x1D000] =	vst v63  }
0x88: {  	_ =	swait.ge [sflag:s19], $0x4000  }
0x89: {  	[sflag:s19] =	ssyncset.done $0x0  }
0x8a: {  	[sflag:s19] =	ssyncadd.s32 $0xFFFFC000  }
0x8b: {  	s29 =	simm.s32 $0x0;
	[bflag:$0x0] =	sbarrier.arrive $0xFFFF  }
0x8c: {  	[tilespmem:s29], [sflag:$0x2] =	stream.linear.gather [hbm4b:s14+s29], $0x2780, $0x38;
	[tilespmem:$0x1D000] =	vst v63  }
0x8d: {  	_ =	swait.ge [sflag:s19], $0x2780  }
0x8e: {  	[sflag:s19] =	ssyncset.done $0x0  }
0x8f: {  	[sflag:s19] =	ssyncadd.s32 $0xFFFFD880  }
0x90: {  	[tilespmem:s20], [sflag:$0x2] =	stream.linear.gather [hbm4b:s11+s29], $0x2780, $0x38;
	[tilespmem:$0x1D000] =	vst v63  }
0x91: {  	_ =	swait.ge [sflag:s19], $0x2780  }
0x92: {  	[sflag:s19] =	ssyncset.done $0x0  }
0x93: {  	s30 =	simm.s32 $0x0;
	[sflag:s19] =	ssyncadd.s32 $0xFFFFD880  }
0x94: {  	[tilespmem:s18], [sflag:$0x1] =	stream.indirect.gather [hbm4b:s4+s21], $0x80, s30, s21, $0xb8;
	[tilespmem:$0x1D000] =	vst v63  }
0x95: {  	_ =	swait.ge [sflag:s22], $0x4000  }
0x96: {  	[sflag:s22] =	ssyncset.done $0x0  }
0x97: {  	s31 =	simm.s32 $0x2800;
	[sflag:s22] =	ssyncadd.s32 $0xFFFFC000  }
0x98: {  	[spmem:s2] =	stream.indirect.scatter.add.f32 [tilespmem:s18], [sflag:$0x2], $0x80, s31, s21, $0xb8;
	[tilespmem:$0x1D000] =	vst v63  }
0x99: {  	_ =	swait.ge [sflag:s19], $0x4000  }
0x9a: {  	s26 =	simm.s32 $0x200;
	s28 =	simm.s32 $0x400;
	[sflag:s19] =	ssyncset.done $0x0  }
.LBB2_8:
0x9b: {  	s29 =	sshra.s32 s26, $0x2  }
0x9c: {  	[sflag:s19] =	ssyncadd.s32 $0xFFFFC000;
	s26 =	smov.u32 s28;
	s30 =	sadd.s32 $0x200, s28  }
0x9d: {  	[tilespmem:s18], [sflag:$0x1] =	stream.indirect.gather [hbm4b:s4+s21], $0x80, s29, s21, $0xb8;
	[tilespmem:$0x1D000] =	vst v63  }
0x9e: {  	p1 =	sne.s32 s28, $0x9C00;
	_ =	swait.ge [sflag:s22], $0x4000  }
.Ltmp3:
0x9f: {  	[sflag:s22] =	ssyncset.done $0x0;
	(pc) =	sbr.rel @p1 .LBB2_8-.Ltmp3, $4  }
0xa0: {  	s28 =	sadd.s32 $0x2800, s29;
	[sflag:s22] =	ssyncadd.s32 $0xFFFFC000  }
0xa1: {  	[spmem:s2] =	stream.indirect.scatter.add.f32 [tilespmem:s18], [sflag:$0x2], $0x80, s28, s21, $0xb8;
	[tilespmem:$0x1D000] =	vst v63  }
0xa2: {  	_ =	swait.ge [sflag:s19], $0x4000  }
0xa3: {  	s28 =	smov.u32 s30;
	[sflag:s19] =	ssyncset.done $0x0  }
0xa4: {  	s26 =	sshra.s32 s26, $0x2;
	[sflag:s19] =	ssyncadd.s32 $0xFFFFC000  }
0xa5: {  	[tilespmem:s18], [sflag:$0x1] =	stream.indirect.gather [hbm4b:s4+s21], $0x80, s26, s21, $0xb8;
	[tilespmem:$0x1D000] =	vst v63  }
0xa6: {  	_ =	swait.ge [sflag:s22], $0x4000  }
0xa7: {  	[sflag:s22] =	ssyncset.done $0x0  }
0xa8: {  	s26 =	sadd.s32 $0x2800, s26;
	[sflag:s22] =	ssyncadd.s32 $0xFFFFC000  }
0xa9: {  	[spmem:s2] =	stream.indirect.scatter.add.f32 [tilespmem:s18], [sflag:$0x2], $0x80, s26, s21, $0xb8;
	[tilespmem:$0x1D000] =	vst v63  }
0xaa: {  	_ =	swait.ge [sflag:s19], $0x4000  }
0xab: {  	[sflag:s19] =	ssyncset.done $0x0  }
0xac: {  	[sflag:s19] =	ssyncadd.s32 $0xFFFFC000  }
0xad: {  	s26 =	simm.s32 @p0 $0x1FC2;
	[bflag:$0x0] =	sbarrier.arrive $0xFFFF  }
0xae: {  	[hbm:s16], [sflag:s26] =	dma.local @p0 [spmem:s23], $0x1900  }
0xaf: {  	s23 =	simm.s32 @p0 $0x2  }
0xb0: {  	s3 =	sadd.s32 $0x1, s3;
	_ =	swait.ge @p0 [sflag:s23], $0x1900  }
0xb1: {  	p1 =	sne.s32 s3, s17;
	[sflag:s23] =	ssyncset.done @p0 $0x0  }
.Ltmp4:
0xb2: {  	[sflag:s23] =	ssyncadd.s32 @p0 $0xFFFFE700;
	s23 =	simm.s32 @!p0 $0x2;
	(pc) =	sbr.rel @p1 .LBB2_1-.Ltmp4, $4  }
0xb3: {  	[hbm:s15], [sflag:s24] =	dma.local @!p0 [spmem:s25], $0x2800  }
0xb4: {  	_ =	swait.ge @!p0 [sflag:s23], $0x2800  }
0xb5: {  	[sflag:s23] =	ssyncset.done @!p0 $0x0  }
0xb6: {  	[sflag:s23] =	ssyncadd.s32 @!p0 $0xFFFFD800  }
0xb7: {  	_ =	sfence.sel $0x180000  }
0xb8: {  	[bflag:$0x0] =	sbarrier.arrive $0xFFFF  }
0xb9: {  	p0 =	sne.s32 s1, $0x0;
	_ =	strace $0x9000004A  }
0xba: {  	s0 =	sadd.s32 @!p0 $0x100000, s0;
	[bflag:$0x2] =	sbarrier.arrive $0xFFFF  }
0xbb: {  	[sflag:s0] =	ssyncadd.tile.s32 @!p0 $0x1;
	_ =	shalt  }
.Lfunc_end2:
_tile_overlayer_lowered:
.L_overlay_start_2:
0xbc: {  	(tag) =	ssettag $0x2  }
0xbd: {  	s0 =	rddreg [dreg:$0x0];
	s2 =	stileid.u32  }
0xbe: {  	s1 =	rddreg [dreg:$0x1];
	p0 =	sne.s32 s2, $0x0  }
0xbf: {  	s3 =	rddreg [dreg:$0x2];
	[bflag:$0x3] =	sbarrier.arrive $0xFFFF;
	s2 =	simm.s32 @!p0 $0x1C02  }
0xc0: {  	[timem:s3], [sflag:s2] =	dma.local @!p0 [hbm:s0], s1  }
0xc1: {  	s0 =	simm.s32 @!p0 $0x2  }
0xc2: {  	_ =	swait.ge @!p0 [sflag:s0], s1  }
0xc3: {  	s1 =	ssub.s32 @!p0 $0x0, s1;
	[sflag:s0] =	ssyncset.done @!p0 $0x0  }
0xc4: {  	[sflag:s0] =	ssyncadd.s32 @!p0 s1  }
0xc5: {  	[bflag:$0x3] =	sbarrier.arrive $0xFFFF  }
0xc6: {  	_ =	shalt  }

// kernel: kernel.14.cloned.1.call-start
scs
__scs_entry_jumppad:
0x0: {  	(pc) =	sbr.rel $0x88, $3  }
0x1: {  	(tag) =	ssettag $0x0;
	lr =	simm.s32 $0x1  }
0x2: {  	[smem:$0x3F95] =	sst lr;
	_ =	strace $0xD0000000  }
0x3: {  	_ = 	snop  }
0x4: {  	_ = 	snop  }
0x5: {  	_ = 	snop  }
0x6: {  	_ = 	snop  }
0x7: {  	_ = 	snop  }
__scs_overlays_trampoline_lowered:
0x8: {  	[smem:$0x3FA4] =	sst s0  }
0x9: {  	[smem:$0x3FA5] =	sst s1  }
0xa: {  	[smem:$0x3FA6] =	sst s2  }
0xb: {  	[smem:$0x3FA7] =	sst s3  }
0xc: {  	[smem:$0x3FA8] =	sst s4  }
0xd: {  	[smem:$0x3FA9] =	sst s5  }
0xe: {  	[smem:$0x3FAA] =	sst s6  }
0xf: {  	[smem:$0x3FAB] =	sst s7  }
0x10: {  	[smem:$0x3FAC] =	sst s8  }
0x11: {  	[smem:$0x3FAD] =	sst s9;
	s0 =	simm.s32 @!p0 $0x0  }
0x12: {  	s1 =	sld [smem:$0x3F93];
	s0 =	simm.s32 @p0 $0x1  }
0x13: {  	[smem:$0x3FAE] =	sst s0;
	s0 =	simm.s32 @!p1 $0x0  }
0x14: {  	s2 =	sld [smem:$0x3F92];
	s0 =	simm.s32 @p1 $0x1  }
0x15: {  	[smem:$0x3FAF] =	sst s0;
	s0 =	simm.s32 @!p2 $0x0  }
0x16: {  	s3 =	sld [smem:$0x3FDB];
	s0 =	simm.s32 @p2 $0x1  }
0x17: {  	s4 =	simm.s32 $0x1BF5;
	[smem:$0x3FB1] =	sst s0  }
0x18: {  	s0 =	sld [smem:$0x3F94];
	_ =	swait.ge [sflag:s4], $0x0  }
0x19: {  	s7 =	sld [smem:$0x3F95]  }
0x1a: {  	s8 =	sadd.s32 $0xFFFFE003, lr  }
0x1b: {  	s9 =	sadd.s32 $0xFFFFFEF7, lr;
	s5 =	simm.s32 $0xFFFFFFFF;
	p2 =	slt.u32 s8, $0xFFFFF086  }
0x1c: {  	p1 =	slt.u32 s9, $0xF7A;
	s5 =	simm.s32 @!p2 $0x0  }
0x1d: {  	s5 =	simm.s32 @p1 $0x1;
	p0 =	seq.s32 s7, s2  }
0x1e: {  	s7 =	smul.u32 @!p0 $0xF7A, s2;
	p2 =	seq.s32 @!p0 s5, $0x0  }
0x1f: {  	s9 =	smul.u32 $0xF7A, s1;
	s8 =	simm.s32 @!p0 $0x1BF5;
	p2 =	por !p2, p0  }
0x20: {  	[sflag:s8] =	ssyncset.s32 @!p0 $0xFFFFF086;
	s6 =	sadd.s32 @!p0 s3, s7;
	s7 =	simm.s32 @!p0 $0x108  }
0x21: {  	s3 =	sadd.s32 s3, s9;
	s6 =	sadd.s32 @!p0 $0x88, s6;
	s7 =	simm.s32 @p2 $0x1082  }
0x22: {  	[simem:s7], [sflag:s8] =	dma.local @!p0 [hbm:s6], $0xF7A  }
0x23: {  	s9 =	sor.u32 $0xD0000000, s2;
	s6 =	simm.s32 $0x108;
	_ =	swait.ge @!p0 [sflag:s8], $0x0  }
0x24: {  	s3 =	sadd.s32 $0x88, s3;
	s6 =	simm.s32 @!p1 $0x1082;
	[sflag:s4] =	ssyncset.s32 $0xFFFFF086  }
0x25: {  	[simem:s6], [sflag:s4] =	dma.local [hbm:s3], $0xF7A  }
0x26: {  	[smem:$0x3F95] =	sst s1;
	(tag) =	ssettag s2;
	_ =	strace s9  }
0x27: {  	s1 =	sld [smem:$0x3FA5]  }
0x28: {  	s2 =	sld [smem:$0x3FA6]  }
0x29: {  	s4 =	sld [smem:$0x3FA8]  }
0x2a: {  	p0 =	seq.s32 s5, $0x0;
	s5 =	sld [smem:$0x3FA9]  }
0x2b: {  	s6 =	sld [smem:$0x3FAA]  }
0x2c: {  	s7 =	sld [smem:$0x3FAB]  }
0x2d: {  	s3 =	simm.s32 $0x108;
	s8 =	sld [smem:$0x3FAC]  }
0x2e: {  	s3 =	simm.s32 @!p0 $0x1082;
	s9 =	sld [smem:$0x3FAD]  }
0x2f: {  	lr =	sadd.s32 s0, s3;
	s0 =	sld [smem:$0x3FA4]  }
0x30: {  	s3 =	sld [smem:$0x3FA7]  }
0x31: {  	[smem:$0x3FB0] =	sst s10  }
0x32: {  	s10 =	sld [smem:$0x3FAE];
	_ =	sdelay $0x3  }
0x33: {  	p0 =	seq.s32 s10, $0x1;
	s10 =	sld [smem:$0x3FB0];
	_ =	sdelay $0x3  }
0x34: {  	[smem:$0x3FB0] =	sst s10  }
0x35: {  	s10 =	sld [smem:$0x3FAF];
	_ =	sdelay $0x3  }
0x36: {  	p1 =	seq.s32 s10, $0x1;
	s10 =	sld [smem:$0x3FB0];
	_ =	sdelay $0x3  }
0x37: {  	[smem:$0x3FB0] =	sst s10  }
0x38: {  	s10 =	sld [smem:$0x3FB1]  }
0x39: {  	_ = 	snop;
	(pc) =	sbr.ind lr, $3  }
0x3a: {  	_ = 	snop  }
0x3b: {  	_ = 	snop  }
0x3c: {  	p2 =	seq.s32 s10, $0x1;
	s10 =	sld [smem:$0x3FB0]  }
0x3d: {  	_ =	shalt  }
0x3e: {  	_ =	shalt  }
0x3f: {  	_ =	shalt  }
0x40: {  	_ =	shalt  }
0x41: {  	_ =	shalt  }
0x42: {  	_ =	shalt  }
0x43: {  	_ =	shalt  }
0x44: {  	_ =	shalt  }
0x45: {  	_ =	shalt  }
0x46: {  	_ =	shalt  }
0x47: {  	_ =	shalt  }
0x48: {  	_ =	shalt  }
0x49: {  	_ =	shalt  }
0x4a: {  	_ =	shalt  }
0x4b: {  	_ =	shalt  }
0x4c: {  	_ =	shalt  }
0x4d: {  	_ =	shalt  }
0x4e: {  	_ =	shalt  }
0x4f: {  	_ =	shalt  }
0x50: {  	_ =	shalt  }
0x51: {  	_ =	shalt  }
0x52: {  	_ =	shalt  }
0x53: {  	_ =	shalt  }
0x54: {  	_ =	shalt  }
0x55: {  	_ =	shalt  }
0x56: {  	_ =	shalt  }
0x57: {  	_ =	shalt  }
0x58: {  	_ =	shalt  }
0x59: {  	_ =	shalt  }
0x5a: {  	_ =	shalt  }
0x5b: {  	_ =	shalt  }
0x5c: {  	_ =	shalt  }
0x5d: {  	_ =	shalt  }
0x5e: {  	_ =	shalt  }
0x5f: {  	_ =	shalt  }
0x60: {  	_ =	shalt  }
0x61: {  	_ =	shalt  }
0x62: {  	_ =	shalt  }
0x63: {  	_ =	shalt  }
0x64: {  	_ =	shalt  }
0x65: {  	_ =	shalt  }
0x66: {  	_ =	shalt  }
0x67: {  	_ =	shalt  }
0x68: {  	_ =	shalt  }
0x69: {  	_ =	shalt  }
0x6a: {  	_ =	shalt  }
0x6b: {  	_ =	shalt  }
0x6c: {  	_ =	shalt  }
0x6d: {  	_ =	shalt  }
0x6e: {  	_ =	shalt  }
0x6f: {  	_ =	shalt  }
0x70: {  	_ =	shalt  }
0x71: {  	_ =	shalt  }
0x72: {  	_ =	shalt  }
0x73: {  	_ =	shalt  }
0x74: {  	_ =	shalt  }
0x75: {  	_ =	shalt  }
0x76: {  	_ =	shalt  }
0x77: {  	_ =	shalt  }
0x78: {  	_ =	shalt  }
0x79: {  	_ =	shalt  }
0x7a: {  	_ =	shalt  }
0x7b: {  	_ =	shalt  }
0x7c: {  	_ =	shalt  }
0x7d: {  	_ =	shalt  }
0x7e: {  	_ =	shalt  }
0x7f: {  	_ =	shalt  }
0x80: {  	_ =	shalt  }
0x81: {  	_ =	shalt  }
0x82: {  	_ =	shalt  }
0x83: {  	_ =	shalt  }
0x84: {  	_ =	shalt  }
0x85: {  	_ =	shalt  }
0x86: {  	_ =	shalt  }
0x87: {  	_ =	shalt  }
.Lfunc_end0:
.L_simem_size_0:
called_computation.2_lowered:
.L_overlay_start_0:
0x88: {  	s2 =	sld [smem:$0x3FD9]  }
0x89: {  	s3 =	sld [smem:$0x3FFE];
	_ =	sdelay $0x1  }
0x8a: {  	s1 =	srdreg.scid  }
0x8b: {  	s0 =	sand.u32 $0x1, s1  }
0x8c: {  	s16 =	sshll.u32 s0, $0xA;
	s2 =	sadd.s32 s3, s2  }
0x8d: {  	s2 =	sadd.s32 s2, s16  }
0x8e: {  	[smem:$0x3FBC] =	sst s2  }
0x8f: {  	_ = 	snop  }
0x90: {  	(tm) =	ssettm $0x1  }
0x91: {  	s17 =	sld [smem:$0x3FFB];
	_ =	sdelay $0x3  }
0x92: {  	_ =	strace s17  }
0x93: {  	s2 =	sld [smem:$0x3FFC];
	_ =	sdelay $0x3  }
0x94: {  	_ =	strace s2  }
0x95: {  	s2 =	sld [smem:$0x3FFD];
	_ =	sdelay $0x3  }
0x96: {  	_ =	strace s2  }
0x97: {  	_ =	strace $0x8FFFFFFF  }
0x98: {  	s18 =	sld [smem:$0x3FDB];
	_ =	sdelay $0x1  }
0x99: {  	s19 =	simm.s32 $_scs_section_size  }
0x9a: {  	s4 =	simm.s32 $_size__tile_overlayer_lowered;
	s5 =	simm.s32 $_tile_overlayer_lowered  }
0x9b: {  	s22 =	simm.s32 $0x1BFF;
	s21 =	sshll.u32 s5, $0x1;
	s2 =	sadd.s32 s19, s18  }
0x9c: {  	s6 =	simm.s32 $0x0;
	s20 =	sshll.u32 s4, $0x1;
	s4 =	sadd.s32 s21, s2  }
0x9d: {  	[timem:s6], [sflag:s22] =	dma.local [hbm:s4], s20  }
0x9e: {  	_ =	swait.ge [sflag:s22], s20  }
0x9f: {  	s3 =	ssub.s32 $0x0, s20;
	[sflag:s22] =	ssyncset.done $0x0  }
0xa0: {  	[sflag:s22] =	ssyncadd.s32 s3;
	_ =	sdelay $0x1  }
0xa1: {  	s23 =	simm.s32 $0x1B8B  }
0xa2: {  	_ =	swait.ge [sflag:s23], $0x1  }
0xa3: {  	[sflag:s23] =	ssyncset.done $0x0  }
0xa4: {  	s25 =	simm.s32 $0x1B8E;
	s24 =	sld [smem:$0x3FFE];
	[sflag:s23] =	ssyncadd.s32 $0xFFFFFFFF  }
0xa5: {  	s26 =	simm.s32 $execute0_lowered;
	[smem:$0x3FD2] =	sst s25  }
0xa6: {  	s4 =	sshll.u32 s26, $0x1;
	_ =	strace $0x8000004C;
	[dreg:$0x1] =	wrdreg $0xFFFFFFFF  }
0xa7: {  	s28 =	simm.s32 $_size_execute0_lowered;
	s2 =	sadd.s32 s2, s4;
	[dreg:$0x0] =	wrdreg $0x0  }
0xa8: {  	s4 =	sshll.u32 s28, $0x1;
	[dreg:$0x2] =	wrdreg s2  }
0xa9: {  	[dreg:$0x3] =	wrdreg s4  }
0xaa: {  	[dreg:$0x4] =	wrdreg $0xC0  }
0xab: {  	_ =	task [dreg:s6], $0x5FFFF  }
0xac: {  	[dreg:$0x1] =	wrdreg $0xFFFFFFFF  }
0xad: {  	[dreg:$0x0] =	wrdreg $0x60  }
0xae: {  	[dreg:$0x2] =	wrdreg s24  }
0xaf: {  	[dreg:$0x3] =	wrdreg $0x90000  }
0xb0: {  	[dreg:$0x4] =	wrdreg $0x9  }
0xb1: {  	_ =	task.clear_ibuf [dreg:s6], $0x5FFFF;
	_ =	strace $0x9000004C  }
0xb2: {  	s29 =	simm.s32 $0x9;
	_ =	strace $0x8000004E  }
0xb3: {  	_ =	swait.ge [sflag:s29], $0x1  }
0xb4: {  	[sflag:s29] =	ssyncadd.s32 $0xFFFFFFFF  }
0xb5: {  	_ =	strace $0x9000004E  }
0xb6: {  	_ =	sfence  }
0xb7: {  	s30 =	sld [smem:$0x0];
	_ =	sdelay $0x2  }
0xb8: {  	s31 =	sshll.u32 s1, $0xD;
	s1 =	sshrl.u32 s1, $0x2  }
0xb9: {  	s3 =	sand.u32 $0x4000, s31;
	s1 =	sadd.s32 s1, s30  }
0xba: {  	s0 =	sor.u32 s3, s0;
	s1 =	sshll.u32 s1, $0x11  }
0xbb: {  	s0 =	sor.u32 s1, s0  }
0xbc: {  	s0 =	sadd.s32 $0x8F2B, s0  }
0xbd: {  	[sflag:s0] =	ssyncadd.remote.s32 $0x1  }
0xbe: {  	_ =	sfence.sel $0xFFFF  }
0xbf: {  	[dreg:$0x0] =	wrdreg $0xFFFFFFFF;
	(pc) =	sbr.abs _section_cstart, $3  }
0xc0: {  	[dreg:$0x1] =	wrdreg $0xFFFFFFFF  }
0xc1: {  	_ =	task.clear_ibuf [dreg:s6], $0x2FFFF;
	_ =	strace $0x9FFFFFFF  }
0xc2: {  	(tm) =	ssettm $0x7FFFFFFF  }
0xc3: {  	_ =	shalt  }
tec
execute0_lowered:
.L_overlay_start_1:
0x0: {  	(tag) =	ssettag $0x1  }
0x1: {  	s5 =	rddreg [dreg:$0x0]  }
0x2: {  	s2 =	rddreg [dreg:$0x1];
	s1 =	stileid.u32  }
0x3: {  	s0 =	rddreg [dreg:$0x2];
	s14 =	smul.u32 $0x2800, s1  }
0x4: {  	s3 =	simm.s32 $0x0;
	s6 =	srdreg.scid;
	s23 =	smul.u32 $0x50000, s1  }
0x5: {  	s22 =	simm.s32 $0x1;
	s10 =	sand.u32 $0x1, s6;
	s17 =	smul.u32 $0x280, s1  }
0x6: {  	[smem:$0x7FF] =	sst s3;
	s15 =	sadd.s32 $0x56C00, s5;
	s12 =	smul.u32 $0x50000, s10  }
0x7: {  	s16 =	sadd.s32 $0x6AC00, s5;
	p0 =	seq.s32 s1, $0xF;
	s13 =	smul.u32 $0x4E20, s10  }
0x8: {  	_ =	strace $0x8000004D;
	s19 =	smul.u32 $0x271000, s10;
	s20 =	sshllo.u32 s10, $0x1  }
0x9: {  	s24 =	ssub.s32 $0x2, s10;
	s4 =	sshrl.u32 s14, $0x3;
	s21 =	smul.u32 $0x28000, s20  }
0xa: {  	s7 =	sshrl.u32 s24, $0x1;
	s6 =	sshrl.u32 s23, $0x2;
	s28 =	smul.u32 $0x2710, s20  }
0xb: {  	s20 =	smul.u32 $0x138800, s20;
	s11 =	sadd.s32 s4, s5;
	s4 =	sadd.s32 $0x1A3400, s5  }
0xc: {  	s18 =	ssub.s32 s24, s7;
	s5 =	sadd.s32 s6, s2;
	s12 =	sadd.s32 s14, s12  }
0xd: {  	s25 =	sadd.s32 s17, s13;
	s26 =	sshrl.u32 s19, $0x3;
	s19 =	simm.s32 $0x2  }
0xe: {  	s6 =	sadd.s32 $0x4000, s5;
	s7 =	sadd.s32 $0x8000, s5;
	s8 =	sadd.s32 $0xC000, s5  }
0xf: {  	s9 =	sadd.s32 $0x10000, s5;
	s12 =	sshrl.u32 s12, $0x3;
	s11 =	sadd.s32 $0x1C00, s11  }
0x10: {  	s13 =	sadd.s32 s16, s26;
	s14 =	sadd.s32 s14, s21;
	s17 =	sadd.s32 s17, s28  }
0x11: {  	s29 =	sshrl.u32 s20, $0x3;
	s20 =	simm.s32 $0x2800;
	s21 =	simm.s32 $0x80  }
0x12: {  	s10 =	sadd.s32 s15, s12;
	s12 =	sshll.u32 s25, $0x4;
	s13 =	sadd.s32 $0x25800, s13  }
0x13: {  	s14 =	sshrl.u32 s14, $0x3;
	s30 =	sshll.u32 s17, $0x4;
	s31 =	sadd.s32 s16, s29  }
0x14: {  	s17 =	smax.u32 s18, $0x1;
	s18 =	simm.s32 $0x5000;
	s12 =	sadd.s32 s16, s12  }
0x15: {  	v0 =	vimm.f32 $0.0e+00;
	s14 =	sadd.s32 s15, s14;
	s15 =	sadd.s32 s16, s30;
	s16 =	sadd.s32 $0x25800, s31  }
.LBB2_1:
0x16: {  	s23 =	simm.s32 $0x0;
	s24 =	simm.s32 $0x200  }
.LBB2_2:
0x17: {  	p1 =	sne.s32 s24, $0xFE00;
	[tilespmem:s23+$0x5070] =	vst v0  }
0x18: {  	[tilespmem:s23+$0x5000] =	vst v0  }
0x19: {  	[tilespmem:s23+$0x5010] =	vst v0  }
.Ltmp0:
0x1a: {  	[tilespmem:s23+$0x5020] =	vst v0;
	(pc) =	sbr.rel @p1 .LBB2_2-.Ltmp0, $4  }
0x1b: {  	[tilespmem:s23+$0x5030] =	vst v0  }
0x1c: {  	[tilespmem:s23+$0x5040] =	vst v0  }
0x1d: {  	[tilespmem:s23+$0x5050] =	vst v0  }
0x1e: {  	[tilespmem:s23+$0x5060] =	vst v0;
	s23 =	sshra.s32 s24, $0x2;
	s24 =	sadd.s32 $0x200, s24  }
0x1f: {  	[tilespmem:s23+$0x5070] =	vst v0  }
0x20: {  	[tilespmem:s23+$0x5000] =	vst v0  }
0x21: {  	[tilespmem:s23+$0x5010] =	vst v0  }
0x22: {  	[tilespmem:s23+$0x5020] =	vst v0  }
0x23: {  	[tilespmem:s23+$0x5030] =	vst v0  }
0x24: {  	[tilespmem:s23+$0x5040] =	vst v0  }
0x25: {  	[tilespmem:s23+$0x5050] =	vst v0  }
0x26: {  	[tilespmem:s23+$0x5060] =	vst v0  }
0x27: {  	[spmem:s5] =	stream.linear.scatter [tilespmem:s18], [sflag:$0x2], $0x4000, $0x38;
	[tilespmem:$0x1D000] =	vst v63  }
0x28: {  	_ =	swait.ge [sflag:s19], $0x4000  }
0x29: {  	[sflag:s19] =	ssyncset.done $0x0  }
0x2a: {  	[sflag:s19] =	ssyncadd.s32 $0xFFFFC000  }
0x2b: {  	[spmem:s6] =	stream.linear.scatter [tilespmem:s18], [sflag:$0x2], $0x4000, $0x38;
	[tilespmem:$0x1D000] =	vst v63  }
0x2c: {  	_ =	swait.ge [sflag:s19], $0x4000  }
0x2d: {  	[sflag:s19] =	ssyncset.done $0x0  }
0x2e: {  	[sflag:s19] =	ssyncadd.s32 $0xFFFFC000  }
0x2f: {  	[spmem:s7] =	stream.linear.scatter [tilespmem:s18], [sflag:$0x2], $0x4000, $0x38;
	[tilespmem:$0x1D000] =	vst v63  }
0x30: {  	_ =	swait.ge [sflag:s19], $0x4000  }
0x31: {  	[sflag:s19] =	ssyncset.done $0x0  }
0x32: {  	[sflag:s19] =	ssyncadd.s32 $0xFFFFC000  }
0x33: {  	[spmem:s8] =	stream.linear.scatter [tilespmem:s18], [sflag:$0x2], $0x4000, $0x38;
	[tilespmem:$0x1D000] =	vst v63  }
0x34: {  	_ =	swait.ge [sflag:s19], $0x4000  }
0x35: {  	[sflag:s19] =	ssyncset.done $0x0  }
0x36: {  	[sflag:s19] =	ssyncadd.s32 $0xFFFFC000  }
0x37: {  	[spmem:s9] =	stream.linear.scatter [tilespmem:s18], [sflag:$0x2], $0x4000, $0x38;
	[tilespmem:$0x1D000] =	vst v63  }
0x38: {  	_ =	swait.ge [sflag:s19], $0x4000  }
0x39: {  	[sflag:s19] =	ssyncset.done $0x0  }
0x3a: {  	[sflag:s19] =	ssyncadd.s32 $0xFFFFC000  }
0x3b: {  	s29 =	simm.s32 $0x0;
	[bflag:$0x0] =	sbarrier.arrive $0xFFFF  }
0x3c: {  	[tilespmem:s29], [sflag:$0x2] =	stream.linear.gather [hbm4b:s10+s29], $0x2780, $0x38;
	[tilespmem:$0x1D000] =	vst v63  }
0x3d: {  	_ =	swait.ge [sflag:s19], $0x2780  }
0x3e: {  	[sflag:s19] =	ssyncset.done $0x0  }
0x3f: {  	[sflag:s19] =	ssyncadd.s32 $0xFFFFD880  }
0x40: {  	[tilespmem:s20], [sflag:$0x2] =	stream.linear.gather [hbm4b:s11+s29], $0x2780, $0x38;
	[tilespmem:$0x1D000] =	vst v63  }
0x41: {  	_ =	swait.ge [sflag:s19], $0x2780  }
0x42: {  	[sflag:s19] =	ssyncset.done $0x0  }
0x43: {  	s30 =	simm.s32 $0x0;
	[sflag:s19] =	ssyncadd.s32 $0xFFFFD880  }
0x44: {  	[tilespmem:s18], [sflag:$0x1] =	stream.indirect.gather [hbm4b:s4+s21], $0x80, s30, s21, $0xb8;
	[tilespmem:$0x1D000] =	vst v63  }
0x45: {  	_ =	swait.ge [sflag:s22], $0x4000  }
0x46: {  	[sflag:s22] =	ssyncset.done $0x0  }
0x47: {  	s31 =	simm.s32 $0x2800;
	[sflag:s22] =	ssyncadd.s32 $0xFFFFC000  }
0x48: {  	[spmem:s2] =	stream.indirect.scatter.add.f32 [tilespmem:s18], [sflag:$0x2], $0x80, s31, s21, $0xb8;
	[tilespmem:$0x1D000] =	vst v63  }
0x49: {  	_ =	swait.ge [sflag:s19], $0x4000  }
0x4a: {  	s23 =	simm.s32 $0x200;
	s24 =	simm.s32 $0x400;
	[sflag:s19] =	ssyncset.done $0x0  }
.LBB2_4:
0x4b: {  	s25 =	sshra.s32 s23, $0x2  }
0x4c: {  	[sflag:s19] =	ssyncadd.s32 $0xFFFFC000;
	s23 =	smov.u32 s24;
	s26 =	sadd.s32 $0x200, s24  }
0x4d: {  	[tilespmem:s18], [sflag:$0x1] =	stream.indirect.gather [hbm4b:s4+s21], $0x80, s25, s21, $0xb8;
	[tilespmem:$0x1D000] =	vst v63  }
0x4e: {  	p1 =	sne.s32 s24, $0x9C00;
	_ =	swait.ge [sflag:s22], $0x4000  }
.Ltmp1:
0x4f: {  	[sflag:s22] =	ssyncset.done $0x0;
	(pc) =	sbr.rel @p1 .LBB2_4-.Ltmp1, $4  }
0x50: {  	s24 =	sadd.s32 $0x2800, s25;
	[sflag:s22] =	ssyncadd.s32 $0xFFFFC000  }
0x51: {  	[spmem:s2] =	stream.indirect.scatter.add.f32 [tilespmem:s18], [sflag:$0x2], $0x80, s24, s21, $0xb8;
	[tilespmem:$0x1D000] =	vst v63  }
0x52: {  	_ =	swait.ge [sflag:s19], $0x4000  }
0x53: {  	s24 =	smov.u32 s26;
	[sflag:s19] =	ssyncset.done $0x0  }
0x54: {  	s23 =	sshra.s32 s23, $0x2;
	[sflag:s19] =	ssyncadd.s32 $0xFFFFC000  }
0x55: {  	[tilespmem:s18], [sflag:$0x1] =	stream.indirect.gather [hbm4b:s4+s21], $0x80, s23, s21, $0xb8;
	[tilespmem:$0x1D000] =	vst v63  }
0x56: {  	_ =	swait.ge [sflag:s22], $0x4000  }
0x57: {  	[sflag:s22] =	ssyncset.done $0x0  }
0x58: {  	s23 =	sadd.s32 $0x2800, s23;
	[sflag:s22] =	ssyncadd.s32 $0xFFFFC000  }
0x59: {  	[spmem:s2] =	stream.indirect.scatter.add.f32 [tilespmem:s18], [sflag:$0x2], $0x80, s23, s21, $0xb8;
	[tilespmem:$0x1D000] =	vst v63  }
0x5a: {  	_ =	swait.ge [sflag:s19], $0x4000  }
0x5b: {  	[sflag:s19] =	ssyncset.done $0x0  }
0x5c: {  	[sflag:s19] =	ssyncadd.s32 $0xFFFFC000  }
0x5d: {  	s24 =	simm.s32 @p0 $0x1FC2;
	s23 =	sshrl.u32 @p0 s5, $0x3;
	[bflag:$0x0] =	sbarrier.arrive $0xFFFF  }
0x5e: {  	[hbm:s13], [sflag:s24] =	dma.local @p0 [spmem:s23], $0x1900  }
0x5f: {  	s24 =	simm.s32 @p0 $0x2  }
0x60: {  	_ =	swait.ge @p0 [sflag:s24], $0x1900  }
0x61: {  	s25 =	sshll.u32 @!p0 s1, $0x6;
	s26 =	simm.s32 @!p0 $0x2;
	[sflag:s24] =	ssyncset.done @p0 $0x0  }
0x62: {  	[sflag:s24] =	ssyncadd.s32 @p0 $0xFFFFE700;
	s24 =	sor.u32 @!p0 $0x1C02, s25;
	s25 =	sshrl.u32 @!p0 s5, $0x3  }
0x63: {  	[hbm:s12], [sflag:s24] =	dma.local @!p0 [spmem:s25], $0x2800  }
0x64: {  	_ =	swait.ge @!p0 [sflag:s26], $0x2800  }
0x65: {  	[sflag:s26] =	ssyncset.done @!p0 $0x0  }
0x66: {  	s28 =	simm.s32 $0x200;
	[sflag:s26] =	ssyncadd.s32 @!p0 $0xFFFFD800;
	s26 =	simm.s32 $0x0  }
.LBB2_6:
0x67: {  	p1 =	sne.s32 s28, $0xFE00;
	[tilespmem:s26+$0x5070] =	vst v0  }
0x68: {  	[tilespmem:s26+$0x5000] =	vst v0  }
0x69: {  	[tilespmem:s26+$0x5010] =	vst v0  }
.Ltmp2:
0x6a: {  	[tilespmem:s26+$0x5020] =	vst v0;
	(pc) =	sbr.rel @p1 .LBB2_6-.Ltmp2, $4  }
0x6b: {  	[tilespmem:s26+$0x5030] =	vst v0  }
0x6c: {  	[tilespmem:s26+$0x5040] =	vst v0  }
0x6d: {  	[tilespmem:s26+$0x5050] =	vst v0  }
0x6e: {  	[tilespmem:s26+$0x5060] =	vst v0;
	s26 =	sshra.s32 s28, $0x2;
	s28 =	sadd.s32 $0x200, s28  }
0x6f: {  	[tilespmem:s26+$0x5070] =	vst v0  }
0x70: {  	[tilespmem:s26+$0x5000] =	vst v0  }
0x71: {  	[tilespmem:s26+$0x5010] =	vst v0  }
0x72: {  	[tilespmem:s26+$0x5020] =	vst v0  }
0x73: {  	[tilespmem:s26+$0x5030] =	vst v0  }
0x74: {  	[tilespmem:s26+$0x5040] =	vst v0  }
0x75: {  	[tilespmem:s26+$0x5050] =	vst v0  }
0x76: {  	[tilespmem:s26+$0x5060] =	vst v0  }
0x77: {  	[spmem:s5] =	stream.linear.scatter [tilespmem:s18], [sflag:$0x2], $0x4000, $0x38;
	[tilespmem:$0x1D000] =	vst v63  }
0x78: {  	_ =	swait.ge [sflag:s19], $0x4000  }
0x79: {  	[sflag:s19] =	ssyncset.done $0x0  }
0x7a: {  	[sflag:s19] =	ssyncadd.s32 $0xFFFFC000  }
0x7b: {  	[spmem:s6] =	stream.linear.scatter [tilespmem:s18], [sflag:$0x2], $0x4000, $0x38;
	[tilespmem:$0x1D000] =	vst v63  }
0x7c: {  	_ =	swait.ge [sflag:s19], $0x4000  }
0x7d: {  	[sflag:s19] =	ssyncset.done $0x0  }
0x7e: {  	[sflag:s19] =	ssyncadd.s32 $0xFFFFC000  }
0x7f: {  	[spmem:s7] =	stream.linear.scatter [tilespmem:s18], [sflag:$0x2], $0x4000, $0x38;
	[tilespmem:$0x1D000] =	vst v63  }
0x80: {  	_ =	swait.ge [sflag:s19], $0x4000  }
0x81: {  	[sflag:s19] =	ssyncset.done $0x0  }
0x82: {  	[sflag:s19] =	ssyncadd.s32 $0xFFFFC000  }
0x83: {  	[spmem:s8] =	stream.linear.scatter [tilespmem:s18], [sflag:$0x2], $0x4000, $0x38;
	[tilespmem:$0x1D000] =	vst v63  }
0x84: {  	_ =	swait.ge [sflag:s19], $0x4000  }
0x85: {  	[sflag:s19] =	ssyncset.done $0x0  }
0x86: {  	[sflag:s19] =	ssyncadd.s32 $0xFFFFC000  }
0x87: {  	[spmem:s9] =	stream.linear.scatter [tilespmem:s18], [sflag:$0x2], $0x4000, $0x38;
	[tilespmem:$0x1D000] =	vst v63  }
0x88: {  	_ =	swait.ge [sflag:s19], $0x4000  }
0x89: {  	[sflag:s19] =	ssyncset.done $0x0  }
0x8a: {  	[sflag:s19] =	ssyncadd.s32 $0xFFFFC000  }
0x8b: {  	s29 =	simm.s32 $0x0;
	[bflag:$0x0] =	sbarrier.arrive $0xFFFF  }
0x8c: {  	[tilespmem:s29], [sflag:$0x2] =	stream.linear.gather [hbm4b:s14+s29], $0x2780, $0x38;
	[tilespmem:$0x1D000] =	vst v63  }
0x8d: {  	_ =	swait.ge [sflag:s19], $0x2780  }
0x8e: {  	[sflag:s19] =	ssyncset.done $0x0  }
0x8f: {  	[sflag:s19] =	ssyncadd.s32 $0xFFFFD880  }
0x90: {  	[tilespmem:s20], [sflag:$0x2] =	stream.linear.gather [hbm4b:s11+s29], $0x2780, $0x38;
	[tilespmem:$0x1D000] =	vst v63  }
0x91: {  	_ =	swait.ge [sflag:s19], $0x2780  }
0x92: {  	[sflag:s19] =	ssyncset.done $0x0  }
0x93: {  	s30 =	simm.s32 $0x0;
	[sflag:s19] =	ssyncadd.s32 $0xFFFFD880  }
0x94: {  	[tilespmem:s18], [sflag:$0x1] =	stream.indirect.gather [hbm4b:s4+s21], $0x80, s30, s21, $0xb8;
	[tilespmem:$0x1D000] =	vst v63  }
0x95: {  	_ =	swait.ge [sflag:s22], $0x4000  }
0x96: {  	[sflag:s22] =	ssyncset.done $0x0  }
0x97: {  	s31 =	simm.s32 $0x2800;
	[sflag:s22] =	ssyncadd.s32 $0xFFFFC000  }
0x98: {  	[spmem:s2] =	stream.indirect.scatter.add.f32 [tilespmem:s18], [sflag:$0x2], $0x80, s31, s21, $0xb8;
	[tilespmem:$0x1D000] =	vst v63  }
0x99: {  	_ =	swait.ge [sflag:s19], $0x4000  }
0x9a: {  	s26 =	simm.s32 $0x200;
	s28 =	simm.s32 $0x400;
	[sflag:s19] =	ssyncset.done $0x0  }
.LBB2_8:
0x9b: {  	s29 =	sshra.s32 s26, $0x2  }
0x9c: {  	[sflag:s19] =	ssyncadd.s32 $0xFFFFC000;
	s26 =	smov.u32 s28;
	s30 =	sadd.s32 $0x200, s28  }
0x9d: {  	[tilespmem:s18], [sflag:$0x1] =	stream.indirect.gather [hbm4b:s4+s21], $0x80, s29, s21, $0xb8;
	[tilespmem:$0x1D000] =	vst v63  }
0x9e: {  	p1 =	sne.s32 s28, $0x9C00;
	_ =	swait.ge [sflag:s22], $0x4000  }
.Ltmp3:
0x9f: {  	[sflag:s22] =	ssyncset.done $0x0;
	(pc) =	sbr.rel @p1 .LBB2_8-.Ltmp3, $4  }
0xa0: {  	s28 =	sadd.s32 $0x2800, s29;
	[sflag:s22] =	ssyncadd.s32 $0xFFFFC000  }
0xa1: {  	[spmem:s2] =	stream.indirect.scatter.add.f32 [tilespmem:s18], [sflag:$0x2], $0x80, s28, s21, $0xb8;
	[tilespmem:$0x1D000] =	vst v63  }
0xa2: {  	_ =	swait.ge [sflag:s19], $0x4000  }
0xa3: {  	s28 =	smov.u32 s30;
	[sflag:s19] =	ssyncset.done $0x0  }
0xa4: {  	s26 =	sshra.s32 s26, $0x2;
	[sflag:s19] =	ssyncadd.s32 $0xFFFFC000  }
0xa5: {  	[tilespmem:s18], [sflag:$0x1] =	stream.indirect.gather [hbm4b:s4+s21], $0x80, s26, s21, $0xb8;
	[tilespmem:$0x1D000] =	vst v63  }
0xa6: {  	_ =	swait.ge [sflag:s22], $0x4000  }
0xa7: {  	[sflag:s22] =	ssyncset.done $0x0  }
0xa8: {  	s26 =	sadd.s32 $0x2800, s26;
	[sflag:s22] =	ssyncadd.s32 $0xFFFFC000  }
0xa9: {  	[spmem:s2] =	stream.indirect.scatter.add.f32 [tilespmem:s18], [sflag:$0x2], $0x80, s26, s21, $0xb8;
	[tilespmem:$0x1D000] =	vst v63  }
0xaa: {  	_ =	swait.ge [sflag:s19], $0x4000  }
0xab: {  	[sflag:s19] =	ssyncset.done $0x0  }
0xac: {  	[sflag:s19] =	ssyncadd.s32 $0xFFFFC000  }
0xad: {  	s26 =	simm.s32 @p0 $0x1FC2;
	[bflag:$0x0] =	sbarrier.arrive $0xFFFF  }
0xae: {  	[hbm:s16], [sflag:s26] =	dma.local @p0 [spmem:s23], $0x1900  }
0xaf: {  	s23 =	simm.s32 @p0 $0x2  }
0xb0: {  	s3 =	sadd.s32 $0x1, s3;
	_ =	swait.ge @p0 [sflag:s23], $0x1900  }
0xb1: {  	p1 =	sne.s32 s3, s17;
	[sflag:s23] =	ssyncset.done @p0 $0x0  }
.Ltmp4:
0xb2: {  	[sflag:s23] =	ssyncadd.s32 @p0 $0xFFFFE700;
	s23 =	simm.s32 @!p0 $0x2;
	(pc) =	sbr.rel @p1 .LBB2_1-.Ltmp4, $4  }
0xb3: {  	[hbm:s15], [sflag:s24] =	dma.local @!p0 [spmem:s25], $0x2800  }
0xb4: {  	_ =	swait.ge @!p0 [sflag:s23], $0x2800  }
0xb5: {  	[sflag:s23] =	ssyncset.done @!p0 $0x0  }
0xb6: {  	[sflag:s23] =	ssyncadd.s32 @!p0 $0xFFFFD800  }
0xb7: {  	_ =	sfence.sel $0x180000  }
0xb8: {  	[bflag:$0x0] =	sbarrier.arrive $0xFFFF  }
0xb9: {  	p0 =	sne.s32 s1, $0x0;
	_ =	strace $0x9000004D  }
0xba: {  	s0 =	sadd.s32 @!p0 $0x100000, s0;
	[bflag:$0x2] =	sbarrier.arrive $0xFFFF  }
0xbb: {  	[sflag:s0] =	ssyncadd.tile.s32 @!p0 $0x1;
	_ =	shalt  }
.Lfunc_end2:
_tile_overlayer_lowered:
.L_overlay_start_2:
0xbc: {  	(tag) =	ssettag $0x2  }
0xbd: {  	s0 =	rddreg [dreg:$0x0];
	s2 =	stileid.u32  }
0xbe: {  	s1 =	rddreg [dreg:$0x1];
	p0 =	sne.s32 s2, $0x0  }
0xbf: {  	s3 =	rddreg [dreg:$0x2];
	[bflag:$0x3] =	sbarrier.arrive $0xFFFF;
	s2 =	simm.s32 @!p0 $0x1C02  }
0xc0: {  	[timem:s3], [sflag:s2] =	dma.local @!p0 [hbm:s0], s1  }
0xc1: {  	s0 =	simm.s32 @!p0 $0x2  }
0xc2: {  	_ =	swait.ge @!p0 [sflag:s0], s1  }
0xc3: {  	s1 =	ssub.s32 @!p0 $0x0, s1;
	[sflag:s0] =	ssyncset.done @!p0 $0x0  }
0xc4: {  	[sflag:s0] =	ssyncadd.s32 @!p0 s1  }
0xc5: {  	[bflag:$0x3] =	sbarrier.arrive $0xFFFF  }
0xc6: {  	_ =	shalt  }

// kernel: kernel.8.cloned.1.call-start
scs
__scs_entry_jumppad:
0x0: {  	(pc) =	sbr.rel $0x88, $3  }
0x1: {  	(tag) =	ssettag $0x0;
	lr =	simm.s32 $0x1  }
0x2: {  	[smem:$0x3F95] =	sst lr;
	_ =	strace $0xD0000000  }
0x3: {  	_ = 	snop  }
0x4: {  	_ = 	snop  }
0x5: {  	_ = 	snop  }
0x6: {  	_ = 	snop  }
0x7: {  	_ = 	snop  }
__scs_overlays_trampoline_lowered:
0x8: {  	[smem:$0x3FA4] =	sst s0  }
0x9: {  	[smem:$0x3FA5] =	sst s1  }
0xa: {  	[smem:$0x3FA6] =	sst s2  }
0xb: {  	[smem:$0x3FA7] =	sst s3  }
0xc: {  	[smem:$0x3FA8] =	sst s4  }
0xd: {  	[smem:$0x3FA9] =	sst s5  }
0xe: {  	[smem:$0x3FAA] =	sst s6  }
0xf: {  	[smem:$0x3FAB] =	sst s7  }
0x10: {  	[smem:$0x3FAC] =	sst s8  }
0x11: {  	[smem:$0x3FAD] =	sst s9;
	s0 =	simm.s32 @!p0 $0x0  }
0x12: {  	s1 =	sld [smem:$0x3F93];
	s0 =	simm.s32 @p0 $0x1  }
0x13: {  	[smem:$0x3FAE] =	sst s0;
	s0 =	simm.s32 @!p1 $0x0  }
0x14: {  	s2 =	sld [smem:$0x3F92];
	s0 =	simm.s32 @p1 $0x1  }
0x15: {  	[smem:$0x3FAF] =	sst s0;
	s0 =	simm.s32 @!p2 $0x0  }
0x16: {  	s3 =	sld [smem:$0x3FDB];
	s0 =	simm.s32 @p2 $0x1  }
0x17: {  	s4 =	simm.s32 $0x1BF5;
	[smem:$0x3FB1] =	sst s0  }
0x18: {  	s0 =	sld [smem:$0x3F94];
	_ =	swait.ge [sflag:s4], $0x0  }
0x19: {  	s7 =	sld [smem:$0x3F95]  }
0x1a: {  	s8 =	sadd.s32 $0xFFFFE003, lr  }
0x1b: {  	s9 =	sadd.s32 $0xFFFFFEF7, lr;
	s5 =	simm.s32 $0xFFFFFFFF;
	p2 =	slt.u32 s8, $0xFFFFF086  }
0x1c: {  	p1 =	slt.u32 s9, $0xF7A;
	s5 =	simm.s32 @!p2 $0x0  }
0x1d: {  	s5 =	simm.s32 @p1 $0x1;
	p0 =	seq.s32 s7, s2  }
0x1e: {  	s7 =	smul.u32 @!p0 $0xF7A, s2;
	p2 =	seq.s32 @!p0 s5, $0x0  }
0x1f: {  	s9 =	smul.u32 $0xF7A, s1;
	s8 =	simm.s32 @!p0 $0x1BF5;
	p2 =	por !p2, p0  }
0x20: {  	[sflag:s8] =	ssyncset.s32 @!p0 $0xFFFFF086;
	s6 =	sadd.s32 @!p0 s3, s7;
	s7 =	simm.s32 @!p0 $0x108  }
0x21: {  	s3 =	sadd.s32 s3, s9;
	s6 =	sadd.s32 @!p0 $0x88, s6;
	s7 =	simm.s32 @p2 $0x1082  }
0x22: {  	[simem:s7], [sflag:s8] =	dma.local @!p0 [hbm:s6], $0xF7A  }
0x23: {  	s9 =	sor.u32 $0xD0000000, s2;
	s6 =	simm.s32 $0x108;
	_ =	swait.ge @!p0 [sflag:s8], $0x0  }
0x24: {  	s3 =	sadd.s32 $0x88, s3;
	s6 =	simm.s32 @!p1 $0x1082;
	[sflag:s4] =	ssyncset.s32 $0xFFFFF086  }
0x25: {  	[simem:s6], [sflag:s4] =	dma.local [hbm:s3], $0xF7A  }
0x26: {  	[smem:$0x3F95] =	sst s1;
	(tag) =	ssettag s2;
	_ =	strace s9  }
0x27: {  	s1 =	sld [smem:$0x3FA5]  }
0x28: {  	s2 =	sld [smem:$0x3FA6]  }
0x29: {  	s4 =	sld [smem:$0x3FA8]  }
0x2a: {  	p0 =	seq.s32 s5, $0x0;
	s5 =	sld [smem:$0x3FA9]  }
0x2b: {  	s6 =	sld [smem:$0x3FAA]  }
0x2c: {  	s7 =	sld [smem:$0x3FAB]  }
0x2d: {  	s3 =	simm.s32 $0x108;
	s8 =	sld [smem:$0x3FAC]  }
0x2e: {  	s3 =	simm.s32 @!p0 $0x1082;
	s9 =	sld [smem:$0x3FAD]  }
0x2f: {  	lr =	sadd.s32 s0, s3;
	s0 =	sld [smem:$0x3FA4]  }
0x30: {  	s3 =	sld [smem:$0x3FA7]  }
0x31: {  	[smem:$0x3FB0] =	sst s10  }
0x32: {  	s10 =	sld [smem:$0x3FAE];
	_ =	sdelay $0x3  }
0x33: {  	p0 =	seq.s32 s10, $0x1;
	s10 =	sld [smem:$0x3FB0];
	_ =	sdelay $0x3  }
0x34: {  	[smem:$0x3FB0] =	sst s10  }
0x35: {  	s10 =	sld [smem:$0x3FAF];
	_ =	sdelay $0x3  }
0x36: {  	p1 =	seq.s32 s10, $0x1;
	s10 =	sld [smem:$0x3FB0];
	_ =	sdelay $0x3  }
0x37: {  	[smem:$0x3FB0] =	sst s10  }
0x38: {  	s10 =	sld [smem:$0x3FB1]  }
0x39: {  	_ = 	snop;
	(pc) =	sbr.ind lr, $3  }
0x3a: {  	_ = 	snop  }
0x3b: {  	_ = 	snop  }
0x3c: {  	p2 =	seq.s32 s10, $0x1;
	s10 =	sld [smem:$0x3FB0]  }
0x3d: {  	_ =	shalt  }
0x3e: {  	_ =	shalt  }
0x3f: {  	_ =	shalt  }
0x40: {  	_ =	shalt  }
0x41: {  	_ =	shalt  }
0x42: {  	_ =	shalt  }
0x43: {  	_ =	shalt  }
0x44: {  	_ =	shalt  }
0x45: {  	_ =	shalt  }
0x46: {  	_ =	shalt  }
0x47: {  	_ =	shalt  }
0x48: {  	_ =	shalt  }
0x49: {  	_ =	shalt  }
0x4a: {  	_ =	shalt  }
0x4b: {  	_ =	shalt  }
0x4c: {  	_ =	shalt  }
0x4d: {  	_ =	shalt  }
0x4e: {  	_ =	shalt  }
0x4f: {  	_ =	shalt  }
0x50: {  	_ =	shalt  }
0x51: {  	_ =	shalt  }
0x52: {  	_ =	shalt  }
0x53: {  	_ =	shalt  }
0x54: {  	_ =	shalt  }
0x55: {  	_ =	shalt  }
0x56: {  	_ =	shalt  }
0x57: {  	_ =	shalt  }
0x58: {  	_ =	shalt  }
0x59: {  	_ =	shalt  }
0x5a: {  	_ =	shalt  }
0x5b: {  	_ =	shalt  }
0x5c: {  	_ =	shalt  }
0x5d: {  	_ =	shalt  }
0x5e: {  	_ =	shalt  }
0x5f: {  	_ =	shalt  }
0x60: {  	_ =	shalt  }
0x61: {  	_ =	shalt  }
0x62: {  	_ =	shalt  }
0x63: {  	_ =	shalt  }
0x64: {  	_ =	shalt  }
0x65: {  	_ =	shalt  }
0x66: {  	_ =	shalt  }
0x67: {  	_ =	shalt  }
0x68: {  	_ =	shalt  }
0x69: {  	_ =	shalt  }
0x6a: {  	_ =	shalt  }
0x6b: {  	_ =	shalt  }
0x6c: {  	_ =	shalt  }
0x6d: {  	_ =	shalt  }
0x6e: {  	_ =	shalt  }
0x6f: {  	_ =	shalt  }
0x70: {  	_ =	shalt  }
0x71: {  	_ =	shalt  }
0x72: {  	_ =	shalt  }
0x73: {  	_ =	shalt  }
0x74: {  	_ =	shalt  }
0x75: {  	_ =	shalt  }
0x76: {  	_ =	shalt  }
0x77: {  	_ =	shalt  }
0x78: {  	_ =	shalt  }
0x79: {  	_ =	shalt  }
0x7a: {  	_ =	shalt  }
0x7b: {  	_ =	shalt  }
0x7c: {  	_ =	shalt  }
0x7d: {  	_ =	shalt  }
0x7e: {  	_ =	shalt  }
0x7f: {  	_ =	shalt  }
0x80: {  	_ =	shalt  }
0x81: {  	_ =	shalt  }
0x82: {  	_ =	shalt  }
0x83: {  	_ =	shalt  }
0x84: {  	_ =	shalt  }
0x85: {  	_ =	shalt  }
0x86: {  	_ =	shalt  }
0x87: {  	_ =	shalt  }
.Lfunc_end0:
.L_simem_size_0:
called_computation_lowered:
.L_overlay_start_0:
0x88: {  	s2 =	sld [smem:$0x3FD9]  }
0x89: {  	s3 =	sld [smem:$0x3FFE];
	_ =	sdelay $0x1  }
0x8a: {  	s1 =	srdreg.scid  }
0x8b: {  	s0 =	sand.u32 $0x1, s1  }
0x8c: {  	s16 =	sshll.u32 s0, $0xA;
	s2 =	sadd.s32 s3, s2  }
0x8d: {  	s2 =	sadd.s32 s2, s16  }
0x8e: {  	[smem:$0x3FBC] =	sst s2  }
0x8f: {  	_ = 	snop  }
0x90: {  	(tm) =	ssettm $0x1  }
0x91: {  	s17 =	sld [smem:$0x3FFB];
	_ =	sdelay $0x3  }
0x92: {  	_ =	strace s17  }
0x93: {  	s2 =	sld [smem:$0x3FFC];
	_ =	sdelay $0x3  }
0x94: {  	_ =	strace s2  }
0x95: {  	s2 =	sld [smem:$0x3FFD];
	_ =	sdelay $0x3  }
0x96: {  	_ =	strace s2  }
0x97: {  	_ =	strace $0x8FFFFFFF  }
0x98: {  	s18 =	sld [smem:$0x3FDB];
	_ =	sdelay $0x1  }
0x99: {  	s19 =	simm.s32 $_scs_section_size  }
0x9a: {  	s4 =	simm.s32 $_size__tile_overlayer_lowered;
	s5 =	simm.s32 $_tile_overlayer_lowered  }
0x9b: {  	s22 =	simm.s32 $0x1BFF;
	s21 =	sshll.u32 s5, $0x1;
	s2 =	sadd.s32 s19, s18  }
0x9c: {  	s6 =	simm.s32 $0x0;
	s20 =	sshll.u32 s4, $0x1;
	s4 =	sadd.s32 s21, s2  }
0x9d: {  	[timem:s6], [sflag:s22] =	dma.local [hbm:s4], s20  }
0x9e: {  	_ =	swait.ge [sflag:s22], s20  }
0x9f: {  	s3 =	ssub.s32 $0x0, s20;
	[sflag:s22] =	ssyncset.done $0x0  }
0xa0: {  	[sflag:s22] =	ssyncadd.s32 s3;
	_ =	sdelay $0x1  }
0xa1: {  	s23 =	simm.s32 $0x1B8B  }
0xa2: {  	_ =	swait.ge [sflag:s23], $0x1  }
0xa3: {  	[sflag:s23] =	ssyncset.done $0x0  }
0xa4: {  	s25 =	simm.s32 $0x1B8E;
	s24 =	sld [smem:$0x3FFE];
	[sflag:s23] =	ssyncadd.s32 $0xFFFFFFFF  }
0xa5: {  	s26 =	simm.s32 $execute0_lowered;
	[smem:$0x3FD2] =	sst s25  }
0xa6: {  	s4 =	sshll.u32 s26, $0x1;
	_ =	strace $0x80000046;
	[dreg:$0x1] =	wrdreg $0xFFFFFFFF  }
0xa7: {  	s28 =	simm.s32 $_size_execute0_lowered;
	s2 =	sadd.s32 s2, s4;
	[dreg:$0x0] =	wrdreg $0x0  }
0xa8: {  	s4 =	sshll.u32 s28, $0x1;
	[dreg:$0x2] =	wrdreg s2  }
0xa9: {  	[dreg:$0x3] =	wrdreg s4  }
0xaa: {  	[dreg:$0x4] =	wrdreg $0xC0  }
0xab: {  	_ =	task [dreg:s6], $0x5FFFF  }
0xac: {  	[dreg:$0x1] =	wrdreg $0xFFFFFFFF  }
0xad: {  	[dreg:$0x0] =	wrdreg $0x60  }
0xae: {  	[dreg:$0x2] =	wrdreg s24  }
0xaf: {  	[dreg:$0x3] =	wrdreg $0xA8000  }
0xb0: {  	[dreg:$0x4] =	wrdreg $0x9  }
0xb1: {  	_ =	task.clear_ibuf [dreg:s6], $0x5FFFF;
	_ =	strace $0x90000046  }
0xb2: {  	s29 =	simm.s32 $0x9;
	_ =	strace $0x80000048  }
0xb3: {  	_ =	swait.ge [sflag:s29], $0x1  }
0xb4: {  	[sflag:s29] =	ssyncadd.s32 $0xFFFFFFFF  }
0xb5: {  	_ =	strace $0x90000048  }
0xb6: {  	_ =	sfence  }
0xb7: {  	s30 =	sld [smem:$0x0];
	_ =	sdelay $0x2  }
0xb8: {  	s31 =	sshll.u32 s1, $0xD;
	s1 =	sshrl.u32 s1, $0x2  }
0xb9: {  	s3 =	sand.u32 $0x4000, s31;
	s1 =	sadd.s32 s1, s30  }
0xba: {  	s0 =	sor.u32 s3, s0;
	s1 =	sshll.u32 s1, $0x11  }
0xbb: {  	s0 =	sor.u32 s1, s0  }
0xbc: {  	s0 =	sadd.s32 $0x8F2B, s0  }
0xbd: {  	[sflag:s0] =	ssyncadd.remote.s32 $0x1  }
0xbe: {  	_ =	sfence.sel $0xFFFF  }
0xbf: {  	[dreg:$0x0] =	wrdreg $0xFFFFFFFF;
	(pc) =	sbr.abs _section_cstart, $3  }
0xc0: {  	[dreg:$0x1] =	wrdreg $0xFFFFFFFF  }
0xc1: {  	_ =	task.clear_ibuf [dreg:s6], $0x2FFFF;
	_ =	strace $0x9FFFFFFF  }
0xc2: {  	(tm) =	ssettm $0x7FFFFFFF  }
0xc3: {  	_ =	shalt  }
tec
execute0_lowered:
.L_overlay_start_1:
0x0: {  	(tag) =	ssettag $0x1  }
0x1: {  	s4 =	rddreg [dreg:$0x0]  }
0x2: {  	s2 =	rddreg [dreg:$0x1];
	s1 =	stileid.u32  }
0x3: {  	s0 =	rddreg [dreg:$0x2];
	s6 =	smul.u32 $0x500, s1  }
0x4: {  	s5 =	srdreg.scid;
	s7 =	smul.u32 $0x50000, s1  }
0x5: {  	s3 =	simm.s32 $0x0;
	s16 =	sand.u32 $0x1, s5;
	s10 =	smul.u32 $0x14000, s1  }
0x6: {  	s21 =	simm.s32 $0x2800;
	s22 =	simm.s32 $0x0;
	s18 =	smul.u32 $0x140000, s16  }
0x7: {  	[smem:$0x7FF] =	sst s3;
	s14 =	sadd.s32 $0x6C00, s4;
	s19 =	smul.u32 $0x27, s16  }
0x8: {  	_ =	strace $0x80000047;
	s5 =	ssub.s32 $0x2, s16;
	s20 =	smul.u32 $0x28, s16  }
0x9: {  	s31 =	smul.u32 $0x5000, s16;
	s16 =	ssub.s32 $0x28, s16;
	s9 =	sadd.s32 s6, s4  }
0xa: {  	s29 =	sshrl.u32 s5, $0x1;
	s30 =	sshrl.u32 s7, $0x2;
	s11 =	sadd.s32 $0x4000, s10  }
0xb: {  	s12 =	sadd.s32 $0x8000, s10;
	s13 =	sadd.s32 $0xC000, s10;
	s17 =	sadd.s32 $0x10000, s10  }
0xc: {  	s15 =	ssub.s32 s5, s29;
	s4 =	sadd.s32 s30, s2;
	s5 =	sadd.s32 s11, s2  }
0xd: {  	s6 =	sadd.s32 s12, s2;
	s7 =	sadd.s32 s13, s2;
	s8 =	sadd.s32 s17, s2  }
0xe: {  	s9 =	sadd.s32 $0x1C00, s9;
	s10 =	sadd.s32 s10, s18;
	s11 =	sadd.s32 s18, s11  }
0xf: {  	s19 =	sadd.s32 $0x28, s19;
	s12 =	sadd.s32 s18, s12;
	s13 =	sadd.s32 s18, s13  }
0x10: {  	s17 =	sadd.s32 s18, s17;
	s18 =	simm.s32 $0x6800;
	s10 =	sshrl.u32 s10, $0x3  }
.Ltmp0:
0x11: {  	s11 =	sshrl.u32 s11, $0x3;
	s12 =	sshrl.u32 s12, $0x3;
	(pc) =	sbr.rel .LBB2_1-.Ltmp0, $4  }
0x12: {  	s13 =	sshrl.u32 s13, $0x3;
	s17 =	sshrl.u32 s17, $0x3;
	s15 =	smax.u32 s15, $0x1  }
0x13: {  	p0 =	sge.u32 s20, s19;
	s19 =	simm.s32 $0x1;
	s20 =	simm.s32 $0x80  }
0x14: {  	s10 =	sadd.s32 s14, s10;
	s11 =	sadd.s32 s14, s11;
	s12 =	sadd.s32 s14, s12  }
0x15: {  	v0 =	vimm.f32 $1.000000000e+00;
	v1 =	vimm.f32 $0.0e+00;
	s13 =	sadd.s32 s14, s13;
	s14 =	sadd.s32 s14, s17;
	s17 =	sshrl.u32 s31, $0x2  }
.LBB2_6:
0x16: {  	[sflag:s19] =	ssyncadd.s32 $0xFFFFC000  }
.LBB2_7:
0x17: {  	s23 =	sshll.u32 s1, $0x6  }
0x18: {  	[bflag:$0x0] =	sbarrier.arrive $0xFFFF;
	s24 =	sshrl.u32 s4, $0x3;
	s23 =	sor.u32 $0x1C01, s23  }
0x19: {  	[hbm:s10], [sflag:s23] =	dma.local [spmem:s24], $0x800  }
0x1a: {  	_ =	swait.ge [sflag:s19], $0x800  }
0x1b: {  	[sflag:s19] =	ssyncset.done $0x0  }
0x1c: {  	s28 =	sshrl.u32 s5, $0x3;
	[sflag:s19] =	ssyncadd.s32 $0xFFFFF800  }
0x1d: {  	[hbm:s11], [sflag:s23] =	dma.local [spmem:s28], $0x800  }
0x1e: {  	_ =	swait.ge [sflag:s19], $0x800  }
0x1f: {  	[sflag:s19] =	ssyncset.done $0x0  }
0x20: {  	s29 =	sshrl.u32 s6, $0x3;
	[sflag:s19] =	ssyncadd.s32 $0xFFFFF800  }
0x21: {  	[hbm:s12], [sflag:s23] =	dma.local [spmem:s29], $0x800  }
0x22: {  	_ =	swait.ge [sflag:s19], $0x800  }
0x23: {  	[sflag:s19] =	ssyncset.done $0x0  }
0x24: {  	s30 =	sshrl.u32 s7, $0x3;
	[sflag:s19] =	ssyncadd.s32 $0xFFFFF800  }
0x25: {  	[hbm:s13], [sflag:s23] =	dma.local [spmem:s30], $0x800  }
0x26: {  	s22 =	sadd.s32 $0x1, s22;
	_ =	swait.ge [sflag:s19], $0x800  }
0x27: {  	p1 =	sne.s32 s22, s15;
	[sflag:s19] =	ssyncset.done $0x0  }
.Ltmp1:
0x28: {  	s31 =	sshrl.u32 s8, $0x3;
	[sflag:s19] =	ssyncadd.s32 $0xFFFFF800;
	(pc) =	sbr.rel @!p1 .LBB2_8-.Ltmp1, $4  }
0x29: {  	[hbm:s14], [sflag:s23] =	dma.local [spmem:s31], $0x800  }
0x2a: {  	_ =	swait.ge [sflag:s19], $0x800  }
0x2b: {  	[sflag:s19] =	ssyncset.done $0x0  }
0x2c: {  	[sflag:s19] =	ssyncadd.s32 $0xFFFFF800  }
.LBB2_1:
0x2d: {  	s23 =	simm.s32 $0x0;
	s24 =	simm.s32 $0x200  }
.LBB2_2:
0x2e: {  	p1 =	sne.s32 s24, $0xFE00;
	[tilespmem:s23+$0x6870] =	vst v1  }
0x2f: {  	[tilespmem:s23+$0x2800] =	vst v0  }
0x30: {  	[tilespmem:s23+$0x6800] =	vst v1  }
0x31: {  	[tilespmem:s23+$0x2810] =	vst v0  }
0x32: {  	[tilespmem:s23+$0x6810] =	vst v1  }
0x33: {  	[tilespmem:s23+$0x2820] =	vst v0  }
0x34: {  	[tilespmem:s23+$0x6820] =	vst v1  }
0x35: {  	[tilespmem:s23+$0x2830] =	vst v0  }
0x36: {  	[tilespmem:s23+$0x6830] =	vst v1  }
0x37: {  	[tilespmem:s23+$0x2840] =	vst v0  }
0x38: {  	[tilespmem:s23+$0x6840] =	vst v1  }
.Ltmp2:
0x39: {  	[tilespmem:s23+$0x2850] =	vst v0;
	(pc) =	sbr.rel @p1 .LBB2_2-.Ltmp2, $4  }
0x3a: {  	[tilespmem:s23+$0x6850] =	vst v1  }
0x3b: {  	[tilespmem:s23+$0x2860] =	vst v0  }
0x3c: {  	[tilespmem:s23+$0x6860] =	vst v1  }
0x3d: {  	[tilespmem:s23+$0x2870] =	vst v0;
	s23 =	sshra.s32 s24, $0x2;
	s24 =	sadd.s32 $0x200, s24  }
0x3e: {  	[tilespmem:s23+$0x6870] =	vst v1  }
0x3f: {  	[tilespmem:s23+$0x2800] =	vst v0  }
0x40: {  	[tilespmem:s23+$0x6800] =	vst v1  }
0x41: {  	[tilespmem:s23+$0x2810] =	vst v0  }
0x42: {  	[tilespmem:s23+$0x6810] =	vst v1  }
0x43: {  	[tilespmem:s23+$0x2820] =	vst v0  }
0x44: {  	[tilespmem:s23+$0x6820] =	vst v1  }
0x45: {  	[tilespmem:s23+$0x2830] =	vst v0  }
0x46: {  	[tilespmem:s23+$0x6830] =	vst v1  }
0x47: {  	[tilespmem:s23+$0x2840] =	vst v0  }
0x48: {  	[tilespmem:s23+$0x6840] =	vst v1  }
0x49: {  	[tilespmem:s23+$0x2850] =	vst v0  }
0x4a: {  	[tilespmem:s23+$0x6850] =	vst v1  }
0x4b: {  	[tilespmem:s23+$0x2860] =	vst v0  }
0x4c: {  	[tilespmem:s23+$0x6860] =	vst v1  }
0x4d: {  	[tilespmem:s23+$0x2870] =	vst v0  }
0x4e: {  	[spmem:s4] =	stream.linear.scatter [tilespmem:s18], [sflag:$0x1], $0x4000, $0x38;
	[tilespmem:$0x1E800] =	vst v63  }
0x4f: {  	_ =	swait.ge [sflag:s19], $0x4000  }
0x50: {  	[sflag:s19] =	ssyncset.done $0x0  }
0x51: {  	[sflag:s19] =	ssyncadd.s32 $0xFFFFC000  }
0x52: {  	[spmem:s5] =	stream.linear.scatter [tilespmem:s18], [sflag:$0x1], $0x4000, $0x38;
	[tilespmem:$0x1E800] =	vst v63  }
0x53: {  	_ =	swait.ge [sflag:s19], $0x4000  }
0x54: {  	[sflag:s19] =	ssyncset.done $0x0  }
0x55: {  	[sflag:s19] =	ssyncadd.s32 $0xFFFFC000  }
0x56: {  	[spmem:s6] =	stream.linear.scatter [tilespmem:s18], [sflag:$0x1], $0x4000, $0x38;
	[tilespmem:$0x1E800] =	vst v63  }
0x57: {  	_ =	swait.ge [sflag:s19], $0x4000  }
0x58: {  	[sflag:s19] =	ssyncset.done $0x0  }
0x59: {  	[sflag:s19] =	ssyncadd.s32 $0xFFFFC000  }
0x5a: {  	[spmem:s7] =	stream.linear.scatter [tilespmem:s18], [sflag:$0x1], $0x4000, $0x38;
	[tilespmem:$0x1E800] =	vst v63  }
0x5b: {  	_ =	swait.ge [sflag:s19], $0x4000  }
0x5c: {  	[sflag:s19] =	ssyncset.done $0x0  }
0x5d: {  	[sflag:s19] =	ssyncadd.s32 $0xFFFFC000  }
0x5e: {  	[spmem:s8] =	stream.linear.scatter [tilespmem:s18], [sflag:$0x1], $0x4000, $0x38;
	[tilespmem:$0x1E800] =	vst v63  }
0x5f: {  	_ =	swait.ge [sflag:s19], $0x4000  }
0x60: {  	[sflag:s19] =	ssyncset.done $0x0  }
0x61: {  	[sflag:s19] =	ssyncadd.s32 $0xFFFFC000  }
.Ltmp3:
0x62: {  	[bflag:$0x0] =	sbarrier.arrive $0xFFFF;
	(pc) =	sbr.rel @p0 .LBB2_7-.Ltmp3, $4  }
0x63: {  	[tilespmem:s3], [sflag:$0x1] =	stream.linear.gather [hbm4b:s9+s3], $0x2780, $0x38;
	[tilespmem:$0x1E800] =	vst v63  }
0x64: {  	_ =	swait.ge [sflag:s19], $0x2780  }
0x65: {  	[sflag:s19] =	ssyncset.done $0x0  }
0x66: {  	[sflag:s19] =	ssyncadd.s32 $0xFFFFD880  }
0x67: {  	p1 =	sne.s32 s16, $0x1  }
.Ltmp4:
0x68: {  	_ = 	snop;
	(pc) =	sbr.rel @!p1 .LBB2_6-.Ltmp4, $4  }
0x69: {  	_ = 	snop  }
0x6a: {  	[spmem:s2] =	stream.indirect.scatter.add.f32 [tilespmem:s21], [sflag:$0x1], $0x80, s17, s20, $0xb8;
	[tilespmem:$0x1E800] =	vst v63  }
0x6b: {  	_ =	swait.ge [sflag:s19], $0x4000  }
0x6c: {  	s23 =	sadd.s32 $0xFFFFFFFF, s16;
	s24 =	smov.u32 s17;
	[sflag:s19] =	ssyncset.done $0x0  }
.LBB2_5:
0x6d: {  	p1 =	sne.s32 s23, $0x1;
	[sflag:s19] =	ssyncadd.s32 $0xFFFFC000;
	s24 =	sadd.s32 $0x80, s24  }
.Ltmp5:
0x6e: {  	s23 =	sadd.s32 $0xFFFFFFFF, s23;
	(pc) =	sbr.rel @p1 .LBB2_5-.Ltmp5, $4  }
0x6f: {  	_ = 	snop  }
0x70: {  	[spmem:s2] =	stream.indirect.scatter.add.f32 [tilespmem:s21], [sflag:$0x1], $0x80, s24, s20, $0xb8;
	[tilespmem:$0x1E800] =	vst v63  }
0x71: {  	_ =	swait.ge [sflag:s19], $0x4000  }
0x72: {  	[sflag:s19] =	ssyncset.done $0x0  }
.Ltmp6:
0x73: {  	_ = 	snop;
	(pc) =	sbr.rel .LBB2_6-.Ltmp6, $1  }
0x74: {  	_ =	sdelay $0x3  }
.LBB2_8:
0x75: {  	_ =	sfence.sel $0x180000  }
0x76: {  	[bflag:$0x0] =	sbarrier.arrive $0xFFFF  }
0x77: {  	p0 =	sne.s32 s1, $0x0;
	_ =	strace $0x90000047  }
0x78: {  	s0 =	sadd.s32 @!p0 $0x100000, s0;
	[bflag:$0x2] =	sbarrier.arrive $0xFFFF  }
0x79: {  	[sflag:s0] =	ssyncadd.tile.s32 @!p0 $0x1;
	_ =	shalt  }
.Lfunc_end2:
_tile_overlayer_lowered:
.L_overlay_start_2:
0x7a: {  	(tag) =	ssettag $0x2  }
0x7b: {  	s0 =	rddreg [dreg:$0x0];
	s2 =	stileid.u32  }
0x7c: {  	s1 =	rddreg [dreg:$0x1];
	p0 =	sne.s32 s2, $0x0  }
0x7d: {  	s3 =	rddreg [dreg:$0x2];
	[bflag:$0x3] =	sbarrier.arrive $0xFFFF;
	s2 =	simm.s32 @!p0 $0x1C01  }
0x7e: {  	[timem:s3], [sflag:s2] =	dma.local @!p0 [hbm:s0], s1  }
0x7f: {  	s0 =	simm.s32 @!p0 $0x1  }
0x80: {  	_ =	swait.ge @!p0 [sflag:s0], s1  }
0x81: {  	s1 =	ssub.s32 @!p0 $0x0, s1;
	[sflag:s0] =	ssyncset.done @!p0 $0x0  }
0x82: {  	[sflag:s0] =	ssyncadd.s32 @!p0 s1  }
0x83: {  	[bflag:$0x3] =	sbarrier.arrive $0xFFFF  }
0x84: {  	_ =	shalt  }

</sc_bundles>
